<compile_context>
chip_gen: v7x
topology: tpu7x:2x2x1
jax: 0.10.2.dev20260603
libtpu: 0.0.44.dev20260713+nightly
codegen_flags: <defaults>
</compile_context>

<pallas_src>
import functools

import jax
import jax.numpy as jnp
from jax import lax
from jax.experimental import pallas as pl
from jax.experimental.pallas import tpu as pltpu
from jax.experimental.pallas import tpu_sc as plsc

N, D = 16384, 512

SC_ROWS = 4096
TC_ROWS = N - SC_ROWS

NC, NS, L = 2, 16, 16
NW = NC * NS
ROWS_W = SC_ROWS // NW
CR = 32
NCHUNK = ROWS_W // CR
NACC = 8

_mesh = plsc.VectorSubcoreMesh(
    core_axis_name="c", subcore_axis_name="s", num_cores=NC, num_subcores=NS
)


@functools.partial(
    pl.kernel,
    out_type=jax.ShapeDtypeStruct((NW, L), jnp.float32),
    mesh=_mesh,
    scratch_types=[
        pltpu.VMEM((2, CR, D), jnp.float32),
        pltpu.VMEM((2, CR, D), jnp.float32),
        pltpu.VMEM((L,), jnp.float32),
        pltpu.SemaphoreType.DMA,
        pltpu.SemaphoreType.DMA,
    ],
    compiler_params=pltpu.CompilerParams(use_tc_tiling_on_sc=True),
    cost_estimate=pl.CostEstimate(
        flops=3 * SC_ROWS * D,
        bytes_accessed=2 * 4 * SC_ROWS * D,
        transcendentals=0,
    ),
)
def _sc_sse(pred_hbm, true_hbm, out_hbm, pbuf, tbuf, accv, sem0, sem1):
    wid = lax.axis_index("s") * NC + lax.axis_index("c")
    base = wid * ROWS_W
    sems = (sem0, sem1)

    def start(k):
        slot = k % 2
        row0 = base + k * CR
        cp = pltpu.async_copy(
            pred_hbm.at[pl.ds(row0, CR), :], pbuf.at[slot], sems[slot]
        )
        ct = pltpu.async_copy(
            true_hbm.at[pl.ds(row0, CR), :], tbuf.at[slot], sems[slot]
        )
        return cp, ct

    inflight = start(0)
    accs = tuple(jnp.zeros((L,), jnp.float32) for _ in range(NACC))
    for k in range(NCHUNK):
        slot = k % 2
        cp, ct = inflight
        cp.wait()
        ct.wait()
        if k + 1 < NCHUNK:
            inflight = start(k + 1)

        def body(r, a):
            a = list(a)
            for t in range(D // L):
                d = pbuf[slot, r, pl.ds(t * L, L)] - tbuf[slot, r, pl.ds(t * L, L)]
                a[t % NACC] = a[t % NACC] + d * d
            return tuple(a)

        accs = plsc.parallel_loop(0, CR, carry=accs)(body)

    acc = accs[0]
    for t in range(1, NACC):
        acc = acc + accs[t]
    accv[...] = acc
    pltpu.sync_copy(accv, out_hbm.at[wid])


BLOCK_ROWS = 2048
TC_GRID = TC_ROWS // BLOCK_ROWS
TC_BLOCK0 = SC_ROWS // BLOCK_ROWS


def _tc_sse(pred_ref, true_ref, out_ref, acc_ref):
    i = pl.program_id(0)

    @pl.when(i == 0)
    def _():
        acc_ref[...] = jnp.zeros_like(acc_ref)

    d = pred_ref[...] - true_ref[...]
    acc_ref[...] += jnp.sum(d * d, axis=0, keepdims=True)

    @pl.when(i == TC_GRID - 1)
    def _():
        out_ref[...] = jnp.sum(acc_ref[...]).reshape(1, 1)


def kernel(y_pred, y_true):
    tc_total = pl.pallas_call(
        _tc_sse,
        grid=(TC_GRID,),
        in_specs=[
            pl.BlockSpec((BLOCK_ROWS, D), lambda i: (i + TC_BLOCK0, 0)),
            pl.BlockSpec((BLOCK_ROWS, D), lambda i: (i + TC_BLOCK0, 0)),
        ],
        out_specs=pl.BlockSpec((1, 1), lambda i: (0, 0)),
        out_shape=jax.ShapeDtypeStruct((1, 1), jnp.float32),
        scratch_shapes=[pltpu.VMEM((1, D), jnp.float32)],
        compiler_params=pltpu.CompilerParams(skip_device_barrier=True),
    )(y_pred, y_true)
    sc_partials = _sc_sse(y_pred, y_true)
    return (jnp.sum(sc_partials) + tc_total[0, 0]) / N

# --- scband reference (transcript-rebuilt; emitter-appended) ---
"""Pipeline reference for scband-gmmweighted-loss-4123168604666 (READ-ONLY COPY).

The authoritative reference and input builder live on the scoring server;
editing this copy changes nothing except your own understanding.
"""

import jax, jax.numpy as jnp
import numpy as np


def setup_inputs(seed: int = 0) -> dict:
    key = jax.random.key(seed)
    k1, k2 = jax.random.split(key)
    y_pred = jax.random.normal(k1, (16384, 512), dtype=jnp.float32)
    y_true = jax.random.normal(k2, (16384, 512), dtype=jnp.float32)
    return {"y_pred": y_pred, "y_true": y_true}


def reference(y_pred, y_true):
    # Faithful translation of _GMMWeightedLoss.forward in its default state:
    # loss_enabled is False at construction, so the forward path is
    #   sample_loss = mse_loss(y_pred, y_true, reduction='none').sum(dim=1)
    #   return sample_loss.mean()
    sample_loss = jnp.sum((y_pred - y_true) ** 2, axis=1)
    return jnp.mean(sample_loss)

if __name__ == "__main__":
    import jax
    _d = setup_inputs()
    print(jax.jit(kernel)(*tuple(_d.values())))

</pallas_src>

<mosaic_0001>
#map = affine_map<(d0, d1) -> (0, 0)>
module attributes {stable_mosaic.version = 14 : i64} {
  func.func @_sc_sse(%arg0: i32, %arg1: i32, %arg2: memref<16384x512xf32, #tpu.memory_space<hbm>>, %arg3: memref<16384x512xf32, #tpu.memory_space<hbm>>, %arg4: memref<32x16xf32, #tpu.memory_space<hbm>>, %arg5: memref<2x32x512xf32, #tpu.memory_space<vmem>>, %arg6: memref<2x32x512xf32, #tpu.memory_space<vmem>>, %arg7: memref<16xf32, #tpu.memory_space<vmem>>, %arg8: memref<!tpu.dma_semaphore, #tpu.memory_space<semaphore_mem>>, %arg9: memref<!tpu.dma_semaphore, #tpu.memory_space<semaphore_mem>>) attributes {dimension_semantics = [#tpu.dimension_semantics<core_parallel>, #tpu.dimension_semantics<subcore_parallel>], iteration_bounds = array<i64: 2, 16>, scalar_prefetch = 0 : i64, scratch_operands = 5 : i64, tpu.core_type = #tpu.core_type<sc_vector_subcore>, window_params = [{transform_indices = #map}, {transform_indices = #map}, {transform_indices = #map}]} {
    %mul3A = arith.constant 2 : i32
    %mul3A_0 = arith.muli %arg1, %mul3A : i32
    %add3A = arith.addi %mul3A_0, %arg0 : i32
    %mul3A_1 = arith.constant 128 : i32
    %mul3A_2 = arith.muli %add3A, %mul3A_1 : i32
    %add3A_3 = arith.constant 0 : i32
    %add3A_4 = arith.addi %mul3A_2, %add3A_3 : i32
    %dma_start3A = arith.constant 0 : i32
    %dma_start3A_5 = arith.constant 0 : i32
    %dma_start3A_6 = arith.constant 0 : i32
    %dma_start3A_7 = tpu.memref_slice %arg5[%dma_start3A, %dma_start3A_5, %dma_start3A_6] : memref<2x32x512xf32, #tpu.memory_space<vmem>> -> memref<1x32x512xf32, #tpu.memory_space<vmem>>
    %dma_start3A_8 = tpu.memref_squeeze %dma_start3A_7 : memref<1x32x512xf32, #tpu.memory_space<vmem>> -> memref<32x512xf32, #tpu.memory_space<vmem>>
    %dma_start3A_9 = arith.constant 0 : i32
    %dma_start3A_10 = tpu.memref_slice %arg2[%add3A_4, %dma_start3A_9] : memref<16384x512xf32, #tpu.memory_space<hbm>> -> memref<32x512xf32, #tpu.memory_space<hbm>>
    %dma_start3A_11 = arith.constant 0 : i32
    %dma_start3A_12 = arith.constant 0 : i32
    %dma_start3A_13 = tpu.memref_slice %arg5[%dma_start3A, %dma_start3A_11, %dma_start3A_12] : memref<2x32x512xf32, #tpu.memory_space<vmem>> -> memref<1x32x512xf32, #tpu.memory_space<vmem>>
    %dma_start3A_14 = tpu.memref_squeeze %dma_start3A_13 : memref<1x32x512xf32, #tpu.memory_space<vmem>> -> memref<32x512xf32, #tpu.memory_space<vmem>>
    %dma_start3A_15 = arith.constant 0 : i32
    %dma_start3A_16 = tpu.memref_slice %arg2[%add3A_4, %dma_start3A_15] : memref<16384x512xf32, #tpu.memory_space<hbm>> -> memref<32x512xf32, #tpu.memory_space<hbm>>
    tpu.enqueue_dma source(%dma_start3A_16 : memref<32x512xf32, #tpu.memory_space<hbm>>) target(%dma_start3A_14 : memref<32x512xf32, #tpu.memory_space<vmem>>) target_semaphore(%arg8 : memref<!tpu.dma_semaphore, #tpu.memory_space<semaphore_mem>>)
    %dma_start3A_17 = arith.constant 0 : i32
    %dma_start3A_18 = arith.constant 0 : i32
    %dma_start3A_19 = arith.constant 0 : i32
    %dma_start3A_20 = tpu.memref_slice %arg6[%dma_start3A_17, %dma_start3A_18, %dma_start3A_19] : memref<2x32x512xf32, #tpu.memory_space<vmem>> -> memref<1x32x512xf32, #tpu.memory_space<vmem>>
    %dma_start3A_21 = tpu.memref_squeeze %dma_start3A_20 : memref<1x32x512xf32, #tpu.memory_space<vmem>> -> memref<32x512xf32, #tpu.memory_space<vmem>>
    %dma_start3A_22 = arith.constant 0 : i32
    %dma_start3A_23 = tpu.memref_slice %arg3[%add3A_4, %dma_start3A_22] : memref<16384x512xf32, #tpu.memory_space<hbm>> -> memref<32x512xf32, #tpu.memory_space<hbm>>
    %dma_start3A_24 = arith.constant 0 : i32
    %dma_start3A_25 = arith.constant 0 : i32
    %dma_start3A_26 = tpu.memref_slice %arg6[%dma_start3A_17, %dma_start3A_24, %dma_start3A_25] : memref<2x32x512xf32, #tpu.memory_space<vmem>> -> memref<1x32x512xf32, #tpu.memory_space<vmem>>
    %dma_start3A_27 = tpu.memref_squeeze %dma_start3A_26 : memref<1x32x512xf32, #tpu.memory_space<vmem>> -> memref<32x512xf32, #tpu.memory_space<vmem>>
    %dma_start3A_28 = arith.constant 0 : i32
    %dma_start3A_29 = tpu.memref_slice %arg3[%add3A_4, %dma_start3A_28] : memref<16384x512xf32, #tpu.memory_space<hbm>> -> memref<32x512xf32, #tpu.memory_space<hbm>>
    tpu.enqueue_dma source(%dma_start3A_29 : memref<32x512xf32, #tpu.memory_space<hbm>>) target(%dma_start3A_27 : memref<32x512xf32, #tpu.memory_space<vmem>>) target_semaphore(%arg8 : memref<!tpu.dma_semaphore, #tpu.memory_space<semaphore_mem>>)
    %broadcast_in_dim3A = arith.constant 0.000000e+00 : f32
    %broadcast_in_dim3A_30 = vector.broadcast %broadcast_in_dim3A : f32 to vector<16xf32>
    %broadcast_in_dim3A_31 = arith.constant 0.000000e+00 : f32
    %broadcast_in_dim3A_32 = vector.broadcast %broadcast_in_dim3A_31 : f32 to vector<16xf32>
    %broadcast_in_dim3A_33 = arith.constant 0.000000e+00 : f32
    %broadcast_in_dim3A_34 = vector.broadcast %broadcast_in_dim3A_33 : f32 to vector<16xf32>
    %broadcast_in_dim3A_35 = arith.constant 0.000000e+00 : f32
    %broadcast_in_dim3A_36 = vector.broadcast %broadcast_in_dim3A_35 : f32 to vector<16xf32>
    %broadcast_in_dim3A_37 = arith.constant 0.000000e+00 : f32
    %broadcast_in_dim3A_38 = vector.broadcast %broadcast_in_dim3A_37 : f32 to vector<16xf32>
    %broadcast_in_dim3A_39 = arith.constant 0.000000e+00 : f32
    %broadcast_in_dim3A_40 = vector.broadcast %broadcast_in_dim3A_39 : f32 to vector<16xf32>
    %broadcast_in_dim3A_41 = arith.constant 0.000000e+00 : f32
    %broadcast_in_dim3A_42 = vector.broadcast %broadcast_in_dim3A_41 : f32 to vector<16xf32>
    %broadcast_in_dim3A_43 = arith.constant 0.000000e+00 : f32
    %broadcast_in_dim3A_44 = vector.broadcast %broadcast_in_dim3A_43 : f32 to vector<16xf32>
    %dma_wait3A = arith.constant 0 : i32
    %dma_wait3A_45 = arith.constant 0 : i32
    %dma_wait3A_46 = arith.constant 0 : i32
    %dma_wait3A_47 = tpu.memref_slice %arg5[%dma_wait3A, %dma_wait3A_45, %dma_wait3A_46] : memref<2x32x512xf32, #tpu.memory_space<vmem>> -> memref<1x32x512xf32, #tpu.memory_space<vmem>>
    %dma_wait3A_48 = tpu.memref_squeeze %dma_wait3A_47 : memref<1x32x512xf32, #tpu.memory_space<vmem>> -> memref<32x512xf32, #tpu.memory_space<vmem>>
    %dma_wait3A_49 = arith.constant 0 : i32
    %dma_wait3A_50 = tpu.memref_slice %arg2[%add3A_4, %dma_wait3A_49] : memref<16384x512xf32, #tpu.memory_space<hbm>> -> memref<32x512xf32, #tpu.memory_space<hbm>>
    %dma_wait3A_51 = arith.constant 0 : i32
    %dma_wait3A_52 = arith.constant 0 : i32
    %dma_wait3A_53 = tpu.memref_slice %arg5[%dma_wait3A, %dma_wait3A_51, %dma_wait3A_52] : memref<2x32x512xf32, #tpu.memory_space<vmem>> -> memref<1x32x512xf32, #tpu.memory_space<vmem>>
    %dma_wait3A_54 = tpu.memref_squeeze %dma_wait3A_53 : memref<1x32x512xf32, #tpu.memory_space<vmem>> -> memref<32x512xf32, #tpu.memory_space<vmem>>
    %dma_wait3A_55 = arith.constant 0 : i32
    %dma_wait3A_56 = tpu.memref_slice %arg2[%add3A_4, %dma_wait3A_55] : memref<16384x512xf32, #tpu.memory_space<hbm>> -> memref<32x512xf32, #tpu.memory_space<hbm>>
    tpu.wait_dma2 semaphore(%arg8 : memref<!tpu.dma_semaphore, #tpu.memory_space<semaphore_mem>>) src(%dma_wait3A_56 : memref<32x512xf32, #tpu.memory_space<hbm>>) dst(%dma_wait3A_54 : memref<32x512xf32, #tpu.memory_space<vmem>>)
    %dma_wait3A_57 = arith.constant 0 : i32
    %dma_wait3A_58 = arith.constant 0 : i32
    %dma_wait3A_59 = arith.constant 0 : i32
    %dma_wait3A_60 = tpu.memref_slice %arg6[%dma_wait3A_57, %dma_wait3A_58, %dma_wait3A_59] : memref<2x32x512xf32, #tpu.memory_space<vmem>> -> memref<1x32x512xf32, #tpu.memory_space<vmem>>
    %dma_wait3A_61 = tpu.memref_squeeze %dma_wait3A_60 : memref<1x32x512xf32, #tpu.memory_space<vmem>> -> memref<32x512xf32, #tpu.memory_space<vmem>>
    %dma_wait3A_62 = arith.constant 0 : i32
    %dma_wait3A_63 = tpu.memref_slice %arg3[%add3A_4, %dma_wait3A_62] : memref<16384x512xf32, #tpu.memory_space<hbm>> -> memref<32x512xf32, #tpu.memory_space<hbm>>
    %dma_wait3A_64 = arith.constant 0 : i32
    %dma_wait3A_65 = arith.constant 0 : i32
    %dma_wait3A_66 = tpu.memref_slice %arg6[%dma_wait3A_57, %dma_wait3A_64, %dma_wait3A_65] : memref<2x32x512xf32, #tpu.memory_space<vmem>> -> memref<1x32x512xf32, #tpu.memory_space<vmem>>
    %dma_wait3A_67 = tpu.memref_squeeze %dma_wait3A_66 : memref<1x32x512xf32, #tpu.memory_space<vmem>> -> memref<32x512xf32, #tpu.memory_space<vmem>>
    %dma_wait3A_68 = arith.constant 0 : i32
    %dma_wait3A_69 = tpu.memref_slice %arg3[%add3A_4, %dma_wait3A_68] : memref<16384x512xf32, #tpu.memory_space<hbm>> -> memref<32x512xf32, #tpu.memory_space<hbm>>
    tpu.wait_dma2 semaphore(%arg8 : memref<!tpu.dma_semaphore, #tpu.memory_space<semaphore_mem>>) src(%dma_wait3A_69 : memref<32x512xf32, #tpu.memory_space<hbm>>) dst(%dma_wait3A_67 : memref<32x512xf32, #tpu.memory_space<vmem>>)
    %add3A_70 = arith.constant 32 : i32
    %add3A_71 = arith.addi %mul3A_2, %add3A_70 : i32
    %dma_start3A_72 = arith.constant 1 : i32
    %dma_start3A_73 = arith.constant 0 : i32
    %dma_start3A_74 = arith.constant 0 : i32
    %dma_start3A_75 = tpu.memref_slice %arg5[%dma_start3A_72, %dma_start3A_73, %dma_start3A_74] : memref<2x32x512xf32, #tpu.memory_space<vmem>> -> memref<1x32x512xf32, #tpu.memory_space<vmem>>
    %dma_start3A_76 = tpu.memref_squeeze %dma_start3A_75 : memref<1x32x512xf32, #tpu.memory_space<vmem>> -> memref<32x512xf32, #tpu.memory_space<vmem>>
    %dma_start3A_77 = arith.constant 0 : i32
    %dma_start3A_78 = tpu.memref_slice %arg2[%add3A_71, %dma_start3A_77] : memref<16384x512xf32, #tpu.memory_space<hbm>> -> memref<32x512xf32, #tpu.memory_space<hbm>>
    %dma_start3A_79 = arith.constant 0 : i32
    %dma_start3A_80 = arith.constant 0 : i32
    %dma_start3A_81 = tpu.memref_slice %arg5[%dma_start3A_72, %dma_start3A_79, %dma_start3A_80] : memref<2x32x512xf32, #tpu.memory_space<vmem>> -> memref<1x32x512xf32, #tpu.memory_space<vmem>>
    %dma_start3A_82 = tpu.memref_squeeze %dma_start3A_81 : memref<1x32x512xf32, #tpu.memory_space<vmem>> -> memref<32x512xf32, #tpu.memory_space<vmem>>
    %dma_start3A_83 = arith.constant 0 : i32
    %dma_start3A_84 = tpu.memref_slice %arg2[%add3A_71, %dma_start3A_83] : memref<16384x512xf32, #tpu.memory_space<hbm>> -> memref<32x512xf32, #tpu.memory_space<hbm>>
    tpu.enqueue_dma source(%dma_start3A_84 : memref<32x512xf32, #tpu.memory_space<hbm>>) target(%dma_start3A_82 : memref<32x512xf32, #tpu.memory_space<vmem>>) target_semaphore(%arg9 : memref<!tpu.dma_semaphore, #tpu.memory_space<semaphore_mem>>)
    %dma_start3A_85 = arith.constant 1 : i32
    %dma_start3A_86 = arith.constant 0 : i32
    %dma_start3A_87 = arith.constant 0 : i32
    %dma_start3A_88 = tpu.memref_slice %arg6[%dma_start3A_85, %dma_start3A_86, %dma_start3A_87] : memref<2x32x512xf32, #tpu.memory_space<vmem>> -> memref<1x32x512xf32, #tpu.memory_space<vmem>>
    %dma_start3A_89 = tpu.memref_squeeze %dma_start3A_88 : memref<1x32x512xf32, #tpu.memory_space<vmem>> -> memref<32x512xf32, #tpu.memory_space<vmem>>
    %dma_start3A_90 = arith.constant 0 : i32
    %dma_start3A_91 = tpu.memref_slice %arg3[%add3A_71, %dma_start3A_90] : memref<16384x512xf32, #tpu.memory_space<hbm>> -> memref<32x512xf32, #tpu.memory_space<hbm>>
    %dma_start3A_92 = arith.constant 0 : i32
    %dma_start3A_93 = arith.constant 0 : i32
    %dma_start3A_94 = tpu.memref_slice %arg6[%dma_start3A_85, %dma_start3A_92, %dma_start3A_93] : memref<2x32x512xf32, #tpu.memory_space<vmem>> -> memref<1x32x512xf32, #tpu.memory_space<vmem>>
    %dma_start3A_95 = tpu.memref_squeeze %dma_start3A_94 : memref<1x32x512xf32, #tpu.memory_space<vmem>> -> memref<32x512xf32, #tpu.memory_space<vmem>>
    %dma_start3A_96 = arith.constant 0 : i32
    %dma_start3A_97 = tpu.memref_slice %arg3[%add3A_71, %dma_start3A_96] : memref<16384x512xf32, #tpu.memory_space<hbm>> -> memref<32x512xf32, #tpu.memory_space<hbm>>
    tpu.enqueue_dma source(%dma_start3A_97 : memref<32x512xf32, #tpu.memory_space<hbm>>) target(%dma_start3A_95 : memref<32x512xf32, #tpu.memory_space<vmem>>) target_semaphore(%arg9 : memref<!tpu.dma_semaphore, #tpu.memory_space<semaphore_mem>>)
    %parallel_loop3A = arith.constant 0 : i32
    %parallel_loop3A_98 = arith.constant 32 : i32
    %parallel_loop3A_99 = arith.constant 1 : i32
    %parallel_loop3A_100:8 = scf.for %parallel_loop3A_257 = %parallel_loop3A to %parallel_loop3A_98 step %parallel_loop3A_99 iter_args(%parallel_loop3A_258 = %broadcast_in_dim3A_30, %parallel_loop3A_259 = %broadcast_in_dim3A_32, %parallel_loop3A_260 = %broadcast_in_dim3A_34, %parallel_loop3A_261 = %broadcast_in_dim3A_36, %parallel_loop3A_262 = %broadcast_in_dim3A_38, %parallel_loop3A_263 = %broadcast_in_dim3A_40, %parallel_loop3A_264 = %broadcast_in_dim3A_42, %parallel_loop3A_265 = %broadcast_in_dim3A_44) -> (vector<16xf32>, vector<16xf32>, vector<16xf32>, vector<16xf32>, vector<16xf32>, vector<16xf32>, vector<16xf32>, vector<16xf32>)  : i32 {
      %parallel_loop3A_266 = arith.constant 0 : i32
      %parallel_loop3A_267 = arith.index_cast %parallel_loop3A_266 : i32 to index
      %parallel_loop3A_268 = arith.index_cast %parallel_loop3A_257 : i32 to index
      %parallel_loop3A_269 = arith.constant 0 : index
      %parallel_loop3A_270 = tpu.vector_load %arg5[%parallel_loop3A_267, %parallel_loop3A_268, %parallel_loop3A_269] {strides = array<i32>} : memref<2x32x512xf32, #tpu.memory_space<vmem>>, vector<1x1x16xf32>,
      %parallel_loop3A_271 = vector.shape_cast %parallel_loop3A_270 : vector<1x1x16xf32> to vector<16xf32>
      %parallel_loop3A_272 = arith.constant 0 : i32
      %parallel_loop3A_273 = arith.index_cast %parallel_loop3A_272 : i32 to index
      %parallel_loop3A_274 = arith.index_cast %parallel_loop3A_257 : i32 to index
      %parallel_loop3A_275 = arith.constant 0 : index
      %parallel_loop3A_276 = tpu.vector_load %arg6[%parallel_loop3A_273, %parallel_loop3A_274, %parallel_loop3A_275] {strides = array<i32>} : memref<2x32x512xf32, #tpu.memory_space<vmem>>, vector<1x1x16xf32>,
      %parallel_loop3A_277 = vector.shape_cast %parallel_loop3A_276 : vector<1x1x16xf32> to vector<16xf32>
      %parallel_loop3A_278 = arith.subf %parallel_loop3A_271, %parallel_loop3A_277 : vector<16xf32>
      %parallel_loop3A_279 = arith.mulf %parallel_loop3A_278, %parallel_loop3A_278 : vector<16xf32>
      %parallel_loop3A_280 = arith.addf %parallel_loop3A_258, %parallel_loop3A_279 : vector<16xf32>
      %parallel_loop3A_281 = arith.constant 0 : i32
      %parallel_loop3A_282 = arith.index_cast %parallel_loop3A_281 : i32 to index
      %parallel_loop3A_283 = arith.index_cast %parallel_loop3A_257 : i32 to index
      %parallel_loop3A_284 = arith.constant 16 : index
      %parallel_loop3A_285 = tpu.vector_load %arg5[%parallel_loop3A_282, %parallel_loop3A_283, %parallel_loop3A_284] {strides = array<i32>} : memref<2x32x512xf32, #tpu.memory_space<vmem>>, vector<1x1x16xf32>,
      %parallel_loop3A_286 = vector.shape_cast %parallel_loop3A_285 : vector<1x1x16xf32> to vector<16xf32>
      %parallel_loop3A_287 = arith.constant 0 : i32
      %parallel_loop3A_288 = arith.index_cast %parallel_loop3A_287 : i32 to index
      %parallel_loop3A_289 = arith.index_cast %parallel_loop3A_257 : i32 to index
      %parallel_loop3A_290 = arith.constant 16 : index
      %parallel_loop3A_291 = tpu.vector_load %arg6[%parallel_loop3A_288, %parallel_loop3A_289, %parallel_loop3A_290] {strides = array<i32>} : memref<2x32x512xf32, #tpu.memory_space<vmem>>, vector<1x1x16xf32>,
      %parallel_loop3A_292 = vector.shape_cast %parallel_loop3A_291 : vector<1x1x16xf32> to vector<16xf32>
      %parallel_loop3A_293 = arith.subf %parallel_loop3A_286, %parallel_loop3A_292 : vector<16xf32>
      %parallel_loop3A_294 = arith.mulf %parallel_loop3A_293, %parallel_loop3A_293 : vector<16xf32>
      %parallel_loop3A_295 = arith.addf %parallel_loop3A_259, %parallel_loop3A_294 : vector<16xf32>
      %parallel_loop3A_296 = arith.constant 0 : i32
      %parallel_loop3A_297 = arith.index_cast %parallel_loop3A_296 : i32 to index
      %parallel_loop3A_298 = arith.index_cast %parallel_loop3A_257 : i32 to index
      %parallel_loop3A_299 = arith.constant 32 : index
      %parallel_loop3A_300 = tpu.vector_load %arg5[%parallel_loop3A_297, %parallel_loop3A_298, %parallel_loop3A_299] {strides = array<i32>} : memref<2x32x512xf32, #tpu.memory_space<vmem>>, vector<1x1x16xf32>,
      %parallel_loop3A_301 = vector.shape_cast %parallel_loop3A_300 : vector<1x1x16xf32> to vector<16xf32>
      %parallel_loop3A_302 = arith.constant 0 : i32
      %parallel_loop3A_303 = arith.index_cast %parallel_loop3A_302 : i32 to index
      %parallel_loop3A_304 = arith.index_cast %parallel_loop3A_257 : i32 to index
      %parallel_loop3A_305 = arith.constant 32 : index
      %parallel_loop3A_306 = tpu.vector_load %arg6[%parallel_loop3A_303, %parallel_loop3A_304, %parallel_loop3A_305] {strides = array<i32>} : memref<2x32x512xf32, #tpu.memory_space<vmem>>, vector<1x1x16xf32>,
      %parallel_loop3A_307 = vector.shape_cast %parallel_loop3A_306 : vector<1x1x16xf32> to vector<16xf32>
      %parallel_loop3A_308 = arith.subf %parallel_loop3A_301, %parallel_loop3A_307 : vector<16xf32>
      %parallel_loop3A_309 = arith.mulf %parallel_loop3A_308, %parallel_loop3A_308 : vector<16xf32>
      %parallel_loop3A_310 = arith.addf %parallel_loop3A_260, %parallel_loop3A_309 : vector<16xf32>
      %parallel_loop3A_311 = arith.constant 0 : i32
      %parallel_loop3A_312 = arith.index_cast %parallel_loop3A_311 : i32 to index
      %parallel_loop3A_313 = arith.index_cast %parallel_loop3A_257 : i32 to index
      %parallel_loop3A_314 = arith.constant 48 : index
      %parallel_loop3A_315 = tpu.vector_load %arg5[%parallel_loop3A_312, %parallel_loop3A_313, %parallel_loop3A_314] {strides = array<i32>} : memref<2x32x512xf32, #tpu.memory_space<vmem>>, vector<1x1x16xf32>,
      %parallel_loop3A_316 = vector.shape_cast %parallel_loop3A_315 : vector<1x1x16xf32> to vector<16xf32>
      %parallel_loop3A_317 = arith.constant 0 : i32
      %parallel_loop3A_318 = arith.index_cast %parallel_loop3A_317 : i32 to index
      %parallel_loop3A_319 = arith.index_cast %parallel_loop3A_257 : i32 to index
      %parallel_loop3A_320 = arith.constant 48 : index
      %parallel_loop3A_321 = tpu.vector_load %arg6[%parallel_loop3A_318, %parallel_loop3A_319, %parallel_loop3A_320] {strides = array<i32>} : memref<2x32x512xf32, #tpu.memory_space<vmem>>, vector<1x1x16xf32>,
      %parallel_loop3A_322 = vector.shape_cast %parallel_loop3A_321 : vector<1x1x16xf32> to vector<16xf32>
      %parallel_loop3A_323 = arith.subf %parallel_loop3A_316, %parallel_loop3A_322 : vector<16xf32>
      %parallel_loop3A_324 = arith.mulf %parallel_loop3A_323, %parallel_loop3A_323 : vector<16xf32>
      %parallel_loop3A_325 = arith.addf %parallel_loop3A_261, %parallel_loop3A_324 : vector<16xf32>
      %parallel_loop3A_326 = arith.constant 0 : i32
      %parallel_loop3A_327 = arith.index_cast %parallel_loop3A_326 : i32 to index
      %parallel_loop3A_328 = arith.index_cast %parallel_loop3A_257 : i32 to index
      %parallel_loop3A_329 = arith.constant 64 : index
      %parallel_loop3A_330 = tpu.vector_load %arg5[%parallel_loop3A_327, %parallel_loop3A_328, %parallel_loop3A_329] {strides = array<i32>} : memref<2x32x512xf32, #tpu.memory_space<vmem>>, vector<1x1x16xf32>,
      %parallel_loop3A_331 = vector.shape_cast %parallel_loop3A_330 : vector<1x1x16xf32> to vector<16xf32>
      %parallel_loop3A_332 = arith.constant 0 : i32
      %parallel_loop3A_333 = arith.index_cast %parallel_loop3A_332 : i32 to index
      %parallel_loop3A_334 = arith.index_cast %parallel_loop3A_257 : i32 to index
      %parallel_loop3A_335 = arith.constant 64 : index
      %parallel_loop3A_336 = tpu.vector_load %arg6[%parallel_loop3A_333, %parallel_loop3A_334, %parallel_loop3A_335] {strides = array<i32>} : memref<2x32x512xf32, #tpu.memory_space<vmem>>, vector<1x1x16xf32>,
      %parallel_loop3A_337 = vector.shape_cast %parallel_loop3A_336 : vector<1x1x16xf32> to vector<16xf32>
      %parallel_loop3A_338 = arith.subf %parallel_loop3A_331, %parallel_loop3A_337 : vector<16xf32>
      %parallel_loop3A_339 = arith.mulf %parallel_loop3A_338, %parallel_loop3A_338 : vector<16xf32>
      %parallel_loop3A_340 = arith.addf %parallel_loop3A_262, %parallel_loop3A_339 : vector<16xf32>
      %parallel_loop3A_341 = arith.constant 0 : i32
      %parallel_loop3A_342 = arith.index_cast %parallel_loop3A_341 : i32 to index
      %parallel_loop3A_343 = arith.index_cast %parallel_loop3A_257 : i32 to index
      %parallel_loop3A_344 = arith.constant 80 : index
      %parallel_loop3A_345 = tpu.vector_load %arg5[%parallel_loop3A_342, %parallel_loop3A_343, %parallel_loop3A_344] {strides = array<i32>} : memref<2x32x512xf32, #tpu.memory_space<vmem>>, vector<1x1x16xf32>,
      %parallel_loop3A_346 = vector.shape_cast %parallel_loop3A_345 : vector<1x1x16xf32> to vector<16xf32>
      %parallel_loop3A_347 = arith.constant 0 : i32
      %parallel_loop3A_348 = arith.index_cast %parallel_loop3A_347 : i32 to index
      %parallel_loop3A_349 = arith.index_cast %parallel_loop3A_257 : i32 to index
      %parallel_loop3A_350 = arith.constant 80 : index
      %parallel_loop3A_351 = tpu.vector_load %arg6[%parallel_loop3A_348, %parallel_loop3A_349, %parallel_loop3A_350] {strides = array<i32>} : memref<2x32x512xf32, #tpu.memory_space<vmem>>, vector<1x1x16xf32>,
      %parallel_loop3A_352 = vector.shape_cast %parallel_loop3A_351 : vector<1x1x16xf32> to vector<16xf32>
      %parallel_loop3A_353 = arith.subf %parallel_loop3A_346, %parallel_loop3A_352 : vector<16xf32>
      %parallel_loop3A_354 = arith.mulf %parallel_loop3A_353, %parallel_loop3A_353 : vector<16xf32>
      %parallel_loop3A_355 = arith.addf %parallel_loop3A_263, %parallel_loop3A_354 : vector<16xf32>
      %parallel_loop3A_356 = arith.constant 0 : i32
      %parallel_loop3A_357 = arith.index_cast %parallel_loop3A_356 : i32 to index
      %parallel_loop3A_358 = arith.index_cast %parallel_loop3A_257 : i32 to index
      %parallel_loop3A_359 = arith.constant 96 : index
      %parallel_loop3A_360 = tpu.vector_load %arg5[%parallel_loop3A_357, %parallel_loop3A_358, %parallel_loop3A_359] {strides = array<i32>} : memref<2x32x512xf32, #tpu.memory_space<vmem>>, vector<1x1x16xf32>,
      %parallel_loop3A_361 = vector.shape_cast %parallel_loop3A_360 : vector<1x1x16xf32> to vector<16xf32>
      %parallel_loop3A_362 = arith.constant 0 : i32
      %parallel_loop3A_363 = arith.index_cast %parallel_loop3A_362 : i32 to index
      %parallel_loop3A_364 = arith.index_cast %parallel_loop3A_257 : i32 to index
      %parallel_loop3A_365 = arith.constant 96 : index
      %parallel_loop3A_366 = tpu.vector_load %arg6[%parallel_loop3A_363, %parallel_loop3A_364, %parallel_loop3A_365] {strides = array<i32>} : memref<2x32x512xf32, #tpu.memory_space<vmem>>, vector<1x1x16xf32>,
      %parallel_loop3A_367 = vector.shape_cast %parallel_loop3A_366 : vector<1x1x16xf32> to vector<16xf32>
      %parallel_loop3A_368 = arith.subf %parallel_loop3A_361, %parallel_loop3A_367 : vector<16xf32>
      %parallel_loop3A_369 = arith.mulf %parallel_loop3A_368, %parallel_loop3A_368 : vector<16xf32>
      %parallel_loop3A_370 = arith.addf %parallel_loop3A_264, %parallel_loop3A_369 : vector<16xf32>
      %parallel_loop3A_371 = arith.constant 0 : i32
      %parallel_loop3A_372 = arith.index_cast %parallel_loop3A_371 : i32 to index
      %parallel_loop3A_373 = arith.index_cast %parallel_loop3A_257 : i32 to index
      %parallel_loop3A_374 = arith.constant 112 : index
      %parallel_loop3A_375 = tpu.vector_load %arg5[%parallel_loop3A_372, %parallel_loop3A_373, %parallel_loop3A_374] {strides = array<i32>} : memref<2x32x512xf32, #tpu.memory_space<vmem>>, vector<1x1x16xf32>,
      %parallel_loop3A_376 = vector.shape_cast %parallel_loop3A_375 : vector<1x1x16xf32> to vector<16xf32>
      %parallel_loop3A_377 = arith.constant 0 : i32
      %parallel_loop3A_378 = arith.index_cast %parallel_loop3A_377 : i32 to index
      %parallel_loop3A_379 = arith.index_cast %parallel_loop3A_257 : i32 to index
      %parallel_loop3A_380 = arith.constant 112 : index
      %parallel_loop3A_381 = tpu.vector_load %arg6[%parallel_loop3A_378, %parallel_loop3A_379, %parallel_loop3A_380] {strides = array<i32>} : memref<2x32x512xf32, #tpu.memory_space<vmem>>, vector<1x1x16xf32>,
      %parallel_loop3A_382 = vector.shape_cast %parallel_loop3A_381 : vector<1x1x16xf32> to vector<16xf32>
      %parallel_loop3A_383 = arith.subf %parallel_loop3A_376, %parallel_loop3A_382 : vector<16xf32>
      %parallel_loop3A_384 = arith.mulf %parallel_loop3A_383, %parallel_loop3A_383 : vector<16xf32>
      %parallel_loop3A_385 = arith.addf %parallel_loop3A_265, %parallel_loop3A_384 : vector<16xf32>
      %parallel_loop3A_386 = arith.constant 0 : i32
      %parallel_loop3A_387 = arith.index_cast %parallel_loop3A_386 : i32 to index
      %parallel_loop3A_388 = arith.index_cast %parallel_loop3A_257 : i32 to index
      %parallel_loop3A_389 = arith.constant 128 : index
      %parallel_loop3A_390 = tpu.vector_load %arg5[%parallel_loop3A_387, %parallel_loop3A_388, %parallel_loop3A_389] {strides = array<i32>} : memref<2x32x512xf32, #tpu.memory_space<vmem>>, vector<1x1x16xf32>,
      %parallel_loop3A_391 = vector.shape_cast %parallel_loop3A_390 : vector<1x1x16xf32> to vector<16xf32>
      %parallel_loop3A_392 = arith.constant 0 : i32
      %parallel_loop3A_393 = arith.index_cast %parallel_loop3A_392 : i32 to index
      %parallel_loop3A_394 = arith.index_cast %parallel_loop3A_257 : i32 to index
      %parallel_loop3A_395 = arith.constant 128 : index
      %parallel_loop3A_396 = tpu.vector_load %arg6[%parallel_loop3A_393, %parallel_loop3A_394, %parallel_loop3A_395] {strides = array<i32>} : memref<2x32x512xf32, #tpu.memory_space<vmem>>, vector<1x1x16xf32>,
      %parallel_loop3A_397 = vector.shape_cast %parallel_loop3A_396 : vector<1x1x16xf32> to vector<16xf32>
      %parallel_loop3A_398 = arith.subf %parallel_loop3A_391, %parallel_loop3A_397 : vector<16xf32>
      %parallel_loop3A_399 = arith.mulf %parallel_loop3A_398, %parallel_loop3A_398 : vector<16xf32>
      %parallel_loop3A_400 = arith.addf %parallel_loop3A_280, %parallel_loop3A_399 : vector<16xf32>
      %parallel_loop3A_401 = arith.constant 0 : i32
      %parallel_loop3A_402 = arith.index_cast %parallel_loop3A_401 : i32 to index
      %parallel_loop3A_403 = arith.index_cast %parallel_loop3A_257 : i32 to index
      %parallel_loop3A_404 = arith.constant 144 : index
      %parallel_loop3A_405 = tpu.vector_load %arg5[%parallel_loop3A_402, %parallel_loop3A_403, %parallel_loop3A_404] {strides = array<i32>} : memref<2x32x512xf32, #tpu.memory_space<vmem>>, vector<1x1x16xf32>,
      %parallel_loop3A_406 = vector.shape_cast %parallel_loop3A_405 : vector<1x1x16xf32> to vector<16xf32>
      %parallel_loop3A_407 = arith.constant 0 : i32
      %parallel_loop3A_408 = arith.index_cast %parallel_loop3A_407 : i32 to index
      %parallel_loop3A_409 = arith.index_cast %parallel_loop3A_257 : i32 to index
      %parallel_loop3A_410 = arith.constant 144 : index
      %parallel_loop3A_411 = tpu.vector_load %arg6[%parallel_loop3A_408, %parallel_loop3A_409, %parallel_loop3A_410] {strides = array<i32>} : memref<2x32x512xf32, #tpu.memory_space<vmem>>, vector<1x1x16xf32>,
      %parallel_loop3A_412 = vector.shape_cast %parallel_loop3A_411 : vector<1x1x16xf32> to vector<16xf32>
      %parallel_loop3A_413 = arith.subf %parallel_loop3A_406, %parallel_loop3A_412 : vector<16xf32>
      %parallel_loop3A_414 = arith.mulf %parallel_loop3A_413, %parallel_loop3A_413 : vector<16xf32>
      %parallel_loop3A_415 = arith.addf %parallel_loop3A_295, %parallel_loop3A_414 : vector<16xf32>
      %parallel_loop3A_416 = arith.constant 0 : i32
      %parallel_loop3A_417 = arith.index_cast %parallel_loop3A_416 : i32 to index
      %parallel_loop3A_418 = arith.index_cast %parallel_loop3A_257 : i32 to index
      %parallel_loop3A_419 = arith.constant 160 : index
      %parallel_loop3A_420 = tpu.vector_load %arg5[%parallel_loop3A_417, %parallel_loop3A_418, %parallel_loop3A_419] {strides = array<i32>} : memref<2x32x512xf32, #tpu.memory_space<vmem>>, vector<1x1x16xf32>,
      %parallel_loop3A_421 = vector.shape_cast %parallel_loop3A_420 : vector<1x1x16xf32> to vector<16xf32>
      %parallel_loop3A_422 = arith.constant 0 : i32
      %parallel_loop3A_423 = arith.index_cast %parallel_loop3A_422 : i32 to index
      %parallel_loop3A_424 = arith.index_cast %parallel_loop3A_257 : i32 to index
      %parallel_loop3A_425 = arith.constant 160 : index
      %parallel_loop3A_426 = tpu.vector_load %arg6[%parallel_loop3A_423, %parallel_loop3A_424, %parallel_loop3A_425] {strides = array<i32>} : memref<2x32x512xf32, #tpu.memory_space<vmem>>, vector<1x1x16xf32>,
      %parallel_loop3A_427 = vector.shape_cast %parallel_loop3A_426 : vector<1x1x16xf32> to vector<16xf32>
      %parallel_loop3A_428 = arith.subf %parallel_loop3A_421, %parallel_loop3A_427 : vector<16xf32>
      %parallel_loop3A_429 = arith.mulf %parallel_loop3A_428, %parallel_loop3A_428 : vector<16xf32>
      %parallel_loop3A_430 = arith.addf %parallel_loop3A_310, %parallel_loop3A_429 : vector<16xf32>
      %parallel_loop3A_431 = arith.constant 0 : i32
      %parallel_loop3A_432 = arith.index_cast %parallel_loop3A_431 : i32 to index
      %parallel_loop3A_433 = arith.index_cast %parallel_loop3A_257 : i32 to index
      %parallel_loop3A_434 = arith.constant 176 : index
      %parallel_loop3A_435 = tpu.vector_load %arg5[%parallel_loop3A_432, %parallel_loop3A_433, %parallel_loop3A_434] {strides = array<i32>} : memref<2x32x512xf32, #tpu.memory_space<vmem>>, vector<1x1x16xf32>,
      %parallel_loop3A_436 = vector.shape_cast %parallel_loop3A_435 : vector<1x1x16xf32> to vector<16xf32>
      %parallel_loop3A_437 = arith.constant 0 : i32
      %parallel_loop3A_438 = arith.index_cast %parallel_loop3A_437 : i32 to index
      %parallel_loop3A_439 = arith.index_cast %parallel_loop3A_257 : i32 to index
      %parallel_loop3A_440 = arith.constant 176 : index
      %parallel_loop3A_441 = tpu.vector_load %arg6[%parallel_loop3A_438, %parallel_loop3A_439, %parallel_loop3A_440] {strides = array<i32>} : memref<2x32x512xf32, #tpu.memory_space<vmem>>, vector<1x1x16xf32>,
      %parallel_loop3A_442 = vector.shape_cast %parallel_loop3A_441 : vector<1x1x16xf32> to vector<16xf32>
      %parallel_loop3A_443 = arith.subf %parallel_loop3A_436, %parallel_loop3A_442 : vector<16xf32>
      %parallel_loop3A_444 = arith.mulf %parallel_loop3A_443, %parallel_loop3A_443 : vector<16xf32>
      %parallel_loop3A_445 = arith.addf %parallel_loop3A_325, %parallel_loop3A_444 : vector<16xf32>
      %parallel_loop3A_446 = arith.constant 0 : i32
      %parallel_loop3A_447 = arith.index_cast %parallel_loop3A_446 : i32 to index
      %parallel_loop3A_448 = arith.index_cast %parallel_loop3A_257 : i32 to index
      %parallel_loop3A_449 = arith.constant 192 : index
      %parallel_loop3A_450 = tpu.vector_load %arg5[%parallel_loop3A_447, %parallel_loop3A_448, %parallel_loop3A_449] {strides = array<i32>} : memref<2x32x512xf32, #tpu.memory_space<vmem>>, vector<1x1x16xf32>,
      %parallel_loop3A_451 = vector.shape_cast %parallel_loop3A_450 : vector<1x1x16xf32> to vector<16xf32>
      %parallel_loop3A_452 = arith.constant 0 : i32
      %parallel_loop3A_453 = arith.index_cast %parallel_loop3A_452 : i32 to index
      %parallel_loop3A_454 = arith.index_cast %parallel_loop3A_257 : i32 to index
      %parallel_loop3A_455 = arith.constant 192 : index
      %parallel_loop3A_456 = tpu.vector_load %arg6[%parallel_loop3A_453, %parallel_loop3A_454, %parallel_loop3A_455] {strides = array<i32>} : memref<2x32x512xf32, #tpu.memory_space<vmem>>, vector<1x1x16xf32>,
      %parallel_loop3A_457 = vector.shape_cast %parallel_loop3A_456 : vector<1x1x16xf32> to vector<16xf32>
      %parallel_loop3A_458 = arith.subf %parallel_loop3A_451, %parallel_loop3A_457 : vector<16xf32>
      %parallel_loop3A_459 = arith.mulf %parallel_loop3A_458, %parallel_loop3A_458 : vector<16xf32>
      %parallel_loop3A_460 = arith.addf %parallel_loop3A_340, %parallel_loop3A_459 : vector<16xf32>
      %parallel_loop3A_461 = arith.constant 0 : i32
      %parallel_loop3A_462 = arith.index_cast %parallel_loop3A_461 : i32 to index
      %parallel_loop3A_463 = arith.index_cast %parallel_loop3A_257 : i32 to index
      %parallel_loop3A_464 = arith.constant 208 : index
      %parallel_loop3A_465 = tpu.vector_load %arg5[%parallel_loop3A_462, %parallel_loop3A_463, %parallel_loop3A_464] {strides = array<i32>} : memref<2x32x512xf32, #tpu.memory_space<vmem>>, vector<1x1x16xf32>,
      %parallel_loop3A_466 = vector.shape_cast %parallel_loop3A_465 : vector<1x1x16xf32> to vector<16xf32>
      %parallel_loop3A_467 = arith.constant 0 : i32
      %parallel_loop3A_468 = arith.index_cast %parallel_loop3A_467 : i32 to index
      %parallel_loop3A_469 = arith.index_cast %parallel_loop3A_257 : i32 to index
      %parallel_loop3A_470 = arith.constant 208 : index
      %parallel_loop3A_471 = tpu.vector_load %arg6[%parallel_loop3A_468, %parallel_loop3A_469, %parallel_loop3A_470] {strides = array<i32>} : memref<2x32x512xf32, #tpu.memory_space<vmem>>, vector<1x1x16xf32>,
      %parallel_loop3A_472 = vector.shape_cast %parallel_loop3A_471 : vector<1x1x16xf32> to vector<16xf32>
      %parallel_loop3A_473 = arith.subf %parallel_loop3A_466, %parallel_loop3A_472 : vector<16xf32>
      %parallel_loop3A_474 = arith.mulf %parallel_loop3A_473, %parallel_loop3A_473 : vector<16xf32>
      %parallel_loop3A_475 = arith.addf %parallel_loop3A_355, %parallel_loop3A_474 : vector<16xf32>
      %parallel_loop3A_476 = arith.constant 0 : i32
      %parallel_loop3A_477 = arith.index_cast %parallel_loop3A_476 : i32 to index
      %parallel_loop3A_478 = arith.index_cast %parallel_loop3A_257 : i32 to index
      %parallel_loop3A_479 = arith.constant 224 : index
      %parallel_loop3A_480 = tpu.vector_load %arg5[%parallel_loop3A_477, %parallel_loop3A_478, %parallel_loop3A_479] {strides = array<i32>} : memref<2x32x512xf32, #tpu.memory_space<vmem>>, vector<1x1x16xf32>,
      %parallel_loop3A_481 = vector.shape_cast %parallel_loop3A_480 : vector<1x1x16xf32> to vector<16xf32>
      %parallel_loop3A_482 = arith.constant 0 : i32
      %parallel_loop3A_483 = arith.index_cast %parallel_loop3A_482 : i32 to index
      %parallel_loop3A_484 = arith.index_cast %parallel_loop3A_257 : i32 to index
      %parallel_loop3A_485 = arith.constant 224 : index
      %parallel_loop3A_486 = tpu.vector_load %arg6[%parallel_loop3A_483, %parallel_loop3A_484, %parallel_loop3A_485] {strides = array<i32>} : memref<2x32x512xf32, #tpu.memory_space<vmem>>, vector<1x1x16xf32>,
      %parallel_loop3A_487 = vector.shape_cast %parallel_loop3A_486 : vector<1x1x16xf32> to vector<16xf32>
      %parallel_loop3A_488 = arith.subf %parallel_loop3A_481, %parallel_loop3A_487 : vector<16xf32>
      %parallel_loop3A_489 = arith.mulf %parallel_loop3A_488, %parallel_loop3A_488 : vector<16xf32>
      %parallel_loop3A_490 = arith.addf %parallel_loop3A_370, %parallel_loop3A_489 : vector<16xf32>
      %parallel_loop3A_491 = arith.constant 0 : i32
      %parallel_loop3A_492 = arith.index_cast %parallel_loop3A_491 : i32 to index
      %parallel_loop3A_493 = arith.index_cast %parallel_loop3A_257 : i32 to index
      %parallel_loop3A_494 = arith.constant 240 : index
      %parallel_loop3A_495 = tpu.vector_load %arg5[%parallel_loop3A_492, %parallel_loop3A_493, %parallel_loop3A_494] {strides = array<i32>} : memref<2x32x512xf32, #tpu.memory_space<vmem>>, vector<1x1x16xf32>,
      %parallel_loop3A_496 = vector.shape_cast %parallel_loop3A_495 : vector<1x1x16xf32> to vector<16xf32>
      %parallel_loop3A_497 = arith.constant 0 : i32
      %parallel_loop3A_498 = arith.index_cast %parallel_loop3A_497 : i32 to index
      %parallel_loop3A_499 = arith.index_cast %parallel_loop3A_257 : i32 to index
      %parallel_loop3A_500 = arith.constant 240 : index
      %parallel_loop3A_501 = tpu.vector_load %arg6[%parallel_loop3A_498, %parallel_loop3A_499, %parallel_loop3A_500] {strides = array<i32>} : memref<2x32x512xf32, #tpu.memory_space<vmem>>, vector<1x1x16xf32>,
      %parallel_loop3A_502 = vector.shape_cast %parallel_loop3A_501 : vector<1x1x16xf32> to vector<16xf32>
      %parallel_loop3A_503 = arith.subf %parallel_loop3A_496, %parallel_loop3A_502 : vector<16xf32>
      %parallel_loop3A_504 = arith.mulf %parallel_loop3A_503, %parallel_loop3A_503 : vector<16xf32>
      %parallel_loop3A_505 = arith.addf %parallel_loop3A_385, %parallel_loop3A_504 : vector<16xf32>
      %parallel_loop3A_506 = arith.constant 0 : i32
      %parallel_loop3A_507 = arith.index_cast %parallel_loop3A_506 : i32 to index
      %parallel_loop3A_508 = arith.index_cast %parallel_loop3A_257 : i32 to index
      %parallel_loop3A_509 = arith.constant 256 : index
      %parallel_loop3A_510 = tpu.vector_load %arg5[%parallel_loop3A_507, %parallel_loop3A_508, %parallel_loop3A_509] {strides = array<i32>} : memref<2x32x512xf32, #tpu.memory_space<vmem>>, vector<1x1x16xf32>,
      %parallel_loop3A_511 = vector.shape_cast %parallel_loop3A_510 : vector<1x1x16xf32> to vector<16xf32>
      %parallel_loop3A_512 = arith.constant 0 : i32
      %parallel_loop3A_513 = arith.index_cast %parallel_loop3A_512 : i32 to index
      %parallel_loop3A_514 = arith.index_cast %parallel_loop3A_257 : i32 to index
      %parallel_loop3A_515 = arith.constant 256 : index
      %parallel_loop3A_516 = tpu.vector_load %arg6[%parallel_loop3A_513, %parallel_loop3A_514, %parallel_loop3A_515] {strides = array<i32>} : memref<2x32x512xf32, #tpu.memory_space<vmem>>, vector<1x1x16xf32>,
      %parallel_loop3A_517 = vector.shape_cast %parallel_loop3A_516 : vector<1x1x16xf32> to vector<16xf32>
      %parallel_loop3A_518 = arith.subf %parallel_loop3A_511, %parallel_loop3A_517 : vector<16xf32>
      %parallel_loop3A_519 = arith.mulf %parallel_loop3A_518, %parallel_loop3A_518 : vector<16xf32>
      %parallel_loop3A_520 = arith.addf %parallel_loop3A_400, %parallel_loop3A_519 : vector<16xf32>
      %parallel_loop3A_521 = arith.constant 0 : i32
      %parallel_loop3A_522 = arith.index_cast %parallel_loop3A_521 : i32 to index
      %parallel_loop3A_523 = arith.index_cast %parallel_loop3A_257 : i32 to index
      %parallel_loop3A_524 = arith.constant 272 : index
      %parallel_loop3A_525 = tpu.vector_load %arg5[%parallel_loop3A_522, %parallel_loop3A_523, %parallel_loop3A_524] {strides = array<i32>} : memref<2x32x512xf32, #tpu.memory_space<vmem>>, vector<1x1x16xf32>,
      %parallel_loop3A_526 = vector.shape_cast %parallel_loop3A_525 : vector<1x1x16xf32> to vector<16xf32>
      %parallel_loop3A_527 = arith.constant 0 : i32
      %parallel_loop3A_528 = arith.index_cast %parallel_loop3A_527 : i32 to index
      %parallel_loop3A_529 = arith.index_cast %parallel_loop3A_257 : i32 to index
      %parallel_loop3A_530 = arith.constant 272 : index
      %parallel_loop3A_531 = tpu.vector_load %arg6[%parallel_loop3A_528, %parallel_loop3A_529, %parallel_loop3A_530] {strides = array<i32>} : memref<2x32x512xf32, #tpu.memory_space<vmem>>, vector<1x1x16xf32>,
      %parallel_loop3A_532 = vector.shape_cast %parallel_loop3A_531 : vector<1x1x16xf32> to vector<16xf32>
      %parallel_loop3A_533 = arith.subf %parallel_loop3A_526, %parallel_loop3A_532 : vector<16xf32>
      %parallel_loop3A_534 = arith.mulf %parallel_loop3A_533, %parallel_loop3A_533 : vector<16xf32>
      %parallel_loop3A_535 = arith.addf %parallel_loop3A_415, %parallel_loop3A_534 : vector<16xf32>
      %parallel_loop3A_536 = arith.constant 0 : i32
      %parallel_loop3A_537 = arith.index_cast %parallel_loop3A_536 : i32 to index
      %parallel_loop3A_538 = arith.index_cast %parallel_loop3A_257 : i32 to index
      %parallel_loop3A_539 = arith.constant 288 : index
      %parallel_loop3A_540 = tpu.vector_load %arg5[%parallel_loop3A_537, %parallel_loop3A_538, %parallel_loop3A_539] {strides = array<i32>} : memref<2x32x512xf32, #tpu.memory_space<vmem>>, vector<1x1x16xf32>,
      %parallel_loop3A_541 = vector.shape_cast %parallel_loop3A_540 : vector<1x1x16xf32> to vector<16xf32>
      %parallel_loop3A_542 = arith.constant 0 : i32
      %parallel_loop3A_543 = arith.index_cast %parallel_loop3A_542 : i32 to index
      %parallel_loop3A_544 = arith.index_cast %parallel_loop3A_257 : i32 to index
      %parallel_loop3A_545 = arith.constant 288 : index
      %parallel_loop3A_546 = tpu.vector_load %arg6[%parallel_loop3A_543, %parallel_loop3A_544, %parallel_loop3A_545] {strides = array<i32>} : memref<2x32x512xf32, #tpu.memory_space<vmem>>, vector<1x1x16xf32>,
      %parallel_loop3A_547 = vector.shape_cast %parallel_loop3A_546 : vector<1x1x16xf32> to vector<16xf32>
      %parallel_loop3A_548 = arith.subf %parallel_loop3A_541, %parallel_loop3A_547 : vector<16xf32>
      %parallel_loop3A_549 = arith.mulf %parallel_loop3A_548, %parallel_loop3A_548 : vector<16xf32>
      %parallel_loop3A_550 = arith.addf %parallel_loop3A_430, %parallel_loop3A_549 : vector<16xf32>
      %parallel_loop3A_551 = arith.constant 0 : i32
      %parallel_loop3A_552 = arith.index_cast %parallel_loop3A_551 : i32 to index
      %parallel_loop3A_553 = arith.index_cast %parallel_loop3A_257 : i32 to index
      %parallel_loop3A_554 = arith.constant 304 : index
      %parallel_loop3A_555 = tpu.vector_load %arg5[%parallel_loop3A_552, %parallel_loop3A_553, %parallel_loop3A_554] {strides = array<i32>} : memref<2x32x512xf32, #tpu.memory_space<vmem>>, vector<1x1x16xf32>,
      %parallel_loop3A_556 = vector.shape_cast %parallel_loop3A_555 : vector<1x1x16xf32> to vector<16xf32>
      %parallel_loop3A_557 = arith.constant 0 : i32
      %parallel_loop3A_558 = arith.index_cast %parallel_loop3A_557 : i32 to index
      %parallel_loop3A_559 = arith.index_cast %parallel_loop3A_257 : i32 to index
      %parallel_loop3A_560 = arith.constant 304 : index
      %parallel_loop3A_561 = tpu.vector_load %arg6[%parallel_loop3A_558, %parallel_loop3A_559, %parallel_loop3A_560] {strides = array<i32>} : memref<2x32x512xf32, #tpu.memory_space<vmem>>, vector<1x1x16xf32>,
      %parallel_loop3A_562 = vector.shape_cast %parallel_loop3A_561 : vector<1x1x16xf32> to vector<16xf32>
      %parallel_loop3A_563 = arith.subf %parallel_loop3A_556, %parallel_loop3A_562 : vector<16xf32>
      %parallel_loop3A_564 = arith.mulf %parallel_loop3A_563, %parallel_loop3A_563 : vector<16xf32>
      %parallel_loop3A_565 = arith.addf %parallel_loop3A_445, %parallel_loop3A_564 : vector<16xf32>
      %parallel_loop3A_566 = arith.constant 0 : i32
      %parallel_loop3A_567 = arith.index_cast %parallel_loop3A_566 : i32 to index
      %parallel_loop3A_568 = arith.index_cast %parallel_loop3A_257 : i32 to index
      %parallel_loop3A_569 = arith.constant 320 : index
      %parallel_loop3A_570 = tpu.vector_load %arg5[%parallel_loop3A_567, %parallel_loop3A_568, %parallel_loop3A_569] {strides = array<i32>} : memref<2x32x512xf32, #tpu.memory_space<vmem>>, vector<1x1x16xf32>,
      %parallel_loop3A_571 = vector.shape_cast %parallel_loop3A_570 : vector<1x1x16xf32> to vector<16xf32>
      %parallel_loop3A_572 = arith.constant 0 : i32
      %parallel_loop3A_573 = arith.index_cast %parallel_loop3A_572 : i32 to index
      %parallel_loop3A_574 = arith.index_cast %parallel_loop3A_257 : i32 to index
      %parallel_loop3A_575 = arith.constant 320 : index
      %parallel_loop3A_576 = tpu.vector_load %arg6[%parallel_loop3A_573, %parallel_loop3A_574, %parallel_loop3A_575] {strides = array<i32>} : memref<2x32x512xf32, #tpu.memory_space<vmem>>, vector<1x1x16xf32>,
      %parallel_loop3A_577 = vector.shape_cast %parallel_loop3A_576 : vector<1x1x16xf32> to vector<16xf32>
      %parallel_loop3A_578 = arith.subf %parallel_loop3A_571, %parallel_loop3A_577 : vector<16xf32>
      %parallel_loop3A_579 = arith.mulf %parallel_loop3A_578, %parallel_loop3A_578 : vector<16xf32>
      %parallel_loop3A_580 = arith.addf %parallel_loop3A_460, %parallel_loop3A_579 : vector<16xf32>
      %parallel_loop3A_581 = arith.constant 0 : i32
      %parallel_loop3A_582 = arith.index_cast %parallel_loop3A_581 : i32 to index
      %parallel_loop3A_583 = arith.index_cast %parallel_loop3A_257 : i32 to index
      %parallel_loop3A_584 = arith.constant 336 : index
      %parallel_loop3A_585 = tpu.vector_load %arg5[%parallel_loop3A_582, %parallel_loop3A_583, %parallel_loop3A_584] {strides = array<i32>} : memref<2x32x512xf32, #tpu.memory_space<vmem>>, vector<1x1x16xf32>,
      %parallel_loop3A_586 = vector.shape_cast %parallel_loop3A_585 : vector<1x1x16xf32> to vector<16xf32>
      %parallel_loop3A_587 = arith.constant 0 : i32
      %parallel_loop3A_588 = arith.index_cast %parallel_loop3A_587 : i32 to index
      %parallel_loop3A_589 = arith.index_cast %parallel_loop3A_257 : i32 to index
      %parallel_loop3A_590 = arith.constant 336 : index
      %parallel_loop3A_591 = tpu.vector_load %arg6[%parallel_loop3A_588, %parallel_loop3A_589, %parallel_loop3A_590] {strides = array<i32>} : memref<2x32x512xf32, #tpu.memory_space<vmem>>, vector<1x1x16xf32>,
      %parallel_loop3A_592 = vector.shape_cast %parallel_loop3A_591 : vector<1x1x16xf32> to vector<16xf32>
      %parallel_loop3A_593 = arith.subf %parallel_loop3A_586, %parallel_loop3A_592 : vector<16xf32>
      %parallel_loop3A_594 = arith.mulf %parallel_loop3A_593, %parallel_loop3A_593 : vector<16xf32>
      %parallel_loop3A_595 = arith.addf %parallel_loop3A_475, %parallel_loop3A_594 : vector<16xf32>
      %parallel_loop3A_596 = arith.constant 0 : i32
      %parallel_loop3A_597 = arith.index_cast %parallel_loop3A_596 : i32 to index
      %parallel_loop3A_598 = arith.index_cast %parallel_loop3A_257 : i32 to index
      %parallel_loop3A_599 = arith.constant 352 : index
      %parallel_loop3A_600 = tpu.vector_load %arg5[%parallel_loop3A_597, %parallel_loop3A_598, %parallel_loop3A_599] {strides = array<i32>} : memref<2x32x512xf32, #tpu.memory_space<vmem>>, vector<1x1x16xf32>,
      %parallel_loop3A_601 = vector.shape_cast %parallel_loop3A_600 : vector<1x1x16xf32> to vector<16xf32>
      %parallel_loop3A_602 = arith.constant 0 : i32
      %parallel_loop3A_603 = arith.index_cast %parallel_loop3A_602 : i32 to index
      %parallel_loop3A_604 = arith.index_cast %parallel_loop3A_257 : i32 to index
      %parallel_loop3A_605 = arith.constant 352 : index
      %parallel_loop3A_606 = tpu.vector_load %arg6[%parallel_loop3A_603, %parallel_loop3A_604, %parallel_loop3A_605] {strides = array<i32>} : memref<2x32x512xf32, #tpu.memory_space<vmem>>, vector<1x1x16xf32>,
      %parallel_loop3A_607 = vector.shape_cast %parallel_loop3A_606 : vector<1x1x16xf32> to vector<16xf32>
      %parallel_loop3A_608 = arith.subf %parallel_loop3A_601, %parallel_loop3A_607 : vector<16xf32>
      %parallel_loop3A_609 = arith.mulf %parallel_loop3A_608, %parallel_loop3A_608 : vector<16xf32>
      %parallel_loop3A_610 = arith.addf %parallel_loop3A_490, %parallel_loop3A_609 : vector<16xf32>
      %parallel_loop3A_611 = arith.constant 0 : i32
      %parallel_loop3A_612 = arith.index_cast %parallel_loop3A_611 : i32 to index
      %parallel_loop3A_613 = arith.index_cast %parallel_loop3A_257 : i32 to index
      %parallel_loop3A_614 = arith.constant 368 : index
      %parallel_loop3A_615 = tpu.vector_load %arg5[%parallel_loop3A_612, %parallel_loop3A_613, %parallel_loop3A_614] {strides = array<i32>} : memref<2x32x512xf32, #tpu.memory_space<vmem>>, vector<1x1x16xf32>,
      %parallel_loop3A_616 = vector.shape_cast %parallel_loop3A_615 : vector<1x1x16xf32> to vector<16xf32>
      %parallel_loop3A_617 = arith.constant 0 : i32
      %parallel_loop3A_618 = arith.index_cast %parallel_loop3A_617 : i32 to index
      %parallel_loop3A_619 = arith.index_cast %parallel_loop3A_257 : i32 to index
      %parallel_loop3A_620 = arith.constant 368 : index
      %parallel_loop3A_621 = tpu.vector_load %arg6[%parallel_loop3A_618, %parallel_loop3A_619, %parallel_loop3A_620] {strides = array<i32>} : memref<2x32x512xf32, #tpu.memory_space<vmem>>, vector<1x1x16xf32>,
      %parallel_loop3A_622 = vector.shape_cast %parallel_loop3A_621 : vector<1x1x16xf32> to vector<16xf32>
      %parallel_loop3A_623 = arith.subf %parallel_loop3A_616, %parallel_loop3A_622 : vector<16xf32>
      %parallel_loop3A_624 = arith.mulf %parallel_loop3A_623, %parallel_loop3A_623 : vector<16xf32>
      %parallel_loop3A_625 = arith.addf %parallel_loop3A_505, %parallel_loop3A_624 : vector<16xf32>
      %parallel_loop3A_626 = arith.constant 0 : i32
      %parallel_loop3A_627 = arith.index_cast %parallel_loop3A_626 : i32 to index
      %parallel_loop3A_628 = arith.index_cast %parallel_loop3A_257 : i32 to index
      %parallel_loop3A_629 = arith.constant 384 : index
      %parallel_loop3A_630 = tpu.vector_load %arg5[%parallel_loop3A_627, %parallel_loop3A_628, %parallel_loop3A_629] {strides = array<i32>} : memref<2x32x512xf32, #tpu.memory_space<vmem>>, vector<1x1x16xf32>,
      %parallel_loop3A_631 = vector.shape_cast %parallel_loop3A_630 : vector<1x1x16xf32> to vector<16xf32>
      %parallel_loop3A_632 = arith.constant 0 : i32
      %parallel_loop3A_633 = arith.index_cast %parallel_loop3A_632 : i32 to index
      %parallel_loop3A_634 = arith.index_cast %parallel_loop3A_257 : i32 to index
      %parallel_loop3A_635 = arith.constant 384 : index
      %parallel_loop3A_636 = tpu.vector_load %arg6[%parallel_loop3A_633, %parallel_loop3A_634, %parallel_loop3A_635] {strides = array<i32>} : memref<2x32x512xf32, #tpu.memory_space<vmem>>, vector<1x1x16xf32>,
      %parallel_loop3A_637 = vector.shape_cast %parallel_loop3A_636 : vector<1x1x16xf32> to vector<16xf32>
      %parallel_loop3A_638 = arith.subf %parallel_loop3A_631, %parallel_loop3A_637 : vector<16xf32>
      %parallel_loop3A_639 = arith.mulf %parallel_loop3A_638, %parallel_loop3A_638 : vector<16xf32>
      %parallel_loop3A_640 = arith.addf %parallel_loop3A_520, %parallel_loop3A_639 : vector<16xf32>
      %parallel_loop3A_641 = arith.constant 0 : i32
      %parallel_loop3A_642 = arith.index_cast %parallel_loop3A_641 : i32 to index
      %parallel_loop3A_643 = arith.index_cast %parallel_loop3A_257 : i32 to index
      %parallel_loop3A_644 = arith.constant 400 : index
      %parallel_loop3A_645 = tpu.vector_load %arg5[%parallel_loop3A_642, %parallel_loop3A_643, %parallel_loop3A_644] {strides = array<i32>} : memref<2x32x512xf32, #tpu.memory_space<vmem>>, vector<1x1x16xf32>,
      %parallel_loop3A_646 = vector.shape_cast %parallel_loop3A_645 : vector<1x1x16xf32> to vector<16xf32>
      %parallel_loop3A_647 = arith.constant 0 : i32
      %parallel_loop3A_648 = arith.index_cast %parallel_loop3A_647 : i32 to index
      %parallel_loop3A_649 = arith.index_cast %parallel_loop3A_257 : i32 to index
      %parallel_loop3A_650 = arith.constant 400 : index
      %parallel_loop3A_651 = tpu.vector_load %arg6[%parallel_loop3A_648, %parallel_loop3A_649, %parallel_loop3A_650] {strides = array<i32>} : memref<2x32x512xf32, #tpu.memory_space<vmem>>, vector<1x1x16xf32>,
      %parallel_loop3A_652 = vector.shape_cast %parallel_loop3A_651 : vector<1x1x16xf32> to vector<16xf32>
      %parallel_loop3A_653 = arith.subf %parallel_loop3A_646, %parallel_loop3A_652 : vector<16xf32>
      %parallel_loop3A_654 = arith.mulf %parallel_loop3A_653, %parallel_loop3A_653 : vector<16xf32>
      %parallel_loop3A_655 = arith.addf %parallel_loop3A_535, %parallel_loop3A_654 : vector<16xf32>
      %parallel_loop3A_656 = arith.constant 0 : i32
      %parallel_loop3A_657 = arith.index_cast %parallel_loop3A_656 : i32 to index
      %parallel_loop3A_658 = arith.index_cast %parallel_loop3A_257 : i32 to index
      %parallel_loop3A_659 = arith.constant 416 : index
      %parallel_loop3A_660 = tpu.vector_load %arg5[%parallel_loop3A_657, %parallel_loop3A_658, %parallel_loop3A_659] {strides = array<i32>} : memref<2x32x512xf32, #tpu.memory_space<vmem>>, vector<1x1x16xf32>,
      %parallel_loop3A_661 = vector.shape_cast %parallel_loop3A_660 : vector<1x1x16xf32> to vector<16xf32>
      %parallel_loop3A_662 = arith.constant 0 : i32
      %parallel_loop3A_663 = arith.index_cast %parallel_loop3A_662 : i32 to index
      %parallel_loop3A_664 = arith.index_cast %parallel_loop3A_257 : i32 to index
      %parallel_loop3A_665 = arith.constant 416 : index
      %parallel_loop3A_666 = tpu.vector_load %arg6[%parallel_loop3A_663, %parallel_loop3A_664, %parallel_loop3A_665] {strides = array<i32>} : memref<2x32x512xf32, #tpu.memory_space<vmem>>, vector<1x1x16xf32>,
      %parallel_loop3A_667 = vector.shape_cast %parallel_loop3A_666 : vector<1x1x16xf32> to vector<16xf32>
      %parallel_loop3A_668 = arith.subf %parallel_loop3A_661, %parallel_loop3A_667 : vector<16xf32>
      %parallel_loop3A_669 = arith.mulf %parallel_loop3A_668, %parallel_loop3A_668 : vector<16xf32>
      %parallel_loop3A_670 = arith.addf %parallel_loop3A_550, %parallel_loop3A_669 : vector<16xf32>
      %parallel_loop3A_671 = arith.constant 0 : i32
      %parallel_loop3A_672 = arith.index_cast %parallel_loop3A_671 : i32 to index
      %parallel_loop3A_673 = arith.index_cast %parallel_loop3A_257 : i32 to index
      %parallel_loop3A_674 = arith.constant 432 : index
      %parallel_loop3A_675 = tpu.vector_load %arg5[%parallel_loop3A_672, %parallel_loop3A_673, %parallel_loop3A_674] {strides = array<i32>} : memref<2x32x512xf32, #tpu.memory_space<vmem>>, vector<1x1x16xf32>,
      %parallel_loop3A_676 = vector.shape_cast %parallel_loop3A_675 : vector<1x1x16xf32> to vector<16xf32>
      %parallel_loop3A_677 = arith.constant 0 : i32
      %parallel_loop3A_678 = arith.index_cast %parallel_loop3A_677 : i32 to index
      %parallel_loop3A_679 = arith.index_cast %parallel_loop3A_257 : i32 to index
      %parallel_loop3A_680 = arith.constant 432 : index
      %parallel_loop3A_681 = tpu.vector_load %arg6[%parallel_loop3A_678, %parallel_loop3A_679, %parallel_loop3A_680] {strides = array<i32>} : memref<2x32x512xf32, #tpu.memory_space<vmem>>, vector<1x1x16xf32>,
      %parallel_loop3A_682 = vector.shape_cast %parallel_loop3A_681 : vector<1x1x16xf32> to vector<16xf32>
      %parallel_loop3A_683 = arith.subf %parallel_loop3A_676, %parallel_loop3A_682 : vector<16xf32>
      %parallel_loop3A_684 = arith.mulf %parallel_loop3A_683, %parallel_loop3A_683 : vector<16xf32>
      %parallel_loop3A_685 = arith.addf %parallel_loop3A_565, %parallel_loop3A_684 : vector<16xf32>
      %parallel_loop3A_686 = arith.constant 0 : i32
      %parallel_loop3A_687 = arith.index_cast %parallel_loop3A_686 : i32 to index
      %parallel_loop3A_688 = arith.index_cast %parallel_loop3A_257 : i32 to index
      %parallel_loop3A_689 = arith.constant 448 : index
      %parallel_loop3A_690 = tpu.vector_load %arg5[%parallel_loop3A_687, %parallel_loop3A_688, %parallel_loop3A_689] {strides = array<i32>} : memref<2x32x512xf32, #tpu.memory_space<vmem>>, vector<1x1x16xf32>,
      %parallel_loop3A_691 = vector.shape_cast %parallel_loop3A_690 : vector<1x1x16xf32> to vector<16xf32>
      %parallel_loop3A_692 = arith.constant 0 : i32
      %parallel_loop3A_693 = arith.index_cast %parallel_loop3A_692 : i32 to index
      %parallel_loop3A_694 = arith.index_cast %parallel_loop3A_257 : i32 to index
      %parallel_loop3A_695 = arith.constant 448 : index
      %parallel_loop3A_696 = tpu.vector_load %arg6[%parallel_loop3A_693, %parallel_loop3A_694, %parallel_loop3A_695] {strides = array<i32>} : memref<2x32x512xf32, #tpu.memory_space<vmem>>, vector<1x1x16xf32>,
      %parallel_loop3A_697 = vector.shape_cast %parallel_loop3A_696 : vector<1x1x16xf32> to vector<16xf32>
      %parallel_loop3A_698 = arith.subf %parallel_loop3A_691, %parallel_loop3A_697 : vector<16xf32>
      %parallel_loop3A_699 = arith.mulf %parallel_loop3A_698, %parallel_loop3A_698 : vector<16xf32>
      %parallel_loop3A_700 = arith.addf %parallel_loop3A_580, %parallel_loop3A_699 : vector<16xf32>
      %parallel_loop3A_701 = arith.constant 0 : i32
      %parallel_loop3A_702 = arith.index_cast %parallel_loop3A_701 : i32 to index
      %parallel_loop3A_703 = arith.index_cast %parallel_loop3A_257 : i32 to index
      %parallel_loop3A_704 = arith.constant 464 : index
      %parallel_loop3A_705 = tpu.vector_load %arg5[%parallel_loop3A_702, %parallel_loop3A_703, %parallel_loop3A_704] {strides = array<i32>} : memref<2x32x512xf32, #tpu.memory_space<vmem>>, vector<1x1x16xf32>,
      %parallel_loop3A_706 = vector.shape_cast %parallel_loop3A_705 : vector<1x1x16xf32> to vector<16xf32>
      %parallel_loop3A_707 = arith.constant 0 : i32
      %parallel_loop3A_708 = arith.index_cast %parallel_loop3A_707 : i32 to index
      %parallel_loop3A_709 = arith.index_cast %parallel_loop3A_257 : i32 to index
      %parallel_loop3A_710 = arith.constant 464 : index
      %parallel_loop3A_711 = tpu.vector_load %arg6[%parallel_loop3A_708, %parallel_loop3A_709, %parallel_loop3A_710] {strides = array<i32>} : memref<2x32x512xf32, #tpu.memory_space<vmem>>, vector<1x1x16xf32>,
      %parallel_loop3A_712 = vector.shape_cast %parallel_loop3A_711 : vector<1x1x16xf32> to vector<16xf32>
      %parallel_loop3A_713 = arith.subf %parallel_loop3A_706, %parallel_loop3A_712 : vector<16xf32>
      %parallel_loop3A_714 = arith.mulf %parallel_loop3A_713, %parallel_loop3A_713 : vector<16xf32>
      %parallel_loop3A_715 = arith.addf %parallel_loop3A_595, %parallel_loop3A_714 : vector<16xf32>
      %parallel_loop3A_716 = arith.constant 0 : i32
      %parallel_loop3A_717 = arith.index_cast %parallel_loop3A_716 : i32 to index
      %parallel_loop3A_718 = arith.index_cast %parallel_loop3A_257 : i32 to index
      %parallel_loop3A_719 = arith.constant 480 : index
      %parallel_loop3A_720 = tpu.vector_load %arg5[%parallel_loop3A_717, %parallel_loop3A_718, %parallel_loop3A_719] {strides = array<i32>} : memref<2x32x512xf32, #tpu.memory_space<vmem>>, vector<1x1x16xf32>,
      %parallel_loop3A_721 = vector.shape_cast %parallel_loop3A_720 : vector<1x1x16xf32> to vector<16xf32>
      %parallel_loop3A_722 = arith.constant 0 : i32
      %parallel_loop3A_723 = arith.index_cast %parallel_loop3A_722 : i32 to index
      %parallel_loop3A_724 = arith.index_cast %parallel_loop3A_257 : i32 to index
      %parallel_loop3A_725 = arith.constant 480 : index
      %parallel_loop3A_726 = tpu.vector_load %arg6[%parallel_loop3A_723, %parallel_loop3A_724, %parallel_loop3A_725] {strides = array<i32>} : memref<2x32x512xf32, #tpu.memory_space<vmem>>, vector<1x1x16xf32>,
      %parallel_loop3A_727 = vector.shape_cast %parallel_loop3A_726 : vector<1x1x16xf32> to vector<16xf32>
      %parallel_loop3A_728 = arith.subf %parallel_loop3A_721, %parallel_loop3A_727 : vector<16xf32>
      %parallel_loop3A_729 = arith.mulf %parallel_loop3A_728, %parallel_loop3A_728 : vector<16xf32>
      %parallel_loop3A_730 = arith.addf %parallel_loop3A_610, %parallel_loop3A_729 : vector<16xf32>
      %parallel_loop3A_731 = arith.constant 0 : i32
      %parallel_loop3A_732 = arith.index_cast %parallel_loop3A_731 : i32 to index
      %parallel_loop3A_733 = arith.index_cast %parallel_loop3A_257 : i32 to index
      %parallel_loop3A_734 = arith.constant 496 : index
      %parallel_loop3A_735 = tpu.vector_load %arg5[%parallel_loop3A_732, %parallel_loop3A_733, %parallel_loop3A_734] {strides = array<i32>} : memref<2x32x512xf32, #tpu.memory_space<vmem>>, vector<1x1x16xf32>,
      %parallel_loop3A_736 = vector.shape_cast %parallel_loop3A_735 : vector<1x1x16xf32> to vector<16xf32>
      %parallel_loop3A_737 = arith.constant 0 : i32
      %parallel_loop3A_738 = arith.index_cast %parallel_loop3A_737 : i32 to index
      %parallel_loop3A_739 = arith.index_cast %parallel_loop3A_257 : i32 to index
      %parallel_loop3A_740 = arith.constant 496 : index
      %parallel_loop3A_741 = tpu.vector_load %arg6[%parallel_loop3A_738, %parallel_loop3A_739, %parallel_loop3A_740] {strides = array<i32>} : memref<2x32x512xf32, #tpu.memory_space<vmem>>, vector<1x1x16xf32>,
      %parallel_loop3A_742 = vector.shape_cast %parallel_loop3A_741 : vector<1x1x16xf32> to vector<16xf32>
      %parallel_loop3A_743 = arith.subf %parallel_loop3A_736, %parallel_loop3A_742 : vector<16xf32>
      %parallel_loop3A_744 = arith.mulf %parallel_loop3A_743, %parallel_loop3A_743 : vector<16xf32>
      %parallel_loop3A_745 = arith.addf %parallel_loop3A_625, %parallel_loop3A_744 : vector<16xf32>
      scf.yield %parallel_loop3A_640, %parallel_loop3A_655, %parallel_loop3A_670, %parallel_loop3A_685, %parallel_loop3A_700, %parallel_loop3A_715, %parallel_loop3A_730, %parallel_loop3A_745 : vector<16xf32>, vector<16xf32>, vector<16xf32>, vector<16xf32>, vector<16xf32>, vector<16xf32>, vector<16xf32>, vector<16xf32>
    } {sc.loop_unroll_factor = 1 : i64, sc.parallel_access}
    %dma_wait3A_101 = arith.constant 1 : i32
    %dma_wait3A_102 = arith.constant 0 : i32
    %dma_wait3A_103 = arith.constant 0 : i32
    %dma_wait3A_104 = tpu.memref_slice %arg5[%dma_wait3A_101, %dma_wait3A_102, %dma_wait3A_103] : memref<2x32x512xf32, #tpu.memory_space<vmem>> -> memref<1x32x512xf32, #tpu.memory_space<vmem>>
    %dma_wait3A_105 = tpu.memref_squeeze %dma_wait3A_104 : memref<1x32x512xf32, #tpu.memory_space<vmem>> -> memref<32x512xf32, #tpu.memory_space<vmem>>
    %dma_wait3A_106 = arith.constant 0 : i32
    %dma_wait3A_107 = tpu.memref_slice %arg2[%add3A_71, %dma_wait3A_106] : memref<16384x512xf32, #tpu.memory_space<hbm>> -> memref<32x512xf32, #tpu.memory_space<hbm>>
    %dma_wait3A_108 = arith.constant 0 : i32
    %dma_wait3A_109 = arith.constant 0 : i32
    %dma_wait3A_110 = tpu.memref_slice %arg5[%dma_wait3A_101, %dma_wait3A_108, %dma_wait3A_109] : memref<2x32x512xf32, #tpu.memory_space<vmem>> -> memref<1x32x512xf32, #tpu.memory_space<vmem>>
    %dma_wait3A_111 = tpu.memref_squeeze %dma_wait3A_110 : memref<1x32x512xf32, #tpu.memory_space<vmem>> -> memref<32x512xf32, #tpu.memory_space<vmem>>
    %dma_wait3A_112 = arith.constant 0 : i32
    %dma_wait3A_113 = tpu.memref_slice %arg2[%add3A_71, %dma_wait3A_112] : memref<16384x512xf32, #tpu.memory_space<hbm>> -> memref<32x512xf32, #tpu.memory_space<hbm>>
    tpu.wait_dma2 semaphore(%arg9 : memref<!tpu.dma_semaphore, #tpu.memory_space<semaphore_mem>>) src(%dma_wait3A_113 : memref<32x512xf32, #tpu.memory_space<hbm>>) dst(%dma_wait3A_111 : memref<32x512xf32, #tpu.memory_space<vmem>>)
    %dma_wait3A_114 = arith.constant 1 : i32
    %dma_wait3A_115 = arith.constant 0 : i32
    %dma_wait3A_116 = arith.constant 0 : i32
    %dma_wait3A_117 = tpu.memref_slice %arg6[%dma_wait3A_114, %dma_wait3A_115, %dma_wait3A_116] : memref<2x32x512xf32, #tpu.memory_space<vmem>> -> memref<1x32x512xf32, #tpu.memory_space<vmem>>
    %dma_wait3A_118 = tpu.memref_squeeze %dma_wait3A_117 : memref<1x32x512xf32, #tpu.memory_space<vmem>> -> memref<32x512xf32, #tpu.memory_space<vmem>>
    %dma_wait3A_119 = arith.constant 0 : i32
    %dma_wait3A_120 = tpu.memref_slice %arg3[%add3A_71, %dma_wait3A_119] : memref<16384x512xf32, #tpu.memory_space<hbm>> -> memref<32x512xf32, #tpu.memory_space<hbm>>
    %dma_wait3A_121 = arith.constant 0 : i32
    %dma_wait3A_122 = arith.constant 0 : i32
    %dma_wait3A_123 = tpu.memref_slice %arg6[%dma_wait3A_114, %dma_wait3A_121, %dma_wait3A_122] : memref<2x32x512xf32, #tpu.memory_space<vmem>> -> memref<1x32x512xf32, #tpu.memory_space<vmem>>
    %dma_wait3A_124 = tpu.memref_squeeze %dma_wait3A_123 : memref<1x32x512xf32, #tpu.memory_space<vmem>> -> memref<32x512xf32, #tpu.memory_space<vmem>>
    %dma_wait3A_125 = arith.constant 0 : i32
    %dma_wait3A_126 = tpu.memref_slice %arg3[%add3A_71, %dma_wait3A_125] : memref<16384x512xf32, #tpu.memory_space<hbm>> -> memref<32x512xf32, #tpu.memory_space<hbm>>
    tpu.wait_dma2 semaphore(%arg9 : memref<!tpu.dma_semaphore, #tpu.memory_space<semaphore_mem>>) src(%dma_wait3A_126 : memref<32x512xf32, #tpu.memory_space<hbm>>) dst(%dma_wait3A_124 : memref<32x512xf32, #tpu.memory_space<vmem>>)
    %add3A_127 = arith.constant 64 : i32
    %add3A_128 = arith.addi %mul3A_2, %add3A_127 : i32
    %dma_start3A_129 = arith.constant 0 : i32
    %dma_start3A_130 = arith.constant 0 : i32
    %dma_start3A_131 = arith.constant 0 : i32
    %dma_start3A_132 = tpu.memref_slice %arg5[%dma_start3A_129, %dma_start3A_130, %dma_start3A_131] : memref<2x32x512xf32, #tpu.memory_space<vmem>> -> memref<1x32x512xf32, #tpu.memory_space<vmem>>
    %dma_start3A_133 = tpu.memref_squeeze %dma_start3A_132 : memref<1x32x512xf32, #tpu.memory_space<vmem>> -> memref<32x512xf32, #tpu.memory_space<vmem>>
    %dma_start3A_134 = arith.constant 0 : i32
    %dma_start3A_135 = tpu.memref_slice %arg2[%add3A_128, %dma_start3A_134] : memref<16384x512xf32, #tpu.memory_space<hbm>> -> memref<32x512xf32, #tpu.memory_space<hbm>>
    %dma_start3A_136 = arith.constant 0 : i32
    %dma_start3A_137 = arith.constant 0 : i32
    %dma_start3A_138 = tpu.memref_slice %arg5[%dma_start3A_129, %dma_start3A_136, %dma_start3A_137] : memref<2x32x512xf32, #tpu.memory_space<vmem>> -> memref<1x32x512xf32, #tpu.memory_space<vmem>>
    %dma_start3A_139 = tpu.memref_squeeze %dma_start3A_138 : memref<1x32x512xf32, #tpu.memory_space<vmem>> -> memref<32x512xf32, #tpu.memory_space<vmem>>
    %dma_start3A_140 = arith.constant 0 : i32
    %dma_start3A_141 = tpu.memref_slice %arg2[%add3A_128, %dma_start3A_140] : memref<16384x512xf32, #tpu.memory_space<hbm>> -> memref<32x512xf32, #tpu.memory_space<hbm>>
    tpu.enqueue_dma source(%dma_start3A_141 : memref<32x512xf32, #tpu.memory_space<hbm>>) target(%dma_start3A_139 : memref<32x512xf32, #tpu.memory_space<vmem>>) target_semaphore(%arg8 : memref<!tpu.dma_semaphore, #tpu.memory_space<semaphore_mem>>)
    %dma_start3A_142 = arith.constant 0 : i32
    %dma_start3A_143 = arith.constant 0 : i32
    %dma_start3A_144 = arith.constant 0 : i32
    %dma_start3A_145 = tpu.memref_slice %arg6[%dma_start3A_142, %dma_start3A_143, %dma_start3A_144] : memref<2x32x512xf32, #tpu.memory_space<vmem>> -> memref<1x32x512xf32, #tpu.memory_space<vmem>>
    %dma_start3A_146 = tpu.memref_squeeze %dma_start3A_145 : memref<1x32x512xf32, #tpu.memory_space<vmem>> -> memref<32x512xf32, #tpu.memory_space<vmem>>
    %dma_start3A_147 = arith.constant 0 : i32
    %dma_start3A_148 = tpu.memref_slice %arg3[%add3A_128, %dma_start3A_147] : memref<16384x512xf32, #tpu.memory_space<hbm>> -> memref<32x512xf32, #tpu.memory_space<hbm>>
    %dma_start3A_149 = arith.constant 0 : i32
    %dma_start3A_150 = arith.constant 0 : i32
    %dma_start3A_151 = tpu.memref_slice %arg6[%dma_start3A_142, %dma_start3A_149, %dma_start3A_150] : memref<2x32x512xf32, #tpu.memory_space<vmem>> -> memref<1x32x512xf32, #tpu.memory_space<vmem>>
    %dma_start3A_152 = tpu.memref_squeeze %dma_start3A_151 : memref<1x32x512xf32, #tpu.memory_space<vmem>> -> memref<32x512xf32, #tpu.memory_space<vmem>>
    %dma_start3A_153 = arith.constant 0 : i32
    %dma_start3A_154 = tpu.memref_slice %arg3[%add3A_128, %dma_start3A_153] : memref<16384x512xf32, #tpu.memory_space<hbm>> -> memref<32x512xf32, #tpu.memory_space<hbm>>
    tpu.enqueue_dma source(%dma_start3A_154 : memref<32x512xf32, #tpu.memory_space<hbm>>) target(%dma_start3A_152 : memref<32x512xf32, #tpu.memory_space<vmem>>) target_semaphore(%arg8 : memref<!tpu.dma_semaphore, #tpu.memory_space<semaphore_mem>>)
    %parallel_loop3A_155 = arith.constant 0 : i32
    %parallel_loop3A_156 = arith.constant 32 : i32
    %parallel_loop3A_157 = arith.constant 1 : i32
    %parallel_loop3A_158:8 = scf.for %parallel_loop3A_257 = %parallel_loop3A_155 to %parallel_loop3A_156 step %parallel_loop3A_157 iter_args(%parallel_loop3A_258 = %parallel_loop3A_100#0, %parallel_loop3A_259 = %parallel_loop3A_100#1, %parallel_loop3A_260 = %parallel_loop3A_100#2, %parallel_loop3A_261 = %parallel_loop3A_100#3, %parallel_loop3A_262 = %parallel_loop3A_100#4, %parallel_loop3A_263 = %parallel_loop3A_100#5, %parallel_loop3A_264 = %parallel_loop3A_100#6, %parallel_loop3A_265 = %parallel_loop3A_100#7) -> (vector<16xf32>, vector<16xf32>, vector<16xf32>, vector<16xf32>, vector<16xf32>, vector<16xf32>, vector<16xf32>, vector<16xf32>)  : i32 {
      %parallel_loop3A_266 = arith.constant 1 : i32
      %parallel_loop3A_267 = arith.index_cast %parallel_loop3A_266 : i32 to index
      %parallel_loop3A_268 = arith.index_cast %parallel_loop3A_257 : i32 to index
      %parallel_loop3A_269 = arith.constant 0 : index
      %parallel_loop3A_270 = tpu.vector_load %arg5[%parallel_loop3A_267, %parallel_loop3A_268, %parallel_loop3A_269] {strides = array<i32>} : memref<2x32x512xf32, #tpu.memory_space<vmem>>, vector<1x1x16xf32>,
      %parallel_loop3A_271 = vector.shape_cast %parallel_loop3A_270 : vector<1x1x16xf32> to vector<16xf32>
      %parallel_loop3A_272 = arith.constant 1 : i32
      %parallel_loop3A_273 = arith.index_cast %parallel_loop3A_272 : i32 to index
      %parallel_loop3A_274 = arith.index_cast %parallel_loop3A_257 : i32 to index
      %parallel_loop3A_275 = arith.constant 0 : index
      %parallel_loop3A_276 = tpu.vector_load %arg6[%parallel_loop3A_273, %parallel_loop3A_274, %parallel_loop3A_275] {strides = array<i32>} : memref<2x32x512xf32, #tpu.memory_space<vmem>>, vector<1x1x16xf32>,
      %parallel_loop3A_277 = vector.shape_cast %parallel_loop3A_276 : vector<1x1x16xf32> to vector<16xf32>
      %parallel_loop3A_278 = arith.subf %parallel_loop3A_271, %parallel_loop3A_277 : vector<16xf32>
      %parallel_loop3A_279 = arith.mulf %parallel_loop3A_278, %parallel_loop3A_278 : vector<16xf32>
      %parallel_loop3A_280 = arith.addf %parallel_loop3A_258, %parallel_loop3A_279 : vector<16xf32>
      %parallel_loop3A_281 = arith.constant 1 : i32
      %parallel_loop3A_282 = arith.index_cast %parallel_loop3A_281 : i32 to index
      %parallel_loop3A_283 = arith.index_cast %parallel_loop3A_257 : i32 to index
      %parallel_loop3A_284 = arith.constant 16 : index
      %parallel_loop3A_285 = tpu.vector_load %arg5[%parallel_loop3A_282, %parallel_loop3A_283, %parallel_loop3A_284] {strides = array<i32>} : memref<2x32x512xf32, #tpu.memory_space<vmem>>, vector<1x1x16xf32>,
      %parallel_loop3A_286 = vector.shape_cast %parallel_loop3A_285 : vector<1x1x16xf32> to vector<16xf32>
      %parallel_loop3A_287 = arith.constant 1 : i32
      %parallel_loop3A_288 = arith.index_cast %parallel_loop3A_287 : i32 to index
      %parallel_loop3A_289 = arith.index_cast %parallel_loop3A_257 : i32 to index
      %parallel_loop3A_290 = arith.constant 16 : index
      %parallel_loop3A_291 = tpu.vector_load %arg6[%parallel_loop3A_288, %parallel_loop3A_289, %parallel_loop3A_290] {strides = array<i32>} : memref<2x32x512xf32, #tpu.memory_space<vmem>>, vector<1x1x16xf32>,
      %parallel_loop3A_292 = vector.shape_cast %parallel_loop3A_291 : vector<1x1x16xf32> to vector<16xf32>
      %parallel_loop3A_293 = arith.subf %parallel_loop3A_286, %parallel_loop3A_292 : vector<16xf32>
      %parallel_loop3A_294 = arith.mulf %parallel_loop3A_293, %parallel_loop3A_293 : vector<16xf32>
      %parallel_loop3A_295 = arith.addf %parallel_loop3A_259, %parallel_loop3A_294 : vector<16xf32>
      %parallel_loop3A_296 = arith.constant 1 : i32
      %parallel_loop3A_297 = arith.index_cast %parallel_loop3A_296 : i32 to index
      %parallel_loop3A_298 = arith.index_cast %parallel_loop3A_257 : i32 to index
      %parallel_loop3A_299 = arith.constant 32 : index
      %parallel_loop3A_300 = tpu.vector_load %arg5[%parallel_loop3A_297, %parallel_loop3A_298, %parallel_loop3A_299] {strides = array<i32>} : memref<2x32x512xf32, #tpu.memory_space<vmem>>, vector<1x1x16xf32>,
      %parallel_loop3A_301 = vector.shape_cast %parallel_loop3A_300 : vector<1x1x16xf32> to vector<16xf32>
      %parallel_loop3A_302 = arith.constant 1 : i32
      %parallel_loop3A_303 = arith.index_cast %parallel_loop3A_302 : i32 to index
      %parallel_loop3A_304 = arith.index_cast %parallel_loop3A_257 : i32 to index
      %parallel_loop3A_305 = arith.constant 32 : index
      %parallel_loop3A_306 = tpu.vector_load %arg6[%parallel_loop3A_303, %parallel_loop3A_304, %parallel_loop3A_305] {strides = array<i32>} : memref<2x32x512xf32, #tpu.memory_space<vmem>>, vector<1x1x16xf32>,
      %parallel_loop3A_307 = vector.shape_cast %parallel_loop3A_306 : vector<1x1x16xf32> to vector<16xf32>
      %parallel_loop3A_308 = arith.subf %parallel_loop3A_301, %parallel_loop3A_307 : vector<16xf32>
      %parallel_loop3A_309 = arith.mulf %parallel_loop3A_308, %parallel_loop3A_308 : vector<16xf32>
      %parallel_loop3A_310 = arith.addf %parallel_loop3A_260, %parallel_loop3A_309 : vector<16xf32>
      %parallel_loop3A_311 = arith.constant 1 : i32
      %parallel_loop3A_312 = arith.index_cast %parallel_loop3A_311 : i32 to index
      %parallel_loop3A_313 = arith.index_cast %parallel_loop3A_257 : i32 to index
      %parallel_loop3A_314 = arith.constant 48 : index
      %parallel_loop3A_315 = tpu.vector_load %arg5[%parallel_loop3A_312, %parallel_loop3A_313, %parallel_loop3A_314] {strides = array<i32>} : memref<2x32x512xf32, #tpu.memory_space<vmem>>, vector<1x1x16xf32>,
      %parallel_loop3A_316 = vector.shape_cast %parallel_loop3A_315 : vector<1x1x16xf32> to vector<16xf32>
      %parallel_loop3A_317 = arith.constant 1 : i32
      %parallel_loop3A_318 = arith.index_cast %parallel_loop3A_317 : i32 to index
      %parallel_loop3A_319 = arith.index_cast %parallel_loop3A_257 : i32 to index
      %parallel_loop3A_320 = arith.constant 48 : index
      %parallel_loop3A_321 = tpu.vector_load %arg6[%parallel_loop3A_318, %parallel_loop3A_319, %parallel_loop3A_320] {strides = array<i32>} : memref<2x32x512xf32, #tpu.memory_space<vmem>>, vector<1x1x16xf32>,
      %parallel_loop3A_322 = vector.shape_cast %parallel_loop3A_321 : vector<1x1x16xf32> to vector<16xf32>
      %parallel_loop3A_323 = arith.subf %parallel_loop3A_316, %parallel_loop3A_322 : vector<16xf32>
      %parallel_loop3A_324 = arith.mulf %parallel_loop3A_323, %parallel_loop3A_323 : vector<16xf32>
      %parallel_loop3A_325 = arith.addf %parallel_loop3A_261, %parallel_loop3A_324 : vector<16xf32>
      %parallel_loop3A_326 = arith.constant 1 : i32
      %parallel_loop3A_327 = arith.index_cast %parallel_loop3A_326 : i32 to index
      %parallel_loop3A_328 = arith.index_cast %parallel_loop3A_257 : i32 to index
      %parallel_loop3A_329 = arith.constant 64 : index
      %parallel_loop3A_330 = tpu.vector_load %arg5[%parallel_loop3A_327, %parallel_loop3A_328, %parallel_loop3A_329] {strides = array<i32>} : memref<2x32x512xf32, #tpu.memory_space<vmem>>, vector<1x1x16xf32>,
      %parallel_loop3A_331 = vector.shape_cast %parallel_loop3A_330 : vector<1x1x16xf32> to vector<16xf32>
      %parallel_loop3A_332 = arith.constant 1 : i32
      %parallel_loop3A_333 = arith.index_cast %parallel_loop3A_332 : i32 to index
      %parallel_loop3A_334 = arith.index_cast %parallel_loop3A_257 : i32 to index
      %parallel_loop3A_335 = arith.constant 64 : index
      %parallel_loop3A_336 = tpu.vector_load %arg6[%parallel_loop3A_333, %parallel_loop3A_334, %parallel_loop3A_335] {strides = array<i32>} : memref<2x32x512xf32, #tpu.memory_space<vmem>>, vector<1x1x16xf32>,
      %parallel_loop3A_337 = vector.shape_cast %parallel_loop3A_336 : vector<1x1x16xf32> to vector<16xf32>
      %parallel_loop3A_338 = arith.subf %parallel_loop3A_331, %parallel_loop3A_337 : vector<16xf32>
      %parallel_loop3A_339 = arith.mulf %parallel_loop3A_338, %parallel_loop3A_338 : vector<16xf32>
      %parallel_loop3A_340 = arith.addf %parallel_loop3A_262, %parallel_loop3A_339 : vector<16xf32>
      %parallel_loop3A_341 = arith.constant 1 : i32
      %parallel_loop3A_342 = arith.index_cast %parallel_loop3A_341 : i32 to index
      %parallel_loop3A_343 = arith.index_cast %parallel_loop3A_257 : i32 to index
      %parallel_loop3A_344 = arith.constant 80 : index
      %parallel_loop3A_345 = tpu.vector_load %arg5[%parallel_loop3A_342, %parallel_loop3A_343, %parallel_loop3A_344] {strides = array<i32>} : memref<2x32x512xf32, #tpu.memory_space<vmem>>, vector<1x1x16xf32>,
      %parallel_loop3A_346 = vector.shape_cast %parallel_loop3A_345 : vector<1x1x16xf32> to vector<16xf32>
      %parallel_loop3A_347 = arith.constant 1 : i32
      %parallel_loop3A_348 = arith.index_cast %parallel_loop3A_347 : i32 to index
      %parallel_loop3A_349 = arith.index_cast %parallel_loop3A_257 : i32 to index
      %parallel_loop3A_350 = arith.constant 80 : index
      %parallel_loop3A_351 = tpu.vector_load %arg6[%parallel_loop3A_348, %parallel_loop3A_349, %parallel_loop3A_350] {strides = array<i32>} : memref<2x32x512xf32, #tpu.memory_space<vmem>>, vector<1x1x16xf32>,
      %parallel_loop3A_352 = vector.shape_cast %parallel_loop3A_351 : vector<1x1x16xf32> to vector<16xf32>
      %parallel_loop3A_353 = arith.subf %parallel_loop3A_346, %parallel_loop3A_352 : vector<16xf32>
      %parallel_loop3A_354 = arith.mulf %parallel_loop3A_353, %parallel_loop3A_353 : vector<16xf32>
      %parallel_loop3A_355 = arith.addf %parallel_loop3A_263, %parallel_loop3A_354 : vector<16xf32>
      %parallel_loop3A_356 = arith.constant 1 : i32
      %parallel_loop3A_357 = arith.index_cast %parallel_loop3A_356 : i32 to index
      %parallel_loop3A_358 = arith.index_cast %parallel_loop3A_257 : i32 to index
      %parallel_loop3A_359 = arith.constant 96 : index
      %parallel_loop3A_360 = tpu.vector_load %arg5[%parallel_loop3A_357, %parallel_loop3A_358, %parallel_loop3A_359] {strides = array<i32>} : memref<2x32x512xf32, #tpu.memory_space<vmem>>, vector<1x1x16xf32>,
      %parallel_loop3A_361 = vector.shape_cast %parallel_loop3A_360 : vector<1x1x16xf32> to vector<16xf32>
      %parallel_loop3A_362 = arith.constant 1 : i32
      %parallel_loop3A_363 = arith.index_cast %parallel_loop3A_362 : i32 to index
      %parallel_loop3A_364 = arith.index_cast %parallel_loop3A_257 : i32 to index
      %parallel_loop3A_365 = arith.constant 96 : index
      %parallel_loop3A_366 = tpu.vector_load %arg6[%parallel_loop3A_363, %parallel_loop3A_364, %parallel_loop3A_365] {strides = array<i32>} : memref<2x32x512xf32, #tpu.memory_space<vmem>>, vector<1x1x16xf32>,
      %parallel_loop3A_367 = vector.shape_cast %parallel_loop3A_366 : vector<1x1x16xf32> to vector<16xf32>
      %parallel_loop3A_368 = arith.subf %parallel_loop3A_361, %parallel_loop3A_367 : vector<16xf32>
      %parallel_loop3A_369 = arith.mulf %parallel_loop3A_368, %parallel_loop3A_368 : vector<16xf32>
      %parallel_loop3A_370 = arith.addf %parallel_loop3A_264, %parallel_loop3A_369 : vector<16xf32>
      %parallel_loop3A_371 = arith.constant 1 : i32
      %parallel_loop3A_372 = arith.index_cast %parallel_loop3A_371 : i32 to index
      %parallel_loop3A_373 = arith.index_cast %parallel_loop3A_257 : i32 to index
      %parallel_loop3A_374 = arith.constant 112 : index
      %parallel_loop3A_375 = tpu.vector_load %arg5[%parallel_loop3A_372, %parallel_loop3A_373, %parallel_loop3A_374] {strides = array<i32>} : memref<2x32x512xf32, #tpu.memory_space<vmem>>, vector<1x1x16xf32>,
      %parallel_loop3A_376 = vector.shape_cast %parallel_loop3A_375 : vector<1x1x16xf32> to vector<16xf32>
      %parallel_loop3A_377 = arith.constant 1 : i32
      %parallel_loop3A_378 = arith.index_cast %parallel_loop3A_377 : i32 to index
      %parallel_loop3A_379 = arith.index_cast %parallel_loop3A_257 : i32 to index
      %parallel_loop3A_380 = arith.constant 112 : index
      %parallel_loop3A_381 = tpu.vector_load %arg6[%parallel_loop3A_378, %parallel_loop3A_379, %parallel_loop3A_380] {strides = array<i32>} : memref<2x32x512xf32, #tpu.memory_space<vmem>>, vector<1x1x16xf32>,
      %parallel_loop3A_382 = vector.shape_cast %parallel_loop3A_381 : vector<1x1x16xf32> to vector<16xf32>
      %parallel_loop3A_383 = arith.subf %parallel_loop3A_376, %parallel_loop3A_382 : vector<16xf32>
      %parallel_loop3A_384 = arith.mulf %parallel_loop3A_383, %parallel_loop3A_383 : vector<16xf32>
      %parallel_loop3A_385 = arith.addf %parallel_loop3A_265, %parallel_loop3A_384 : vector<16xf32>
      %parallel_loop3A_386 = arith.constant 1 : i32
      %parallel_loop3A_387 = arith.index_cast %parallel_loop3A_386 : i32 to index
      %parallel_loop3A_388 = arith.index_cast %parallel_loop3A_257 : i32 to index
      %parallel_loop3A_389 = arith.constant 128 : index
      %parallel_loop3A_390 = tpu.vector_load %arg5[%parallel_loop3A_387, %parallel_loop3A_388, %parallel_loop3A_389] {strides = array<i32>} : memref<2x32x512xf32, #tpu.memory_space<vmem>>, vector<1x1x16xf32>,
      %parallel_loop3A_391 = vector.shape_cast %parallel_loop3A_390 : vector<1x1x16xf32> to vector<16xf32>
      %parallel_loop3A_392 = arith.constant 1 : i32
      %parallel_loop3A_393 = arith.index_cast %parallel_loop3A_392 : i32 to index
      %parallel_loop3A_394 = arith.index_cast %parallel_loop3A_257 : i32 to index
      %parallel_loop3A_395 = arith.constant 128 : index
      %parallel_loop3A_396 = tpu.vector_load %arg6[%parallel_loop3A_393, %parallel_loop3A_394, %parallel_loop3A_395] {strides = array<i32>} : memref<2x32x512xf32, #tpu.memory_space<vmem>>, vector<1x1x16xf32>,
      %parallel_loop3A_397 = vector.shape_cast %parallel_loop3A_396 : vector<1x1x16xf32> to vector<16xf32>
      %parallel_loop3A_398 = arith.subf %parallel_loop3A_391, %parallel_loop3A_397 : vector<16xf32>
      %parallel_loop3A_399 = arith.mulf %parallel_loop3A_398, %parallel_loop3A_398 : vector<16xf32>
      %parallel_loop3A_400 = arith.addf %parallel_loop3A_280, %parallel_loop3A_399 : vector<16xf32>
      %parallel_loop3A_401 = arith.constant 1 : i32
      %parallel_loop3A_402 = arith.index_cast %parallel_loop3A_401 : i32 to index
      %parallel_loop3A_403 = arith.index_cast %parallel_loop3A_257 : i32 to index
      %parallel_loop3A_404 = arith.constant 144 : index
      %parallel_loop3A_405 = tpu.vector_load %arg5[%parallel_loop3A_402, %parallel_loop3A_403, %parallel_loop3A_404] {strides = array<i32>} : memref<2x32x512xf32, #tpu.memory_space<vmem>>, vector<1x1x16xf32>,
      %parallel_loop3A_406 = vector.shape_cast %parallel_loop3A_405 : vector<1x1x16xf32> to vector<16xf32>
      %parallel_loop3A_407 = arith.constant 1 : i32
      %parallel_loop3A_408 = arith.index_cast %parallel_loop3A_407 : i32 to index
      %parallel_loop3A_409 = arith.index_cast %parallel_loop3A_257 : i32 to index
      %parallel_loop3A_410 = arith.constant 144 : index
      %parallel_loop3A_411 = tpu.vector_load %arg6[%parallel_loop3A_408, %parallel_loop3A_409, %parallel_loop3A_410] {strides = array<i32>} : memref<2x32x512xf32, #tpu.memory_space<vmem>>, vector<1x1x16xf32>,
      %parallel_loop3A_412 = vector.shape_cast %parallel_loop3A_411 : vector<1x1x16xf32> to vector<16xf32>
      %parallel_loop3A_413 = arith.subf %parallel_loop3A_406, %parallel_loop3A_412 : vector<16xf32>
      %parallel_loop3A_414 = arith.mulf %parallel_loop3A_413, %parallel_loop3A_413 : vector<16xf32>
      %parallel_loop3A_415 = arith.addf %parallel_loop3A_295, %parallel_loop3A_414 : vector<16xf32>
      %parallel_loop3A_416 = arith.constant 1 : i32
      %parallel_loop3A_417 = arith.index_cast %parallel_loop3A_416 : i32 to index
      %parallel_loop3A_418 = arith.index_cast %parallel_loop3A_257 : i32 to index
      %parallel_loop3A_419 = arith.constant 160 : index
      %parallel_loop3A_420 = tpu.vector_load %arg5[%parallel_loop3A_417, %parallel_loop3A_418, %parallel_loop3A_419] {strides = array<i32>} : memref<2x32x512xf32, #tpu.memory_space<vmem>>, vector<1x1x16xf32>,
      %parallel_loop3A_421 = vector.shape_cast %parallel_loop3A_420 : vector<1x1x16xf32> to vector<16xf32>
      %parallel_loop3A_422 = arith.constant 1 : i32
      %parallel_loop3A_423 = arith.index_cast %parallel_loop3A_422 : i32 to index
      %parallel_loop3A_424 = arith.index_cast %parallel_loop3A_257 : i32 to index
      %parallel_loop3A_425 = arith.constant 160 : index
      %parallel_loop3A_426 = tpu.vector_load %arg6[%parallel_loop3A_423, %parallel_loop3A_424, %parallel_loop3A_425] {strides = array<i32>} : memref<2x32x512xf32, #tpu.memory_space<vmem>>, vector<1x1x16xf32>,
      %parallel_loop3A_427 = vector.shape_cast %parallel_loop3A_426 : vector<1x1x16xf32> to vector<16xf32>
      %parallel_loop3A_428 = arith.subf %parallel_loop3A_421, %parallel_loop3A_427 : vector<16xf32>
      %parallel_loop3A_429 = arith.mulf %parallel_loop3A_428, %parallel_loop3A_428 : vector<16xf32>
      %parallel_loop3A_430 = arith.addf %parallel_loop3A_310, %parallel_loop3A_429 : vector<16xf32>
      %parallel_loop3A_431 = arith.constant 1 : i32
      %parallel_loop3A_432 = arith.index_cast %parallel_loop3A_431 : i32 to index
      %parallel_loop3A_433 = arith.index_cast %parallel_loop3A_257 : i32 to index
      %parallel_loop3A_434 = arith.constant 176 : index
      %parallel_loop3A_435 = tpu.vector_load %arg5[%parallel_loop3A_432, %parallel_loop3A_433, %parallel_loop3A_434] {strides = array<i32>} : memref<2x32x512xf32, #tpu.memory_space<vmem>>, vector<1x1x16xf32>,
      %parallel_loop3A_436 = vector.shape_cast %parallel_loop3A_435 : vector<1x1x16xf32> to vector<16xf32>
      %parallel_loop3A_437 = arith.constant 1 : i32
      %parallel_loop3A_438 = arith.index_cast %parallel_loop3A_437 : i32 to index
      %parallel_loop3A_439 = arith.index_cast %parallel_loop3A_257 : i32 to index
      %parallel_loop3A_440 = arith.constant 176 : index
      %parallel_loop3A_441 = tpu.vector_load %arg6[%parallel_loop3A_438, %parallel_loop3A_439, %parallel_loop3A_440] {strides = array<i32>} : memref<2x32x512xf32, #tpu.memory_space<vmem>>, vector<1x1x16xf32>,
      %parallel_loop3A_442 = vector.shape_cast %parallel_loop3A_441 : vector<1x1x16xf32> to vector<16xf32>
      %parallel_loop3A_443 = arith.subf %parallel_loop3A_436, %parallel_loop3A_442 : vector<16xf32>
      %parallel_loop3A_444 = arith.mulf %parallel_loop3A_443, %parallel_loop3A_443 : vector<16xf32>
      %parallel_loop3A_445 = arith.addf %parallel_loop3A_325, %parallel_loop3A_444 : vector<16xf32>
      %parallel_loop3A_446 = arith.constant 1 : i32
      %parallel_loop3A_447 = arith.index_cast %parallel_loop3A_446 : i32 to index
      %parallel_loop3A_448 = arith.index_cast %parallel_loop3A_257 : i32 to index
      %parallel_loop3A_449 = arith.constant 192 : index
      %parallel_loop3A_450 = tpu.vector_load %arg5[%parallel_loop3A_447, %parallel_loop3A_448, %parallel_loop3A_449] {strides = array<i32>} : memref<2x32x512xf32, #tpu.memory_space<vmem>>, vector<1x1x16xf32>,
      %parallel_loop3A_451 = vector.shape_cast %parallel_loop3A_450 : vector<1x1x16xf32> to vector<16xf32>
      %parallel_loop3A_452 = arith.constant 1 : i32
      %parallel_loop3A_453 = arith.index_cast %parallel_loop3A_452 : i32 to index
      %parallel_loop3A_454 = arith.index_cast %parallel_loop3A_257 : i32 to index
      %parallel_loop3A_455 = arith.constant 192 : index
      %parallel_loop3A_456 = tpu.vector_load %arg6[%parallel_loop3A_453, %parallel_loop3A_454, %parallel_loop3A_455] {strides = array<i32>} : memref<2x32x512xf32, #tpu.memory_space<vmem>>, vector<1x1x16xf32>,
      %parallel_loop3A_457 = vector.shape_cast %parallel_loop3A_456 : vector<1x1x16xf32> to vector<16xf32>
      %parallel_loop3A_458 = arith.subf %parallel_loop3A_451, %parallel_loop3A_457 : vector<16xf32>
      %parallel_loop3A_459 = arith.mulf %parallel_loop3A_458, %parallel_loop3A_458 : vector<16xf32>
      %parallel_loop3A_460 = arith.addf %parallel_loop3A_340, %parallel_loop3A_459 : vector<16xf32>
      %parallel_loop3A_461 = arith.constant 1 : i32
      %parallel_loop3A_462 = arith.index_cast %parallel_loop3A_461 : i32 to index
      %parallel_loop3A_463 = arith.index_cast %parallel_loop3A_257 : i32 to index
      %parallel_loop3A_464 = arith.constant 208 : index
      %parallel_loop3A_465 = tpu.vector_load %arg5[%parallel_loop3A_462, %parallel_loop3A_463, %parallel_loop3A_464] {strides = array<i32>} : memref<2x32x512xf32, #tpu.memory_space<vmem>>, vector<1x1x16xf32>,
      %parallel_loop3A_466 = vector.shape_cast %parallel_loop3A_465 : vector<1x1x16xf32> to vector<16xf32>
      %parallel_loop3A_467 = arith.constant 1 : i32
      %parallel_loop3A_468 = arith.index_cast %parallel_loop3A_467 : i32 to index
      %parallel_loop3A_469 = arith.index_cast %parallel_loop3A_257 : i32 to index
      %parallel_loop3A_470 = arith.constant 208 : index
      %parallel_loop3A_471 = tpu.vector_load %arg6[%parallel_loop3A_468, %parallel_loop3A_469, %parallel_loop3A_470] {strides = array<i32>} : memref<2x32x512xf32, #tpu.memory_space<vmem>>, vector<1x1x16xf32>,
      %parallel_loop3A_472 = vector.shape_cast %parallel_loop3A_471 : vector<1x1x16xf32> to vector<16xf32>
      %parallel_loop3A_473 = arith.subf %parallel_loop3A_466, %parallel_loop3A_472 : vector<16xf32>
      %parallel_loop3A_474 = arith.mulf %parallel_loop3A_473, %parallel_loop3A_473 : vector<16xf32>
      %parallel_loop3A_475 = arith.addf %parallel_loop3A_355, %parallel_loop3A_474 : vector<16xf32>
      %parallel_loop3A_476 = arith.constant 1 : i32
      %parallel_loop3A_477 = arith.index_cast %parallel_loop3A_476 : i32 to index
      %parallel_loop3A_478 = arith.index_cast %parallel_loop3A_257 : i32 to index
      %parallel_loop3A_479 = arith.constant 224 : index
      %parallel_loop3A_480 = tpu.vector_load %arg5[%parallel_loop3A_477, %parallel_loop3A_478, %parallel_loop3A_479] {strides = array<i32>} : memref<2x32x512xf32, #tpu.memory_space<vmem>>, vector<1x1x16xf32>,
      %parallel_loop3A_481 = vector.shape_cast %parallel_loop3A_480 : vector<1x1x16xf32> to vector<16xf32>
      %parallel_loop3A_482 = arith.constant 1 : i32
      %parallel_loop3A_483 = arith.index_cast %parallel_loop3A_482 : i32 to index
      %parallel_loop3A_484 = arith.index_cast %parallel_loop3A_257 : i32 to index
      %parallel_loop3A_485 = arith.constant 224 : index
      %parallel_loop3A_486 = tpu.vector_load %arg6[%parallel_loop3A_483, %parallel_loop3A_484, %parallel_loop3A_485] {strides = array<i32>} : memref<2x32x512xf32, #tpu.memory_space<vmem>>, vector<1x1x16xf32>,
      %parallel_loop3A_487 = vector.shape_cast %parallel_loop3A_486 : vector<1x1x16xf32> to vector<16xf32>
      %parallel_loop3A_488 = arith.subf %parallel_loop3A_481, %parallel_loop3A_487 : vector<16xf32>
      %parallel_loop3A_489 = arith.mulf %parallel_loop3A_488, %parallel_loop3A_488 : vector<16xf32>
      %parallel_loop3A_490 = arith.addf %parallel_loop3A_370, %parallel_loop3A_489 : vector<16xf32>
      %parallel_loop3A_491 = arith.constant 1 : i32
      %parallel_loop3A_492 = arith.index_cast %parallel_loop3A_491 : i32 to index
      %parallel_loop3A_493 = arith.index_cast %parallel_loop3A_257 : i32 to index
      %parallel_loop3A_494 = arith.constant 240 : index
      %parallel_loop3A_495 = tpu.vector_load %arg5[%parallel_loop3A_492, %parallel_loop3A_493, %parallel_loop3A_494] {strides = array<i32>} : memref<2x32x512xf32, #tpu.memory_space<vmem>>, vector<1x1x16xf32>,
      %parallel_loop3A_496 = vector.shape_cast %parallel_loop3A_495 : vector<1x1x16xf32> to vector<16xf32>
      %parallel_loop3A_497 = arith.constant 1 : i32
      %parallel_loop3A_498 = arith.index_cast %parallel_loop3A_497 : i32 to index
      %parallel_loop3A_499 = arith.index_cast %parallel_loop3A_257 : i32 to index
      %parallel_loop3A_500 = arith.constant 240 : index
      %parallel_loop3A_501 = tpu.vector_load %arg6[%parallel_loop3A_498, %parallel_loop3A_499, %parallel_loop3A_500] {strides = array<i32>} : memref<2x32x512xf32, #tpu.memory_space<vmem>>, vector<1x1x16xf32>,
      %parallel_loop3A_502 = vector.shape_cast %parallel_loop3A_501 : vector<1x1x16xf32> to vector<16xf32>
      %parallel_loop3A_503 = arith.subf %parallel_loop3A_496, %parallel_loop3A_502 : vector<16xf32>
      %parallel_loop3A_504 = arith.mulf %parallel_loop3A_503, %parallel_loop3A_503 : vector<16xf32>
      %parallel_loop3A_505 = arith.addf %parallel_loop3A_385, %parallel_loop3A_504 : vector<16xf32>
      %parallel_loop3A_506 = arith.constant 1 : i32
      %parallel_loop3A_507 = arith.index_cast %parallel_loop3A_506 : i32 to index
      %parallel_loop3A_508 = arith.index_cast %parallel_loop3A_257 : i32 to index
      %parallel_loop3A_509 = arith.constant 256 : index
      %parallel_loop3A_510 = tpu.vector_load %arg5[%parallel_loop3A_507, %parallel_loop3A_508, %parallel_loop3A_509] {strides = array<i32>} : memref<2x32x512xf32, #tpu.memory_space<vmem>>, vector<1x1x16xf32>,
      %parallel_loop3A_511 = vector.shape_cast %parallel_loop3A_510 : vector<1x1x16xf32> to vector<16xf32>
      %parallel_loop3A_512 = arith.constant 1 : i32
      %parallel_loop3A_513 = arith.index_cast %parallel_loop3A_512 : i32 to index
      %parallel_loop3A_514 = arith.index_cast %parallel_loop3A_257 : i32 to index
      %parallel_loop3A_515 = arith.constant 256 : index
      %parallel_loop3A_516 = tpu.vector_load %arg6[%parallel_loop3A_513, %parallel_loop3A_514, %parallel_loop3A_515] {strides = array<i32>} : memref<2x32x512xf32, #tpu.memory_space<vmem>>, vector<1x1x16xf32>,
      %parallel_loop3A_517 = vector.shape_cast %parallel_loop3A_516 : vector<1x1x16xf32> to vector<16xf32>
      %parallel_loop3A_518 = arith.subf %parallel_loop3A_511, %parallel_loop3A_517 : vector<16xf32>
      %parallel_loop3A_519 = arith.mulf %parallel_loop3A_518, %parallel_loop3A_518 : vector<16xf32>
      %parallel_loop3A_520 = arith.addf %parallel_loop3A_400, %parallel_loop3A_519 : vector<16xf32>
      %parallel_loop3A_521 = arith.constant 1 : i32
      %parallel_loop3A_522 = arith.index_cast %parallel_loop3A_521 : i32 to index
      %parallel_loop3A_523 = arith.index_cast %parallel_loop3A_257 : i32 to index
      %parallel_loop3A_524 = arith.constant 272 : index
      %parallel_loop3A_525 = tpu.vector_load %arg5[%parallel_loop3A_522, %parallel_loop3A_523, %parallel_loop3A_524] {strides = array<i32>} : memref<2x32x512xf32, #tpu.memory_space<vmem>>, vector<1x1x16xf32>,
      %parallel_loop3A_526 = vector.shape_cast %parallel_loop3A_525 : vector<1x1x16xf32> to vector<16xf32>
      %parallel_loop3A_527 = arith.constant 1 : i32
      %parallel_loop3A_528 = arith.index_cast %parallel_loop3A_527 : i32 to index
      %parallel_loop3A_529 = arith.index_cast %parallel_loop3A_257 : i32 to index
      %parallel_loop3A_530 = arith.constant 272 : index
      %parallel_loop3A_531 = tpu.vector_load %arg6[%parallel_loop3A_528, %parallel_loop3A_529, %parallel_loop3A_530] {strides = array<i32>} : memref<2x32x512xf32, #tpu.memory_space<vmem>>, vector<1x1x16xf32>,
      %parallel_loop3A_532 = vector.shape_cast %parallel_loop3A_531 : vector<1x1x16xf32> to vector<16xf32>
      %parallel_loop3A_533 = arith.subf %parallel_loop3A_526, %parallel_loop3A_532 : vector<16xf32>
      %parallel_loop3A_534 = arith.mulf %parallel_loop3A_533, %parallel_loop3A_533 : vector<16xf32>
      %parallel_loop3A_535 = arith.addf %parallel_loop3A_415, %parallel_loop3A_534 : vector<16xf32>
      %parallel_loop3A_536 = arith.constant 1 : i32
      %parallel_loop3A_537 = arith.index_cast %parallel_loop3A_536 : i32 to index
      %parallel_loop3A_538 = arith.index_cast %parallel_loop3A_257 : i32 to index
      %parallel_loop3A_539 = arith.constant 288 : index
      %parallel_loop3A_540 = tpu.vector_load %arg5[%parallel_loop3A_537, %parallel_loop3A_538, %parallel_loop3A_539] {strides = array<i32>} : memref<2x32x512xf32, #tpu.memory_space<vmem>>, vector<1x1x16xf32>,
      %parallel_loop3A_541 = vector.shape_cast %parallel_loop3A_540 : vector<1x1x16xf32> to vector<16xf32>
      %parallel_loop3A_542 = arith.constant 1 : i32
      %parallel_loop3A_543 = arith.index_cast %parallel_loop3A_542 : i32 to index
      %parallel_loop3A_544 = arith.index_cast %parallel_loop3A_257 : i32 to index
      %parallel_loop3A_545 = arith.constant 288 : index
      %parallel_loop3A_546 = tpu.vector_load %arg6[%parallel_loop3A_543, %parallel_loop3A_544, %parallel_loop3A_545] {strides = array<i32>} : memref<2x32x512xf32, #tpu.memory_space<vmem>>, vector<1x1x16xf32>,
      %parallel_loop3A_547 = vector.shape_cast %parallel_loop3A_546 : vector<1x1x16xf32> to vector<16xf32>
      %parallel_loop3A_548 = arith.subf %parallel_loop3A_541, %parallel_loop3A_547 : vector<16xf32>
      %parallel_loop3A_549 = arith.mulf %parallel_loop3A_548, %parallel_loop3A_548 : vector<16xf32>
      %parallel_loop3A_550 = arith.addf %parallel_loop3A_430, %parallel_loop3A_549 : vector<16xf32>
      %parallel_loop3A_551 = arith.constant 1 : i32
      %parallel_loop3A_552 = arith.index_cast %parallel_loop3A_551 : i32 to index
      %parallel_loop3A_553 = arith.index_cast %parallel_loop3A_257 : i32 to index
      %parallel_loop3A_554 = arith.constant 304 : index
      %parallel_loop3A_555 = tpu.vector_load %arg5[%parallel_loop3A_552, %parallel_loop3A_553, %parallel_loop3A_554] {strides = array<i32>} : memref<2x32x512xf32, #tpu.memory_space<vmem>>, vector<1x1x16xf32>,
      %parallel_loop3A_556 = vector.shape_cast %parallel_loop3A_555 : vector<1x1x16xf32> to vector<16xf32>
      %parallel_loop3A_557 = arith.constant 1 : i32
      %parallel_loop3A_558 = arith.index_cast %parallel_loop3A_557 : i32 to index
      %parallel_loop3A_559 = arith.index_cast %parallel_loop3A_257 : i32 to index
      %parallel_loop3A_560 = arith.constant 304 : index
      %parallel_loop3A_561 = tpu.vector_load %arg6[%parallel_loop3A_558, %parallel_loop3A_559, %parallel_loop3A_560] {strides = array<i32>} : memref<2x32x512xf32, #tpu.memory_space<vmem>>, vector<1x1x16xf32>,
      %parallel_loop3A_562 = vector.shape_cast %parallel_loop3A_561 : vector<1x1x16xf32> to vector<16xf32>
      %parallel_loop3A_563 = arith.subf %parallel_loop3A_556, %parallel_loop3A_562 : vector<16xf32>
      %parallel_loop3A_564 = arith.mulf %parallel_loop3A_563, %parallel_loop3A_563 : vector<16xf32>
      %parallel_loop3A_565 = arith.addf %parallel_loop3A_445, %parallel_loop3A_564 : vector<16xf32>
      %parallel_loop3A_566 = arith.constant 1 : i32
      %parallel_loop3A_567 = arith.index_cast %parallel_loop3A_566 : i32 to index
      %parallel_loop3A_568 = arith.index_cast %parallel_loop3A_257 : i32 to index
      %parallel_loop3A_569 = arith.constant 320 : index
      %parallel_loop3A_570 = tpu.vector_load %arg5[%parallel_loop3A_567, %parallel_loop3A_568, %parallel_loop3A_569] {strides = array<i32>} : memref<2x32x512xf32, #tpu.memory_space<vmem>>, vector<1x1x16xf32>,
      %parallel_loop3A_571 = vector.shape_cast %parallel_loop3A_570 : vector<1x1x16xf32> to vector<16xf32>
      %parallel_loop3A_572 = arith.constant 1 : i32
      %parallel_loop3A_573 = arith.index_cast %parallel_loop3A_572 : i32 to index
      %parallel_loop3A_574 = arith.index_cast %parallel_loop3A_257 : i32 to index
      %parallel_loop3A_575 = arith.constant 320 : index
      %parallel_loop3A_576 = tpu.vector_load %arg6[%parallel_loop3A_573, %parallel_loop3A_574, %parallel_loop3A_575] {strides = array<i32>} : memref<2x32x512xf32, #tpu.memory_space<vmem>>, vector<1x1x16xf32>,
      %parallel_loop3A_577 = vector.shape_cast %parallel_loop3A_576 : vector<1x1x16xf32> to vector<16xf32>
      %parallel_loop3A_578 = arith.subf %parallel_loop3A_571, %parallel_loop3A_577 : vector<16xf32>
      %parallel_loop3A_579 = arith.mulf %parallel_loop3A_578, %parallel_loop3A_578 : vector<16xf32>
      %parallel_loop3A_580 = arith.addf %parallel_loop3A_460, %parallel_loop3A_579 : vector<16xf32>
      %parallel_loop3A_581 = arith.constant 1 : i32
      %parallel_loop3A_582 = arith.index_cast %parallel_loop3A_581 : i32 to index
      %parallel_loop3A_583 = arith.index_cast %parallel_loop3A_257 : i32 to index
      %parallel_loop3A_584 = arith.constant 336 : index
      %parallel_loop3A_585 = tpu.vector_load %arg5[%parallel_loop3A_582, %parallel_loop3A_583, %parallel_loop3A_584] {strides = array<i32>} : memref<2x32x512xf32, #tpu.memory_space<vmem>>, vector<1x1x16xf32>,
      %parallel_loop3A_586 = vector.shape_cast %parallel_loop3A_585 : vector<1x1x16xf32> to vector<16xf32>
      %parallel_loop3A_587 = arith.constant 1 : i32
      %parallel_loop3A_588 = arith.index_cast %parallel_loop3A_587 : i32 to index
      %parallel_loop3A_589 = arith.index_cast %parallel_loop3A_257 : i32 to index
      %parallel_loop3A_590 = arith.constant 336 : index
      %parallel_loop3A_591 = tpu.vector_load %arg6[%parallel_loop3A_588, %parallel_loop3A_589, %parallel_loop3A_590] {strides = array<i32>} : memref<2x32x512xf32, #tpu.memory_space<vmem>>, vector<1x1x16xf32>,
      %parallel_loop3A_592 = vector.shape_cast %parallel_loop3A_591 : vector<1x1x16xf32> to vector<16xf32>
      %parallel_loop3A_593 = arith.subf %parallel_loop3A_586, %parallel_loop3A_592 : vector<16xf32>
      %parallel_loop3A_594 = arith.mulf %parallel_loop3A_593, %parallel_loop3A_593 : vector<16xf32>
      %parallel_loop3A_595 = arith.addf %parallel_loop3A_475, %parallel_loop3A_594 : vector<16xf32>
      %parallel_loop3A_596 = arith.constant 1 : i32
      %parallel_loop3A_597 = arith.index_cast %parallel_loop3A_596 : i32 to index
      %parallel_loop3A_598 = arith.index_cast %parallel_loop3A_257 : i32 to index
      %parallel_loop3A_599 = arith.constant 352 : index
      %parallel_loop3A_600 = tpu.vector_load %arg5[%parallel_loop3A_597, %parallel_loop3A_598, %parallel_loop3A_599] {strides = array<i32>} : memref<2x32x512xf32, #tpu.memory_space<vmem>>, vector<1x1x16xf32>,
      %parallel_loop3A_601 = vector.shape_cast %parallel_loop3A_600 : vector<1x1x16xf32> to vector<16xf32>
      %parallel_loop3A_602 = arith.constant 1 : i32
      %parallel_loop3A_603 = arith.index_cast %parallel_loop3A_602 : i32 to index
      %parallel_loop3A_604 = arith.index_cast %parallel_loop3A_257 : i32 to index
      %parallel_loop3A_605 = arith.constant 352 : index
      %parallel_loop3A_606 = tpu.vector_load %arg6[%parallel_loop3A_603, %parallel_loop3A_604, %parallel_loop3A_605] {strides = array<i32>} : memref<2x32x512xf32, #tpu.memory_space<vmem>>, vector<1x1x16xf32>,
      %parallel_loop3A_607 = vector.shape_cast %parallel_loop3A_606 : vector<1x1x16xf32> to vector<16xf32>
      %parallel_loop3A_608 = arith.subf %parallel_loop3A_601, %parallel_loop3A_607 : vector<16xf32>
      %parallel_loop3A_609 = arith.mulf %parallel_loop3A_608, %parallel_loop3A_608 : vector<16xf32>
      %parallel_loop3A_610 = arith.addf %parallel_loop3A_490, %parallel_loop3A_609 : vector<16xf32>
      %parallel_loop3A_611 = arith.constant 1 : i32
      %parallel_loop3A_612 = arith.index_cast %parallel_loop3A_611 : i32 to index
      %parallel_loop3A_613 = arith.index_cast %parallel_loop3A_257 : i32 to index
      %parallel_loop3A_614 = arith.constant 368 : index
      %parallel_loop3A_615 = tpu.vector_load %arg5[%parallel_loop3A_612, %parallel_loop3A_613, %parallel_loop3A_614] {strides = array<i32>} : memref<2x32x512xf32, #tpu.memory_space<vmem>>, vector<1x1x16xf32>,
      %parallel_loop3A_616 = vector.shape_cast %parallel_loop3A_615 : vector<1x1x16xf32> to vector<16xf32>
      %parallel_loop3A_617 = arith.constant 1 : i32
      %parallel_loop3A_618 = arith.index_cast %parallel_loop3A_617 : i32 to index
      %parallel_loop3A_619 = arith.index_cast %parallel_loop3A_257 : i32 to index
      %parallel_loop3A_620 = arith.constant 368 : index
      %parallel_loop3A_621 = tpu.vector_load %arg6[%parallel_loop3A_618, %parallel_loop3A_619, %parallel_loop3A_620] {strides = array<i32>} : memref<2x32x512xf32, #tpu.memory_space<vmem>>, vector<1x1x16xf32>,
      %parallel_loop3A_622 = vector.shape_cast %parallel_loop3A_621 : vector<1x1x16xf32> to vector<16xf32>
      %parallel_loop3A_623 = arith.subf %parallel_loop3A_616, %parallel_loop3A_622 : vector<16xf32>
      %parallel_loop3A_624 = arith.mulf %parallel_loop3A_623, %parallel_loop3A_623 : vector<16xf32>
      %parallel_loop3A_625 = arith.addf %parallel_loop3A_505, %parallel_loop3A_624 : vector<16xf32>
      %parallel_loop3A_626 = arith.constant 1 : i32
      %parallel_loop3A_627 = arith.index_cast %parallel_loop3A_626 : i32 to index
      %parallel_loop3A_628 = arith.index_cast %parallel_loop3A_257 : i32 to index
      %parallel_loop3A_629 = arith.constant 384 : index
      %parallel_loop3A_630 = tpu.vector_load %arg5[%parallel_loop3A_627, %parallel_loop3A_628, %parallel_loop3A_629] {strides = array<i32>} : memref<2x32x512xf32, #tpu.memory_space<vmem>>, vector<1x1x16xf32>,
      %parallel_loop3A_631 = vector.shape_cast %parallel_loop3A_630 : vector<1x1x16xf32> to vector<16xf32>
      %parallel_loop3A_632 = arith.constant 1 : i32
      %parallel_loop3A_633 = arith.index_cast %parallel_loop3A_632 : i32 to index
      %parallel_loop3A_634 = arith.index_cast %parallel_loop3A_257 : i32 to index
      %parallel_loop3A_635 = arith.constant 384 : index
      %parallel_loop3A_636 = tpu.vector_load %arg6[%parallel_loop3A_633, %parallel_loop3A_634, %parallel_loop3A_635] {strides = array<i32>} : memref<2x32x512xf32, #tpu.memory_space<vmem>>, vector<1x1x16xf32>,
      %parallel_loop3A_637 = vector.shape_cast %parallel_loop3A_636 : vector<1x1x16xf32> to vector<16xf32>
      %parallel_loop3A_638 = arith.subf %parallel_loop3A_631, %parallel_loop3A_637 : vector<16xf32>
      %parallel_loop3A_639 = arith.mulf %parallel_loop3A_638, %parallel_loop3A_638 : vector<16xf32>
      %parallel_loop3A_640 = arith.addf %parallel_loop3A_520, %parallel_loop3A_639 : vector<16xf32>
      %parallel_loop3A_641 = arith.constant 1 : i32
      %parallel_loop3A_642 = arith.index_cast %parallel_loop3A_641 : i32 to index
      %parallel_loop3A_643 = arith.index_cast %parallel_loop3A_257 : i32 to index
      %parallel_loop3A_644 = arith.constant 400 : index
      %parallel_loop3A_645 = tpu.vector_load %arg5[%parallel_loop3A_642, %parallel_loop3A_643, %parallel_loop3A_644] {strides = array<i32>} : memref<2x32x512xf32, #tpu.memory_space<vmem>>, vector<1x1x16xf32>,
      %parallel_loop3A_646 = vector.shape_cast %parallel_loop3A_645 : vector<1x1x16xf32> to vector<16xf32>
      %parallel_loop3A_647 = arith.constant 1 : i32
      %parallel_loop3A_648 = arith.index_cast %parallel_loop3A_647 : i32 to index
      %parallel_loop3A_649 = arith.index_cast %parallel_loop3A_257 : i32 to index
      %parallel_loop3A_650 = arith.constant 400 : index
      %parallel_loop3A_651 = tpu.vector_load %arg6[%parallel_loop3A_648, %parallel_loop3A_649, %parallel_loop3A_650] {strides = array<i32>} : memref<2x32x512xf32, #tpu.memory_space<vmem>>, vector<1x1x16xf32>,
      %parallel_loop3A_652 = vector.shape_cast %parallel_loop3A_651 : vector<1x1x16xf32> to vector<16xf32>
      %parallel_loop3A_653 = arith.subf %parallel_loop3A_646, %parallel_loop3A_652 : vector<16xf32>
      %parallel_loop3A_654 = arith.mulf %parallel_loop3A_653, %parallel_loop3A_653 : vector<16xf32>
      %parallel_loop3A_655 = arith.addf %parallel_loop3A_535, %parallel_loop3A_654 : vector<16xf32>
      %parallel_loop3A_656 = arith.constant 1 : i32
      %parallel_loop3A_657 = arith.index_cast %parallel_loop3A_656 : i32 to index
      %parallel_loop3A_658 = arith.index_cast %parallel_loop3A_257 : i32 to index
      %parallel_loop3A_659 = arith.constant 416 : index
      %parallel_loop3A_660 = tpu.vector_load %arg5[%parallel_loop3A_657, %parallel_loop3A_658, %parallel_loop3A_659] {strides = array<i32>} : memref<2x32x512xf32, #tpu.memory_space<vmem>>, vector<1x1x16xf32>,
      %parallel_loop3A_661 = vector.shape_cast %parallel_loop3A_660 : vector<1x1x16xf32> to vector<16xf32>
      %parallel_loop3A_662 = arith.constant 1 : i32
      %parallel_loop3A_663 = arith.index_cast %parallel_loop3A_662 : i32 to index
      %parallel_loop3A_664 = arith.index_cast %parallel_loop3A_257 : i32 to index
      %parallel_loop3A_665 = arith.constant 416 : index
      %parallel_loop3A_666 = tpu.vector_load %arg6[%parallel_loop3A_663, %parallel_loop3A_664, %parallel_loop3A_665] {strides = array<i32>} : memref<2x32x512xf32, #tpu.memory_space<vmem>>, vector<1x1x16xf32>,
      %parallel_loop3A_667 = vector.shape_cast %parallel_loop3A_666 : vector<1x1x16xf32> to vector<16xf32>
      %parallel_loop3A_668 = arith.subf %parallel_loop3A_661, %parallel_loop3A_667 : vector<16xf32>
      %parallel_loop3A_669 = arith.mulf %parallel_loop3A_668, %parallel_loop3A_668 : vector<16xf32>
      %parallel_loop3A_670 = arith.addf %parallel_loop3A_550, %parallel_loop3A_669 : vector<16xf32>
      %parallel_loop3A_671 = arith.constant 1 : i32
      %parallel_loop3A_672 = arith.index_cast %parallel_loop3A_671 : i32 to index
      %parallel_loop3A_673 = arith.index_cast %parallel_loop3A_257 : i32 to index
      %parallel_loop3A_674 = arith.constant 432 : index
      %parallel_loop3A_675 = tpu.vector_load %arg5[%parallel_loop3A_672, %parallel_loop3A_673, %parallel_loop3A_674] {strides = array<i32>} : memref<2x32x512xf32, #tpu.memory_space<vmem>>, vector<1x1x16xf32>,
      %parallel_loop3A_676 = vector.shape_cast %parallel_loop3A_675 : vector<1x1x16xf32> to vector<16xf32>
      %parallel_loop3A_677 = arith.constant 1 : i32
      %parallel_loop3A_678 = arith.index_cast %parallel_loop3A_677 : i32 to index
      %parallel_loop3A_679 = arith.index_cast %parallel_loop3A_257 : i32 to index
      %parallel_loop3A_680 = arith.constant 432 : index
      %parallel_loop3A_681 = tpu.vector_load %arg6[%parallel_loop3A_678, %parallel_loop3A_679, %parallel_loop3A_680] {strides = array<i32>} : memref<2x32x512xf32, #tpu.memory_space<vmem>>, vector<1x1x16xf32>,
      %parallel_loop3A_682 = vector.shape_cast %parallel_loop3A_681 : vector<1x1x16xf32> to vector<16xf32>
      %parallel_loop3A_683 = arith.subf %parallel_loop3A_676, %parallel_loop3A_682 : vector<16xf32>
      %parallel_loop3A_684 = arith.mulf %parallel_loop3A_683, %parallel_loop3A_683 : vector<16xf32>
      %parallel_loop3A_685 = arith.addf %parallel_loop3A_565, %parallel_loop3A_684 : vector<16xf32>
      %parallel_loop3A_686 = arith.constant 1 : i32
      %parallel_loop3A_687 = arith.index_cast %parallel_loop3A_686 : i32 to index
      %parallel_loop3A_688 = arith.index_cast %parallel_loop3A_257 : i32 to index
      %parallel_loop3A_689 = arith.constant 448 : index
      %parallel_loop3A_690 = tpu.vector_load %arg5[%parallel_loop3A_687, %parallel_loop3A_688, %parallel_loop3A_689] {strides = array<i32>} : memref<2x32x512xf32, #tpu.memory_space<vmem>>, vector<1x1x16xf32>,
      %parallel_loop3A_691 = vector.shape_cast %parallel_loop3A_690 : vector<1x1x16xf32> to vector<16xf32>
      %parallel_loop3A_692 = arith.constant 1 : i32
      %parallel_loop3A_693 = arith.index_cast %parallel_loop3A_692 : i32 to index
      %parallel_loop3A_694 = arith.index_cast %parallel_loop3A_257 : i32 to index
      %parallel_loop3A_695 = arith.constant 448 : index
      %parallel_loop3A_696 = tpu.vector_load %arg6[%parallel_loop3A_693, %parallel_loop3A_694, %parallel_loop3A_695] {strides = array<i32>} : memref<2x32x512xf32, #tpu.memory_space<vmem>>, vector<1x1x16xf32>,
      %parallel_loop3A_697 = vector.shape_cast %parallel_loop3A_696 : vector<1x1x16xf32> to vector<16xf32>
      %parallel_loop3A_698 = arith.subf %parallel_loop3A_691, %parallel_loop3A_697 : vector<16xf32>
      %parallel_loop3A_699 = arith.mulf %parallel_loop3A_698, %parallel_loop3A_698 : vector<16xf32>
      %parallel_loop3A_700 = arith.addf %parallel_loop3A_580, %parallel_loop3A_699 : vector<16xf32>
      %parallel_loop3A_701 = arith.constant 1 : i32
      %parallel_loop3A_702 = arith.index_cast %parallel_loop3A_701 : i32 to index
      %parallel_loop3A_703 = arith.index_cast %parallel_loop3A_257 : i32 to index
      %parallel_loop3A_704 = arith.constant 464 : index
      %parallel_loop3A_705 = tpu.vector_load %arg5[%parallel_loop3A_702, %parallel_loop3A_703, %parallel_loop3A_704] {strides = array<i32>} : memref<2x32x512xf32, #tpu.memory_space<vmem>>, vector<1x1x16xf32>,
      %parallel_loop3A_706 = vector.shape_cast %parallel_loop3A_705 : vector<1x1x16xf32> to vector<16xf32>
      %parallel_loop3A_707 = arith.constant 1 : i32
      %parallel_loop3A_708 = arith.index_cast %parallel_loop3A_707 : i32 to index
      %parallel_loop3A_709 = arith.index_cast %parallel_loop3A_257 : i32 to index
      %parallel_loop3A_710 = arith.constant 464 : index
      %parallel_loop3A_711 = tpu.vector_load %arg6[%parallel_loop3A_708, %parallel_loop3A_709, %parallel_loop3A_710] {strides = array<i32>} : memref<2x32x512xf32, #tpu.memory_space<vmem>>, vector<1x1x16xf32>,
      %parallel_loop3A_712 = vector.shape_cast %parallel_loop3A_711 : vector<1x1x16xf32> to vector<16xf32>
      %parallel_loop3A_713 = arith.subf %parallel_loop3A_706, %parallel_loop3A_712 : vector<16xf32>
      %parallel_loop3A_714 = arith.mulf %parallel_loop3A_713, %parallel_loop3A_713 : vector<16xf32>
      %parallel_loop3A_715 = arith.addf %parallel_loop3A_595, %parallel_loop3A_714 : vector<16xf32>
      %parallel_loop3A_716 = arith.constant 1 : i32
      %parallel_loop3A_717 = arith.index_cast %parallel_loop3A_716 : i32 to index
      %parallel_loop3A_718 = arith.index_cast %parallel_loop3A_257 : i32 to index
      %parallel_loop3A_719 = arith.constant 480 : index
      %parallel_loop3A_720 = tpu.vector_load %arg5[%parallel_loop3A_717, %parallel_loop3A_718, %parallel_loop3A_719] {strides = array<i32>} : memref<2x32x512xf32, #tpu.memory_space<vmem>>, vector<1x1x16xf32>,
      %parallel_loop3A_721 = vector.shape_cast %parallel_loop3A_720 : vector<1x1x16xf32> to vector<16xf32>
      %parallel_loop3A_722 = arith.constant 1 : i32
      %parallel_loop3A_723 = arith.index_cast %parallel_loop3A_722 : i32 to index
      %parallel_loop3A_724 = arith.index_cast %parallel_loop3A_257 : i32 to index
      %parallel_loop3A_725 = arith.constant 480 : index
      %parallel_loop3A_726 = tpu.vector_load %arg6[%parallel_loop3A_723, %parallel_loop3A_724, %parallel_loop3A_725] {strides = array<i32>} : memref<2x32x512xf32, #tpu.memory_space<vmem>>, vector<1x1x16xf32>,
      %parallel_loop3A_727 = vector.shape_cast %parallel_loop3A_726 : vector<1x1x16xf32> to vector<16xf32>
      %parallel_loop3A_728 = arith.subf %parallel_loop3A_721, %parallel_loop3A_727 : vector<16xf32>
      %parallel_loop3A_729 = arith.mulf %parallel_loop3A_728, %parallel_loop3A_728 : vector<16xf32>
      %parallel_loop3A_730 = arith.addf %parallel_loop3A_610, %parallel_loop3A_729 : vector<16xf32>
      %parallel_loop3A_731 = arith.constant 1 : i32
      %parallel_loop3A_732 = arith.index_cast %parallel_loop3A_731 : i32 to index
      %parallel_loop3A_733 = arith.index_cast %parallel_loop3A_257 : i32 to index
      %parallel_loop3A_734 = arith.constant 496 : index
      %parallel_loop3A_735 = tpu.vector_load %arg5[%parallel_loop3A_732, %parallel_loop3A_733, %parallel_loop3A_734] {strides = array<i32>} : memref<2x32x512xf32, #tpu.memory_space<vmem>>, vector<1x1x16xf32>,
      %parallel_loop3A_736 = vector.shape_cast %parallel_loop3A_735 : vector<1x1x16xf32> to vector<16xf32>
      %parallel_loop3A_737 = arith.constant 1 : i32
      %parallel_loop3A_738 = arith.index_cast %parallel_loop3A_737 : i32 to index
      %parallel_loop3A_739 = arith.index_cast %parallel_loop3A_257 : i32 to index
      %parallel_loop3A_740 = arith.constant 496 : index
      %parallel_loop3A_741 = tpu.vector_load %arg6[%parallel_loop3A_738, %parallel_loop3A_739, %parallel_loop3A_740] {strides = array<i32>} : memref<2x32x512xf32, #tpu.memory_space<vmem>>, vector<1x1x16xf32>,
      %parallel_loop3A_742 = vector.shape_cast %parallel_loop3A_741 : vector<1x1x16xf32> to vector<16xf32>
      %parallel_loop3A_743 = arith.subf %parallel_loop3A_736, %parallel_loop3A_742 : vector<16xf32>
      %parallel_loop3A_744 = arith.mulf %parallel_loop3A_743, %parallel_loop3A_743 : vector<16xf32>
      %parallel_loop3A_745 = arith.addf %parallel_loop3A_625, %parallel_loop3A_744 : vector<16xf32>
      scf.yield %parallel_loop3A_640, %parallel_loop3A_655, %parallel_loop3A_670, %parallel_loop3A_685, %parallel_loop3A_700, %parallel_loop3A_715, %parallel_loop3A_730, %parallel_loop3A_745 : vector<16xf32>, vector<16xf32>, vector<16xf32>, vector<16xf32>, vector<16xf32>, vector<16xf32>, vector<16xf32>, vector<16xf32>
    } {sc.loop_unroll_factor = 1 : i64, sc.parallel_access}
    %dma_wait3A_159 = arith.constant 0 : i32
    %dma_wait3A_160 = arith.constant 0 : i32
    %dma_wait3A_161 = arith.constant 0 : i32
    %dma_wait3A_162 = tpu.memref_slice %arg5[%dma_wait3A_159, %dma_wait3A_160, %dma_wait3A_161] : memref<2x32x512xf32, #tpu.memory_space<vmem>> -> memref<1x32x512xf32, #tpu.memory_space<vmem>>
    %dma_wait3A_163 = tpu.memref_squeeze %dma_wait3A_162 : memref<1x32x512xf32, #tpu.memory_space<vmem>> -> memref<32x512xf32, #tpu.memory_space<vmem>>
    %dma_wait3A_164 = arith.constant 0 : i32
    %dma_wait3A_165 = tpu.memref_slice %arg2[%add3A_128, %dma_wait3A_164] : memref<16384x512xf32, #tpu.memory_space<hbm>> -> memref<32x512xf32, #tpu.memory_space<hbm>>
    %dma_wait3A_166 = arith.constant 0 : i32
    %dma_wait3A_167 = arith.constant 0 : i32
    %dma_wait3A_168 = tpu.memref_slice %arg5[%dma_wait3A_159, %dma_wait3A_166, %dma_wait3A_167] : memref<2x32x512xf32, #tpu.memory_space<vmem>> -> memref<1x32x512xf32, #tpu.memory_space<vmem>>
    %dma_wait3A_169 = tpu.memref_squeeze %dma_wait3A_168 : memref<1x32x512xf32, #tpu.memory_space<vmem>> -> memref<32x512xf32, #tpu.memory_space<vmem>>
    %dma_wait3A_170 = arith.constant 0 : i32
    %dma_wait3A_171 = tpu.memref_slice %arg2[%add3A_128, %dma_wait3A_170] : memref<16384x512xf32, #tpu.memory_space<hbm>> -> memref<32x512xf32, #tpu.memory_space<hbm>>
    tpu.wait_dma2 semaphore(%arg8 : memref<!tpu.dma_semaphore, #tpu.memory_space<semaphore_mem>>) src(%dma_wait3A_171 : memref<32x512xf32, #tpu.memory_space<hbm>>) dst(%dma_wait3A_169 : memref<32x512xf32, #tpu.memory_space<vmem>>)
    %dma_wait3A_172 = arith.constant 0 : i32
    %dma_wait3A_173 = arith.constant 0 : i32
    %dma_wait3A_174 = arith.constant 0 : i32
    %dma_wait3A_175 = tpu.memref_slice %arg6[%dma_wait3A_172, %dma_wait3A_173, %dma_wait3A_174] : memref<2x32x512xf32, #tpu.memory_space<vmem>> -> memref<1x32x512xf32, #tpu.memory_space<vmem>>
    %dma_wait3A_176 = tpu.memref_squeeze %dma_wait3A_175 : memref<1x32x512xf32, #tpu.memory_space<vmem>> -> memref<32x512xf32, #tpu.memory_space<vmem>>
    %dma_wait3A_177 = arith.constant 0 : i32
    %dma_wait3A_178 = tpu.memref_slice %arg3[%add3A_128, %dma_wait3A_177] : memref<16384x512xf32, #tpu.memory_space<hbm>> -> memref<32x512xf32, #tpu.memory_space<hbm>>
    %dma_wait3A_179 = arith.constant 0 : i32
    %dma_wait3A_180 = arith.constant 0 : i32
    %dma_wait3A_181 = tpu.memref_slice %arg6[%dma_wait3A_172, %dma_wait3A_179, %dma_wait3A_180] : memref<2x32x512xf32, #tpu.memory_space<vmem>> -> memref<1x32x512xf32, #tpu.memory_space<vmem>>
    %dma_wait3A_182 = tpu.memref_squeeze %dma_wait3A_181 : memref<1x32x512xf32, #tpu.memory_space<vmem>> -> memref<32x512xf32, #tpu.memory_space<vmem>>
    %dma_wait3A_183 = arith.constant 0 : i32
    %dma_wait3A_184 = tpu.memref_slice %arg3[%add3A_128, %dma_wait3A_183] : memref<16384x512xf32, #tpu.memory_space<hbm>> -> memref<32x512xf32, #tpu.memory_space<hbm>>
    tpu.wait_dma2 semaphore(%arg8 : memref<!tpu.dma_semaphore, #tpu.memory_space<semaphore_mem>>) src(%dma_wait3A_184 : memref<32x512xf32, #tpu.memory_space<hbm>>) dst(%dma_wait3A_182 : memref<32x512xf32, #tpu.memory_space<vmem>>)
    %add3A_185 = arith.constant 96 : i32
    %add3A_186 = arith.addi %mul3A_2, %add3A_185 : i32
    %dma_start3A_187 = arith.constant 1 : i32
    %dma_start3A_188 = arith.constant 0 : i32
    %dma_start3A_189 = arith.constant 0 : i32
    %dma_start3A_190 = tpu.memref_slice %arg5[%dma_start3A_187, %dma_start3A_188, %dma_start3A_189] : memref<2x32x512xf32, #tpu.memory_space<vmem>> -> memref<1x32x512xf32, #tpu.memory_space<vmem>>
    %dma_start3A_191 = tpu.memref_squeeze %dma_start3A_190 : memref<1x32x512xf32, #tpu.memory_space<vmem>> -> memref<32x512xf32, #tpu.memory_space<vmem>>
    %dma_start3A_192 = arith.constant 0 : i32
    %dma_start3A_193 = tpu.memref_slice %arg2[%add3A_186, %dma_start3A_192] : memref<16384x512xf32, #tpu.memory_space<hbm>> -> memref<32x512xf32, #tpu.memory_space<hbm>>
    %dma_start3A_194 = arith.constant 0 : i32
    %dma_start3A_195 = arith.constant 0 : i32
    %dma_start3A_196 = tpu.memref_slice %arg5[%dma_start3A_187, %dma_start3A_194, %dma_start3A_195] : memref<2x32x512xf32, #tpu.memory_space<vmem>> -> memref<1x32x512xf32, #tpu.memory_space<vmem>>
    %dma_start3A_197 = tpu.memref_squeeze %dma_start3A_196 : memref<1x32x512xf32, #tpu.memory_space<vmem>> -> memref<32x512xf32, #tpu.memory_space<vmem>>
    %dma_start3A_198 = arith.constant 0 : i32
    %dma_start3A_199 = tpu.memref_slice %arg2[%add3A_186, %dma_start3A_198] : memref<16384x512xf32, #tpu.memory_space<hbm>> -> memref<32x512xf32, #tpu.memory_space<hbm>>
    tpu.enqueue_dma source(%dma_start3A_199 : memref<32x512xf32, #tpu.memory_space<hbm>>) target(%dma_start3A_197 : memref<32x512xf32, #tpu.memory_space<vmem>>) target_semaphore(%arg9 : memref<!tpu.dma_semaphore, #tpu.memory_space<semaphore_mem>>)
    %dma_start3A_200 = arith.constant 1 : i32
    %dma_start3A_201 = arith.constant 0 : i32
    %dma_start3A_202 = arith.constant 0 : i32
    %dma_start3A_203 = tpu.memref_slice %arg6[%dma_start3A_200, %dma_start3A_201, %dma_start3A_202] : memref<2x32x512xf32, #tpu.memory_space<vmem>> -> memref<1x32x512xf32, #tpu.memory_space<vmem>>
    %dma_start3A_204 = tpu.memref_squeeze %dma_start3A_203 : memref<1x32x512xf32, #tpu.memory_space<vmem>> -> memref<32x512xf32, #tpu.memory_space<vmem>>
    %dma_start3A_205 = arith.constant 0 : i32
    %dma_start3A_206 = tpu.memref_slice %arg3[%add3A_186, %dma_start3A_205] : memref<16384x512xf32, #tpu.memory_space<hbm>> -> memref<32x512xf32, #tpu.memory_space<hbm>>
    %dma_start3A_207 = arith.constant 0 : i32
    %dma_start3A_208 = arith.constant 0 : i32
    %dma_start3A_209 = tpu.memref_slice %arg6[%dma_start3A_200, %dma_start3A_207, %dma_start3A_208] : memref<2x32x512xf32, #tpu.memory_space<vmem>> -> memref<1x32x512xf32, #tpu.memory_space<vmem>>
    %dma_start3A_210 = tpu.memref_squeeze %dma_start3A_209 : memref<1x32x512xf32, #tpu.memory_space<vmem>> -> memref<32x512xf32, #tpu.memory_space<vmem>>
    %dma_start3A_211 = arith.constant 0 : i32
    %dma_start3A_212 = tpu.memref_slice %arg3[%add3A_186, %dma_start3A_211] : memref<16384x512xf32, #tpu.memory_space<hbm>> -> memref<32x512xf32, #tpu.memory_space<hbm>>
    tpu.enqueue_dma source(%dma_start3A_212 : memref<32x512xf32, #tpu.memory_space<hbm>>) target(%dma_start3A_210 : memref<32x512xf32, #tpu.memory_space<vmem>>) target_semaphore(%arg9 : memref<!tpu.dma_semaphore, #tpu.memory_space<semaphore_mem>>)
    %parallel_loop3A_213 = arith.constant 0 : i32
    %parallel_loop3A_214 = arith.constant 32 : i32
    %parallel_loop3A_215 = arith.constant 1 : i32
    %parallel_loop3A_216:8 = scf.for %parallel_loop3A_257 = %parallel_loop3A_213 to %parallel_loop3A_214 step %parallel_loop3A_215 iter_args(%parallel_loop3A_258 = %parallel_loop3A_158#0, %parallel_loop3A_259 = %parallel_loop3A_158#1, %parallel_loop3A_260 = %parallel_loop3A_158#2, %parallel_loop3A_261 = %parallel_loop3A_158#3, %parallel_loop3A_262 = %parallel_loop3A_158#4, %parallel_loop3A_263 = %parallel_loop3A_158#5, %parallel_loop3A_264 = %parallel_loop3A_158#6, %parallel_loop3A_265 = %parallel_loop3A_158#7) -> (vector<16xf32>, vector<16xf32>, vector<16xf32>, vector<16xf32>, vector<16xf32>, vector<16xf32>, vector<16xf32>, vector<16xf32>)  : i32 {
      %parallel_loop3A_266 = arith.constant 0 : i32
      %parallel_loop3A_267 = arith.index_cast %parallel_loop3A_266 : i32 to index
      %parallel_loop3A_268 = arith.index_cast %parallel_loop3A_257 : i32 to index
      %parallel_loop3A_269 = arith.constant 0 : index
      %parallel_loop3A_270 = tpu.vector_load %arg5[%parallel_loop3A_267, %parallel_loop3A_268, %parallel_loop3A_269] {strides = array<i32>} : memref<2x32x512xf32, #tpu.memory_space<vmem>>, vector<1x1x16xf32>,
      %parallel_loop3A_271 = vector.shape_cast %parallel_loop3A_270 : vector<1x1x16xf32> to vector<16xf32>
      %parallel_loop3A_272 = arith.constant 0 : i32
      %parallel_loop3A_273 = arith.index_cast %parallel_loop3A_272 : i32 to index
      %parallel_loop3A_274 = arith.index_cast %parallel_loop3A_257 : i32 to index
      %parallel_loop3A_275 = arith.constant 0 : index
      %parallel_loop3A_276 = tpu.vector_load %arg6[%parallel_loop3A_273, %parallel_loop3A_274, %parallel_loop3A_275] {strides = array<i32>} : memref<2x32x512xf32, #tpu.memory_space<vmem>>, vector<1x1x16xf32>,
      %parallel_loop3A_277 = vector.shape_cast %parallel_loop3A_276 : vector<1x1x16xf32> to vector<16xf32>
      %parallel_loop3A_278 = arith.subf %parallel_loop3A_271, %parallel_loop3A_277 : vector<16xf32>
      %parallel_loop3A_279 = arith.mulf %parallel_loop3A_278, %parallel_loop3A_278 : vector<16xf32>
      %parallel_loop3A_280 = arith.addf %parallel_loop3A_258, %parallel_loop3A_279 : vector<16xf32>
      %parallel_loop3A_281 = arith.constant 0 : i32
      %parallel_loop3A_282 = arith.index_cast %parallel_loop3A_281 : i32 to index
      %parallel_loop3A_283 = arith.index_cast %parallel_loop3A_257 : i32 to index
      %parallel_loop3A_284 = arith.constant 16 : index
      %parallel_loop3A_285 = tpu.vector_load %arg5[%parallel_loop3A_282, %parallel_loop3A_283, %parallel_loop3A_284] {strides = array<i32>} : memref<2x32x512xf32, #tpu.memory_space<vmem>>, vector<1x1x16xf32>,
      %parallel_loop3A_286 = vector.shape_cast %parallel_loop3A_285 : vector<1x1x16xf32> to vector<16xf32>
      %parallel_loop3A_287 = arith.constant 0 : i32
      %parallel_loop3A_288 = arith.index_cast %parallel_loop3A_287 : i32 to index
      %parallel_loop3A_289 = arith.index_cast %parallel_loop3A_257 : i32 to index
      %parallel_loop3A_290 = arith.constant 16 : index
      %parallel_loop3A_291 = tpu.vector_load %arg6[%parallel_loop3A_288, %parallel_loop3A_289, %parallel_loop3A_290] {strides = array<i32>} : memref<2x32x512xf32, #tpu.memory_space<vmem>>, vector<1x1x16xf32>,
      %parallel_loop3A_292 = vector.shape_cast %parallel_loop3A_291 : vector<1x1x16xf32> to vector<16xf32>
      %parallel_loop3A_293 = arith.subf %parallel_loop3A_286, %parallel_loop3A_292 : vector<16xf32>
      %parallel_loop3A_294 = arith.mulf %parallel_loop3A_293, %parallel_loop3A_293 : vector<16xf32>
      %parallel_loop3A_295 = arith.addf %parallel_loop3A_259, %parallel_loop3A_294 : vector<16xf32>
      %parallel_loop3A_296 = arith.constant 0 : i32
      %parallel_loop3A_297 = arith.index_cast %parallel_loop3A_296 : i32 to index
      %parallel_loop3A_298 = arith.index_cast %parallel_loop3A_257 : i32 to index
      %parallel_loop3A_299 = arith.constant 32 : index
      %parallel_loop3A_300 = tpu.vector_load %arg5[%parallel_loop3A_297, %parallel_loop3A_298, %parallel_loop3A_299] {strides = array<i32>} : memref<2x32x512xf32, #tpu.memory_space<vmem>>, vector<1x1x16xf32>,
      %parallel_loop3A_301 = vector.shape_cast %parallel_loop3A_300 : vector<1x1x16xf32> to vector<16xf32>
      %parallel_loop3A_302 = arith.constant 0 : i32
      %parallel_loop3A_303 = arith.index_cast %parallel_loop3A_302 : i32 to index
      %parallel_loop3A_304 = arith.index_cast %parallel_loop3A_257 : i32 to index
      %parallel_loop3A_305 = arith.constant 32 : index
      %parallel_loop3A_306 = tpu.vector_load %arg6[%parallel_loop3A_303, %parallel_loop3A_304, %parallel_loop3A_305] {strides = array<i32>} : memref<2x32x512xf32, #tpu.memory_space<vmem>>, vector<1x1x16xf32>,
      %parallel_loop3A_307 = vector.shape_cast %parallel_loop3A_306 : vector<1x1x16xf32> to vector<16xf32>
      %parallel_loop3A_308 = arith.subf %parallel_loop3A_301, %parallel_loop3A_307 : vector<16xf32>
      %parallel_loop3A_309 = arith.mulf %parallel_loop3A_308, %parallel_loop3A_308 : vector<16xf32>
      %parallel_loop3A_310 = arith.addf %parallel_loop3A_260, %parallel_loop3A_309 : vector<16xf32>
      %parallel_loop3A_311 = arith.constant 0 : i32
      %parallel_loop3A_312 = arith.index_cast %parallel_loop3A_311 : i32 to index
      %parallel_loop3A_313 = arith.index_cast %parallel_loop3A_257 : i32 to index
      %parallel_loop3A_314 = arith.constant 48 : index
      %parallel_loop3A_315 = tpu.vector_load %arg5[%parallel_loop3A_312, %parallel_loop3A_313, %parallel_loop3A_314] {strides = array<i32>} : memref<2x32x512xf32, #tpu.memory_space<vmem>>, vector<1x1x16xf32>,
      %parallel_loop3A_316 = vector.shape_cast %parallel_loop3A_315 : vector<1x1x16xf32> to vector<16xf32>
      %parallel_loop3A_317 = arith.constant 0 : i32
      %parallel_loop3A_318 = arith.index_cast %parallel_loop3A_317 : i32 to index
      %parallel_loop3A_319 = arith.index_cast %parallel_loop3A_257 : i32 to index
      %parallel_loop3A_320 = arith.constant 48 : index
      %parallel_loop3A_321 = tpu.vector_load %arg6[%parallel_loop3A_318, %parallel_loop3A_319, %parallel_loop3A_320] {strides = array<i32>} : memref<2x32x512xf32, #tpu.memory_space<vmem>>, vector<1x1x16xf32>,
      %parallel_loop3A_322 = vector.shape_cast %parallel_loop3A_321 : vector<1x1x16xf32> to vector<16xf32>
      %parallel_loop3A_323 = arith.subf %parallel_loop3A_316, %parallel_loop3A_322 : vector<16xf32>
      %parallel_loop3A_324 = arith.mulf %parallel_loop3A_323, %parallel_loop3A_323 : vector<16xf32>
      %parallel_loop3A_325 = arith.addf %parallel_loop3A_261, %parallel_loop3A_324 : vector<16xf32>
      %parallel_loop3A_326 = arith.constant 0 : i32
      %parallel_loop3A_327 = arith.index_cast %parallel_loop3A_326 : i32 to index
      %parallel_loop3A_328 = arith.index_cast %parallel_loop3A_257 : i32 to index
      %parallel_loop3A_329 = arith.constant 64 : index
      %parallel_loop3A_330 = tpu.vector_load %arg5[%parallel_loop3A_327, %parallel_loop3A_328, %parallel_loop3A_329] {strides = array<i32>} : memref<2x32x512xf32, #tpu.memory_space<vmem>>, vector<1x1x16xf32>,
      %parallel_loop3A_331 = vector.shape_cast %parallel_loop3A_330 : vector<1x1x16xf32> to vector<16xf32>
      %parallel_loop3A_332 = arith.constant 0 : i32
      %parallel_loop3A_333 = arith.index_cast %parallel_loop3A_332 : i32 to index
      %parallel_loop3A_334 = arith.index_cast %parallel_loop3A_257 : i32 to index
      %parallel_loop3A_335 = arith.constant 64 : index
      %parallel_loop3A_336 = tpu.vector_load %arg6[%parallel_loop3A_333, %parallel_loop3A_334, %parallel_loop3A_335] {strides = array<i32>} : memref<2x32x512xf32, #tpu.memory_space<vmem>>, vector<1x1x16xf32>,
      %parallel_loop3A_337 = vector.shape_cast %parallel_loop3A_336 : vector<1x1x16xf32> to vector<16xf32>
      %parallel_loop3A_338 = arith.subf %parallel_loop3A_331, %parallel_loop3A_337 : vector<16xf32>
      %parallel_loop3A_339 = arith.mulf %parallel_loop3A_338, %parallel_loop3A_338 : vector<16xf32>
      %parallel_loop3A_340 = arith.addf %parallel_loop3A_262, %parallel_loop3A_339 : vector<16xf32>
      %parallel_loop3A_341 = arith.constant 0 : i32
      %parallel_loop3A_342 = arith.index_cast %parallel_loop3A_341 : i32 to index
      %parallel_loop3A_343 = arith.index_cast %parallel_loop3A_257 : i32 to index
      %parallel_loop3A_344 = arith.constant 80 : index
      %parallel_loop3A_345 = tpu.vector_load %arg5[%parallel_loop3A_342, %parallel_loop3A_343, %parallel_loop3A_344] {strides = array<i32>} : memref<2x32x512xf32, #tpu.memory_space<vmem>>, vector<1x1x16xf32>,
      %parallel_loop3A_346 = vector.shape_cast %parallel_loop3A_345 : vector<1x1x16xf32> to vector<16xf32>
      %parallel_loop3A_347 = arith.constant 0 : i32
      %parallel_loop3A_348 = arith.index_cast %parallel_loop3A_347 : i32 to index
      %parallel_loop3A_349 = arith.index_cast %parallel_loop3A_257 : i32 to index
      %parallel_loop3A_350 = arith.constant 80 : index
      %parallel_loop3A_351 = tpu.vector_load %arg6[%parallel_loop3A_348, %parallel_loop3A_349, %parallel_loop3A_350] {strides = array<i32>} : memref<2x32x512xf32, #tpu.memory_space<vmem>>, vector<1x1x16xf32>,
      %parallel_loop3A_352 = vector.shape_cast %parallel_loop3A_351 : vector<1x1x16xf32> to vector<16xf32>
      %parallel_loop3A_353 = arith.subf %parallel_loop3A_346, %parallel_loop3A_352 : vector<16xf32>
      %parallel_loop3A_354 = arith.mulf %parallel_loop3A_353, %parallel_loop3A_353 : vector<16xf32>
      %parallel_loop3A_355 = arith.addf %parallel_loop3A_263, %parallel_loop3A_354 : vector<16xf32>
      %parallel_loop3A_356 = arith.constant 0 : i32
      %parallel_loop3A_357 = arith.index_cast %parallel_loop3A_356 : i32 to index
      %parallel_loop3A_358 = arith.index_cast %parallel_loop3A_257 : i32 to index
      %parallel_loop3A_359 = arith.constant 96 : index
      %parallel_loop3A_360 = tpu.vector_load %arg5[%parallel_loop3A_357, %parallel_loop3A_358, %parallel_loop3A_359] {strides = array<i32>} : memref<2x32x512xf32, #tpu.memory_space<vmem>>, vector<1x1x16xf32>,
      %parallel_loop3A_361 = vector.shape_cast %parallel_loop3A_360 : vector<1x1x16xf32> to vector<16xf32>
      %parallel_loop3A_362 = arith.constant 0 : i32
      %parallel_loop3A_363 = arith.index_cast %parallel_loop3A_362 : i32 to index
      %parallel_loop3A_364 = arith.index_cast %parallel_loop3A_257 : i32 to index
      %parallel_loop3A_365 = arith.constant 96 : index
      %parallel_loop3A_366 = tpu.vector_load %arg6[%parallel_loop3A_363, %parallel_loop3A_364, %parallel_loop3A_365] {strides = array<i32>} : memref<2x32x512xf32, #tpu.memory_space<vmem>>, vector<1x1x16xf32>,
      %parallel_loop3A_367 = vector.shape_cast %parallel_loop3A_366 : vector<1x1x16xf32> to vector<16xf32>
      %parallel_loop3A_368 = arith.subf %parallel_loop3A_361, %parallel_loop3A_367 : vector<16xf32>
      %parallel_loop3A_369 = arith.mulf %parallel_loop3A_368, %parallel_loop3A_368 : vector<16xf32>
      %parallel_loop3A_370 = arith.addf %parallel_loop3A_264, %parallel_loop3A_369 : vector<16xf32>
      %parallel_loop3A_371 = arith.constant 0 : i32
      %parallel_loop3A_372 = arith.index_cast %parallel_loop3A_371 : i32 to index
      %parallel_loop3A_373 = arith.index_cast %parallel_loop3A_257 : i32 to index
      %parallel_loop3A_374 = arith.constant 112 : index
      %parallel_loop3A_375 = tpu.vector_load %arg5[%parallel_loop3A_372, %parallel_loop3A_373, %parallel_loop3A_374] {strides = array<i32>} : memref<2x32x512xf32, #tpu.memory_space<vmem>>, vector<1x1x16xf32>,
      %parallel_loop3A_376 = vector.shape_cast %parallel_loop3A_375 : vector<1x1x16xf32> to vector<16xf32>
      %parallel_loop3A_377 = arith.constant 0 : i32
      %parallel_loop3A_378 = arith.index_cast %parallel_loop3A_377 : i32 to index
      %parallel_loop3A_379 = arith.index_cast %parallel_loop3A_257 : i32 to index
      %parallel_loop3A_380 = arith.constant 112 : index
      %parallel_loop3A_381 = tpu.vector_load %arg6[%parallel_loop3A_378, %parallel_loop3A_379, %parallel_loop3A_380] {strides = array<i32>} : memref<2x32x512xf32, #tpu.memory_space<vmem>>, vector<1x1x16xf32>,
      %parallel_loop3A_382 = vector.shape_cast %parallel_loop3A_381 : vector<1x1x16xf32> to vector<16xf32>
      %parallel_loop3A_383 = arith.subf %parallel_loop3A_376, %parallel_loop3A_382 : vector<16xf32>
      %parallel_loop3A_384 = arith.mulf %parallel_loop3A_383, %parallel_loop3A_383 : vector<16xf32>
      %parallel_loop3A_385 = arith.addf %parallel_loop3A_265, %parallel_loop3A_384 : vector<16xf32>
      %parallel_loop3A_386 = arith.constant 0 : i32
      %parallel_loop3A_387 = arith.index_cast %parallel_loop3A_386 : i32 to index
      %parallel_loop3A_388 = arith.index_cast %parallel_loop3A_257 : i32 to index
      %parallel_loop3A_389 = arith.constant 128 : index
      %parallel_loop3A_390 = tpu.vector_load %arg5[%parallel_loop3A_387, %parallel_loop3A_388, %parallel_loop3A_389] {strides = array<i32>} : memref<2x32x512xf32, #tpu.memory_space<vmem>>, vector<1x1x16xf32>,
      %parallel_loop3A_391 = vector.shape_cast %parallel_loop3A_390 : vector<1x1x16xf32> to vector<16xf32>
      %parallel_loop3A_392 = arith.constant 0 : i32
      %parallel_loop3A_393 = arith.index_cast %parallel_loop3A_392 : i32 to index
      %parallel_loop3A_394 = arith.index_cast %parallel_loop3A_257 : i32 to index
      %parallel_loop3A_395 = arith.constant 128 : index
      %parallel_loop3A_396 = tpu.vector_load %arg6[%parallel_loop3A_393, %parallel_loop3A_394, %parallel_loop3A_395] {strides = array<i32>} : memref<2x32x512xf32, #tpu.memory_space<vmem>>, vector<1x1x16xf32>,
      %parallel_loop3A_397 = vector.shape_cast %parallel_loop3A_396 : vector<1x1x16xf32> to vector<16xf32>
      %parallel_loop3A_398 = arith.subf %parallel_loop3A_391, %parallel_loop3A_397 : vector<16xf32>
      %parallel_loop3A_399 = arith.mulf %parallel_loop3A_398, %parallel_loop3A_398 : vector<16xf32>
      %parallel_loop3A_400 = arith.addf %parallel_loop3A_280, %parallel_loop3A_399 : vector<16xf32>
      %parallel_loop3A_401 = arith.constant 0 : i32
      %parallel_loop3A_402 = arith.index_cast %parallel_loop3A_401 : i32 to index
      %parallel_loop3A_403 = arith.index_cast %parallel_loop3A_257 : i32 to index
      %parallel_loop3A_404 = arith.constant 144 : index
      %parallel_loop3A_405 = tpu.vector_load %arg5[%parallel_loop3A_402, %parallel_loop3A_403, %parallel_loop3A_404] {strides = array<i32>} : memref<2x32x512xf32, #tpu.memory_space<vmem>>, vector<1x1x16xf32>,
      %parallel_loop3A_406 = vector.shape_cast %parallel_loop3A_405 : vector<1x1x16xf32> to vector<16xf32>
      %parallel_loop3A_407 = arith.constant 0 : i32
      %parallel_loop3A_408 = arith.index_cast %parallel_loop3A_407 : i32 to index
      %parallel_loop3A_409 = arith.index_cast %parallel_loop3A_257 : i32 to index
      %parallel_loop3A_410 = arith.constant 144 : index
      %parallel_loop3A_411 = tpu.vector_load %arg6[%parallel_loop3A_408, %parallel_loop3A_409, %parallel_loop3A_410] {strides = array<i32>} : memref<2x32x512xf32, #tpu.memory_space<vmem>>, vector<1x1x16xf32>,
      %parallel_loop3A_412 = vector.shape_cast %parallel_loop3A_411 : vector<1x1x16xf32> to vector<16xf32>
      %parallel_loop3A_413 = arith.subf %parallel_loop3A_406, %parallel_loop3A_412 : vector<16xf32>
      %parallel_loop3A_414 = arith.mulf %parallel_loop3A_413, %parallel_loop3A_413 : vector<16xf32>
      %parallel_loop3A_415 = arith.addf %parallel_loop3A_295, %parallel_loop3A_414 : vector<16xf32>
      %parallel_loop3A_416 = arith.constant 0 : i32
      %parallel_loop3A_417 = arith.index_cast %parallel_loop3A_416 : i32 to index
      %parallel_loop3A_418 = arith.index_cast %parallel_loop3A_257 : i32 to index
      %parallel_loop3A_419 = arith.constant 160 : index
      %parallel_loop3A_420 = tpu.vector_load %arg5[%parallel_loop3A_417, %parallel_loop3A_418, %parallel_loop3A_419] {strides = array<i32>} : memref<2x32x512xf32, #tpu.memory_space<vmem>>, vector<1x1x16xf32>,
      %parallel_loop3A_421 = vector.shape_cast %parallel_loop3A_420 : vector<1x1x16xf32> to vector<16xf32>
      %parallel_loop3A_422 = arith.constant 0 : i32
      %parallel_loop3A_423 = arith.index_cast %parallel_loop3A_422 : i32 to index
      %parallel_loop3A_424 = arith.index_cast %parallel_loop3A_257 : i32 to index
      %parallel_loop3A_425 = arith.constant 160 : index
      %parallel_loop3A_426 = tpu.vector_load %arg6[%parallel_loop3A_423, %parallel_loop3A_424, %parallel_loop3A_425] {strides = array<i32>} : memref<2x32x512xf32, #tpu.memory_space<vmem>>, vector<1x1x16xf32>,
      %parallel_loop3A_427 = vector.shape_cast %parallel_loop3A_426 : vector<1x1x16xf32> to vector<16xf32>
      %parallel_loop3A_428 = arith.subf %parallel_loop3A_421, %parallel_loop3A_427 : vector<16xf32>
      %parallel_loop3A_429 = arith.mulf %parallel_loop3A_428, %parallel_loop3A_428 : vector<16xf32>
      %parallel_loop3A_430 = arith.addf %parallel_loop3A_310, %parallel_loop3A_429 : vector<16xf32>
      %parallel_loop3A_431 = arith.constant 0 : i32
      %parallel_loop3A_432 = arith.index_cast %parallel_loop3A_431 : i32 to index
      %parallel_loop3A_433 = arith.index_cast %parallel_loop3A_257 : i32 to index
      %parallel_loop3A_434 = arith.constant 176 : index
      %parallel_loop3A_435 = tpu.vector_load %arg5[%parallel_loop3A_432, %parallel_loop3A_433, %parallel_loop3A_434] {strides = array<i32>} : memref<2x32x512xf32, #tpu.memory_space<vmem>>, vector<1x1x16xf32>,
      %parallel_loop3A_436 = vector.shape_cast %parallel_loop3A_435 : vector<1x1x16xf32> to vector<16xf32>
      %parallel_loop3A_437 = arith.constant 0 : i32
      %parallel_loop3A_438 = arith.index_cast %parallel_loop3A_437 : i32 to index
      %parallel_loop3A_439 = arith.index_cast %parallel_loop3A_257 : i32 to index
      %parallel_loop3A_440 = arith.constant 176 : index
      %parallel_loop3A_441 = tpu.vector_load %arg6[%parallel_loop3A_438, %parallel_loop3A_439, %parallel_loop3A_440] {strides = array<i32>} : memref<2x32x512xf32, #tpu.memory_space<vmem>>, vector<1x1x16xf32>,
      %parallel_loop3A_442 = vector.shape_cast %parallel_loop3A_441 : vector<1x1x16xf32> to vector<16xf32>
      %parallel_loop3A_443 = arith.subf %parallel_loop3A_436, %parallel_loop3A_442 : vector<16xf32>
      %parallel_loop3A_444 = arith.mulf %parallel_loop3A_443, %parallel_loop3A_443 : vector<16xf32>
      %parallel_loop3A_445 = arith.addf %parallel_loop3A_325, %parallel_loop3A_444 : vector<16xf32>
      %parallel_loop3A_446 = arith.constant 0 : i32
      %parallel_loop3A_447 = arith.index_cast %parallel_loop3A_446 : i32 to index
      %parallel_loop3A_448 = arith.index_cast %parallel_loop3A_257 : i32 to index
      %parallel_loop3A_449 = arith.constant 192 : index
      %parallel_loop3A_450 = tpu.vector_load %arg5[%parallel_loop3A_447, %parallel_loop3A_448, %parallel_loop3A_449] {strides = array<i32>} : memref<2x32x512xf32, #tpu.memory_space<vmem>>, vector<1x1x16xf32>,
      %parallel_loop3A_451 = vector.shape_cast %parallel_loop3A_450 : vector<1x1x16xf32> to vector<16xf32>
      %parallel_loop3A_452 = arith.constant 0 : i32
      %parallel_loop3A_453 = arith.index_cast %parallel_loop3A_452 : i32 to index
      %parallel_loop3A_454 = arith.index_cast %parallel_loop3A_257 : i32 to index
      %parallel_loop3A_455 = arith.constant 192 : index
      %parallel_loop3A_456 = tpu.vector_load %arg6[%parallel_loop3A_453, %parallel_loop3A_454, %parallel_loop3A_455] {strides = array<i32>} : memref<2x32x512xf32, #tpu.memory_space<vmem>>, vector<1x1x16xf32>,
      %parallel_loop3A_457 = vector.shape_cast %parallel_loop3A_456 : vector<1x1x16xf32> to vector<16xf32>
      %parallel_loop3A_458 = arith.subf %parallel_loop3A_451, %parallel_loop3A_457 : vector<16xf32>
      %parallel_loop3A_459 = arith.mulf %parallel_loop3A_458, %parallel_loop3A_458 : vector<16xf32>
      %parallel_loop3A_460 = arith.addf %parallel_loop3A_340, %parallel_loop3A_459 : vector<16xf32>
      %parallel_loop3A_461 = arith.constant 0 : i32
      %parallel_loop3A_462 = arith.index_cast %parallel_loop3A_461 : i32 to index
      %parallel_loop3A_463 = arith.index_cast %parallel_loop3A_257 : i32 to index
      %parallel_loop3A_464 = arith.constant 208 : index
      %parallel_loop3A_465 = tpu.vector_load %arg5[%parallel_loop3A_462, %parallel_loop3A_463, %parallel_loop3A_464] {strides = array<i32>} : memref<2x32x512xf32, #tpu.memory_space<vmem>>, vector<1x1x16xf32>,
      %parallel_loop3A_466 = vector.shape_cast %parallel_loop3A_465 : vector<1x1x16xf32> to vector<16xf32>
      %parallel_loop3A_467 = arith.constant 0 : i32
      %parallel_loop3A_468 = arith.index_cast %parallel_loop3A_467 : i32 to index
      %parallel_loop3A_469 = arith.index_cast %parallel_loop3A_257 : i32 to index
      %parallel_loop3A_470 = arith.constant 208 : index
      %parallel_loop3A_471 = tpu.vector_load %arg6[%parallel_loop3A_468, %parallel_loop3A_469, %parallel_loop3A_470] {strides = array<i32>} : memref<2x32x512xf32, #tpu.memory_space<vmem>>, vector<1x1x16xf32>,
      %parallel_loop3A_472 = vector.shape_cast %parallel_loop3A_471 : vector<1x1x16xf32> to vector<16xf32>
      %parallel_loop3A_473 = arith.subf %parallel_loop3A_466, %parallel_loop3A_472 : vector<16xf32>
      %parallel_loop3A_474 = arith.mulf %parallel_loop3A_473, %parallel_loop3A_473 : vector<16xf32>
      %parallel_loop3A_475 = arith.addf %parallel_loop3A_355, %parallel_loop3A_474 : vector<16xf32>
      %parallel_loop3A_476 = arith.constant 0 : i32
      %parallel_loop3A_477 = arith.index_cast %parallel_loop3A_476 : i32 to index
      %parallel_loop3A_478 = arith.index_cast %parallel_loop3A_257 : i32 to index
      %parallel_loop3A_479 = arith.constant 224 : index
      %parallel_loop3A_480 = tpu.vector_load %arg5[%parallel_loop3A_477, %parallel_loop3A_478, %parallel_loop3A_479] {strides = array<i32>} : memref<2x32x512xf32, #tpu.memory_space<vmem>>, vector<1x1x16xf32>,
      %parallel_loop3A_481 = vector.shape_cast %parallel_loop3A_480 : vector<1x1x16xf32> to vector<16xf32>
      %parallel_loop3A_482 = arith.constant 0 : i32
      %parallel_loop3A_483 = arith.index_cast %parallel_loop3A_482 : i32 to index
      %parallel_loop3A_484 = arith.index_cast %parallel_loop3A_257 : i32 to index
      %parallel_loop3A_485 = arith.constant 224 : index
      %parallel_loop3A_486 = tpu.vector_load %arg6[%parallel_loop3A_483, %parallel_loop3A_484, %parallel_loop3A_485] {strides = array<i32>} : memref<2x32x512xf32, #tpu.memory_space<vmem>>, vector<1x1x16xf32>,
      %parallel_loop3A_487 = vector.shape_cast %parallel_loop3A_486 : vector<1x1x16xf32> to vector<16xf32>
      %parallel_loop3A_488 = arith.subf %parallel_loop3A_481, %parallel_loop3A_487 : vector<16xf32>
      %parallel_loop3A_489 = arith.mulf %parallel_loop3A_488, %parallel_loop3A_488 : vector<16xf32>
      %parallel_loop3A_490 = arith.addf %parallel_loop3A_370, %parallel_loop3A_489 : vector<16xf32>
      %parallel_loop3A_491 = arith.constant 0 : i32
      %parallel_loop3A_492 = arith.index_cast %parallel_loop3A_491 : i32 to index
      %parallel_loop3A_493 = arith.index_cast %parallel_loop3A_257 : i32 to index
      %parallel_loop3A_494 = arith.constant 240 : index
      %parallel_loop3A_495 = tpu.vector_load %arg5[%parallel_loop3A_492, %parallel_loop3A_493, %parallel_loop3A_494] {strides = array<i32>} : memref<2x32x512xf32, #tpu.memory_space<vmem>>, vector<1x1x16xf32>,
      %parallel_loop3A_496 = vector.shape_cast %parallel_loop3A_495 : vector<1x1x16xf32> to vector<16xf32>
      %parallel_loop3A_497 = arith.constant 0 : i32
      %parallel_loop3A_498 = arith.index_cast %parallel_loop3A_497 : i32 to index
      %parallel_loop3A_499 = arith.index_cast %parallel_loop3A_257 : i32 to index
      %parallel_loop3A_500 = arith.constant 240 : index
      %parallel_loop3A_501 = tpu.vector_load %arg6[%parallel_loop3A_498, %parallel_loop3A_499, %parallel_loop3A_500] {strides = array<i32>} : memref<2x32x512xf32, #tpu.memory_space<vmem>>, vector<1x1x16xf32>,
      %parallel_loop3A_502 = vector.shape_cast %parallel_loop3A_501 : vector<1x1x16xf32> to vector<16xf32>
      %parallel_loop3A_503 = arith.subf %parallel_loop3A_496, %parallel_loop3A_502 : vector<16xf32>
      %parallel_loop3A_504 = arith.mulf %parallel_loop3A_503, %parallel_loop3A_503 : vector<16xf32>
      %parallel_loop3A_505 = arith.addf %parallel_loop3A_385, %parallel_loop3A_504 : vector<16xf32>
      %parallel_loop3A_506 = arith.constant 0 : i32
      %parallel_loop3A_507 = arith.index_cast %parallel_loop3A_506 : i32 to index
      %parallel_loop3A_508 = arith.index_cast %parallel_loop3A_257 : i32 to index
      %parallel_loop3A_509 = arith.constant 256 : index
      %parallel_loop3A_510 = tpu.vector_load %arg5[%parallel_loop3A_507, %parallel_loop3A_508, %parallel_loop3A_509] {strides = array<i32>} : memref<2x32x512xf32, #tpu.memory_space<vmem>>, vector<1x1x16xf32>,
      %parallel_loop3A_511 = vector.shape_cast %parallel_loop3A_510 : vector<1x1x16xf32> to vector<16xf32>
      %parallel_loop3A_512 = arith.constant 0 : i32
      %parallel_loop3A_513 = arith.index_cast %parallel_loop3A_512 : i32 to index
      %parallel_loop3A_514 = arith.index_cast %parallel_loop3A_257 : i32 to index
      %parallel_loop3A_515 = arith.constant 256 : index
      %parallel_loop3A_516 = tpu.vector_load %arg6[%parallel_loop3A_513, %parallel_loop3A_514, %parallel_loop3A_515] {strides = array<i32>} : memref<2x32x512xf32, #tpu.memory_space<vmem>>, vector<1x1x16xf32>,
      %parallel_loop3A_517 = vector.shape_cast %parallel_loop3A_516 : vector<1x1x16xf32> to vector<16xf32>
      %parallel_loop3A_518 = arith.subf %parallel_loop3A_511, %parallel_loop3A_517 : vector<16xf32>
      %parallel_loop3A_519 = arith.mulf %parallel_loop3A_518, %parallel_loop3A_518 : vector<16xf32>
      %parallel_loop3A_520 = arith.addf %parallel_loop3A_400, %parallel_loop3A_519 : vector<16xf32>
      %parallel_loop3A_521 = arith.constant 0 : i32
      %parallel_loop3A_522 = arith.index_cast %parallel_loop3A_521 : i32 to index
      %parallel_loop3A_523 = arith.index_cast %parallel_loop3A_257 : i32 to index
      %parallel_loop3A_524 = arith.constant 272 : index
      %parallel_loop3A_525 = tpu.vector_load %arg5[%parallel_loop3A_522, %parallel_loop3A_523, %parallel_loop3A_524] {strides = array<i32>} : memref<2x32x512xf32, #tpu.memory_space<vmem>>, vector<1x1x16xf32>,
      %parallel_loop3A_526 = vector.shape_cast %parallel_loop3A_525 : vector<1x1x16xf32> to vector<16xf32>
      %parallel_loop3A_527 = arith.constant 0 : i32
      %parallel_loop3A_528 = arith.index_cast %parallel_loop3A_527 : i32 to index
      %parallel_loop3A_529 = arith.index_cast %parallel_loop3A_257 : i32 to index
      %parallel_loop3A_530 = arith.constant 272 : index
      %parallel_loop3A_531 = tpu.vector_load %arg6[%parallel_loop3A_528, %parallel_loop3A_529, %parallel_loop3A_530] {strides = array<i32>} : memref<2x32x512xf32, #tpu.memory_space<vmem>>, vector<1x1x16xf32>,
      %parallel_loop3A_532 = vector.shape_cast %parallel_loop3A_531 : vector<1x1x16xf32> to vector<16xf32>
      %parallel_loop3A_533 = arith.subf %parallel_loop3A_526, %parallel_loop3A_532 : vector<16xf32>
      %parallel_loop3A_534 = arith.mulf %parallel_loop3A_533, %parallel_loop3A_533 : vector<16xf32>
      %parallel_loop3A_535 = arith.addf %parallel_loop3A_415, %parallel_loop3A_534 : vector<16xf32>
      %parallel_loop3A_536 = arith.constant 0 : i32
      %parallel_loop3A_537 = arith.index_cast %parallel_loop3A_536 : i32 to index
      %parallel_loop3A_538 = arith.index_cast %parallel_loop3A_257 : i32 to index
      %parallel_loop3A_539 = arith.constant 288 : index
      %parallel_loop3A_540 = tpu.vector_load %arg5[%parallel_loop3A_537, %parallel_loop3A_538, %parallel_loop3A_539] {strides = array<i32>} : memref<2x32x512xf32, #tpu.memory_space<vmem>>, vector<1x1x16xf32>,
      %parallel_loop3A_541 = vector.shape_cast %parallel_loop3A_540 : vector<1x1x16xf32> to vector<16xf32>
      %parallel_loop3A_542 = arith.constant 0 : i32
      %parallel_loop3A_543 = arith.index_cast %parallel_loop3A_542 : i32 to index
      %parallel_loop3A_544 = arith.index_cast %parallel_loop3A_257 : i32 to index
      %parallel_loop3A_545 = arith.constant 288 : index
      %parallel_loop3A_546 = tpu.vector_load %arg6[%parallel_loop3A_543, %parallel_loop3A_544, %parallel_loop3A_545] {strides = array<i32>} : memref<2x32x512xf32, #tpu.memory_space<vmem>>, vector<1x1x16xf32>,
      %parallel_loop3A_547 = vector.shape_cast %parallel_loop3A_546 : vector<1x1x16xf32> to vector<16xf32>
      %parallel_loop3A_548 = arith.subf %parallel_loop3A_541, %parallel_loop3A_547 : vector<16xf32>
      %parallel_loop3A_549 = arith.mulf %parallel_loop3A_548, %parallel_loop3A_548 : vector<16xf32>
      %parallel_loop3A_550 = arith.addf %parallel_loop3A_430, %parallel_loop3A_549 : vector<16xf32>
      %parallel_loop3A_551 = arith.constant 0 : i32
      %parallel_loop3A_552 = arith.index_cast %parallel_loop3A_551 : i32 to index
      %parallel_loop3A_553 = arith.index_cast %parallel_loop3A_257 : i32 to index
      %parallel_loop3A_554 = arith.constant 304 : index
      %parallel_loop3A_555 = tpu.vector_load %arg5[%parallel_loop3A_552, %parallel_loop3A_553, %parallel_loop3A_554] {strides = array<i32>} : memref<2x32x512xf32, #tpu.memory_space<vmem>>, vector<1x1x16xf32>,
      %parallel_loop3A_556 = vector.shape_cast %parallel_loop3A_555 : vector<1x1x16xf32> to vector<16xf32>
      %parallel_loop3A_557 = arith.constant 0 : i32
      %parallel_loop3A_558 = arith.index_cast %parallel_loop3A_557 : i32 to index
      %parallel_loop3A_559 = arith.index_cast %parallel_loop3A_257 : i32 to index
      %parallel_loop3A_560 = arith.constant 304 : index
      %parallel_loop3A_561 = tpu.vector_load %arg6[%parallel_loop3A_558, %parallel_loop3A_559, %parallel_loop3A_560] {strides = array<i32>} : memref<2x32x512xf32, #tpu.memory_space<vmem>>, vector<1x1x16xf32>,
      %parallel_loop3A_562 = vector.shape_cast %parallel_loop3A_561 : vector<1x1x16xf32> to vector<16xf32>
      %parallel_loop3A_563 = arith.subf %parallel_loop3A_556, %parallel_loop3A_562 : vector<16xf32>
      %parallel_loop3A_564 = arith.mulf %parallel_loop3A_563, %parallel_loop3A_563 : vector<16xf32>
      %parallel_loop3A_565 = arith.addf %parallel_loop3A_445, %parallel_loop3A_564 : vector<16xf32>
      %parallel_loop3A_566 = arith.constant 0 : i32
      %parallel_loop3A_567 = arith.index_cast %parallel_loop3A_566 : i32 to index
      %parallel_loop3A_568 = arith.index_cast %parallel_loop3A_257 : i32 to index
      %parallel_loop3A_569 = arith.constant 320 : index
      %parallel_loop3A_570 = tpu.vector_load %arg5[%parallel_loop3A_567, %parallel_loop3A_568, %parallel_loop3A_569] {strides = array<i32>} : memref<2x32x512xf32, #tpu.memory_space<vmem>>, vector<1x1x16xf32>,
      %parallel_loop3A_571 = vector.shape_cast %parallel_loop3A_570 : vector<1x1x16xf32> to vector<16xf32>
      %parallel_loop3A_572 = arith.constant 0 : i32
      %parallel_loop3A_573 = arith.index_cast %parallel_loop3A_572 : i32 to index
      %parallel_loop3A_574 = arith.index_cast %parallel_loop3A_257 : i32 to index
      %parallel_loop3A_575 = arith.constant 320 : index
      %parallel_loop3A_576 = tpu.vector_load %arg6[%parallel_loop3A_573, %parallel_loop3A_574, %parallel_loop3A_575] {strides = array<i32>} : memref<2x32x512xf32, #tpu.memory_space<vmem>>, vector<1x1x16xf32>,
      %parallel_loop3A_577 = vector.shape_cast %parallel_loop3A_576 : vector<1x1x16xf32> to vector<16xf32>
      %parallel_loop3A_578 = arith.subf %parallel_loop3A_571, %parallel_loop3A_577 : vector<16xf32>
      %parallel_loop3A_579 = arith.mulf %parallel_loop3A_578, %parallel_loop3A_578 : vector<16xf32>
      %parallel_loop3A_580 = arith.addf %parallel_loop3A_460, %parallel_loop3A_579 : vector<16xf32>
      %parallel_loop3A_581 = arith.constant 0 : i32
      %parallel_loop3A_582 = arith.index_cast %parallel_loop3A_581 : i32 to index
      %parallel_loop3A_583 = arith.index_cast %parallel_loop3A_257 : i32 to index
      %parallel_loop3A_584 = arith.constant 336 : index
      %parallel_loop3A_585 = tpu.vector_load %arg5[%parallel_loop3A_582, %parallel_loop3A_583, %parallel_loop3A_584] {strides = array<i32>} : memref<2x32x512xf32, #tpu.memory_space<vmem>>, vector<1x1x16xf32>,
      %parallel_loop3A_586 = vector.shape_cast %parallel_loop3A_585 : vector<1x1x16xf32> to vector<16xf32>
      %parallel_loop3A_587 = arith.constant 0 : i32
      %parallel_loop3A_588 = arith.index_cast %parallel_loop3A_587 : i32 to index
      %parallel_loop3A_589 = arith.index_cast %parallel_loop3A_257 : i32 to index
      %parallel_loop3A_590 = arith.constant 336 : index
      %parallel_loop3A_591 = tpu.vector_load %arg6[%parallel_loop3A_588, %parallel_loop3A_589, %parallel_loop3A_590] {strides = array<i32>} : memref<2x32x512xf32, #tpu.memory_space<vmem>>, vector<1x1x16xf32>,
      %parallel_loop3A_592 = vector.shape_cast %parallel_loop3A_591 : vector<1x1x16xf32> to vector<16xf32>
      %parallel_loop3A_593 = arith.subf %parallel_loop3A_586, %parallel_loop3A_592 : vector<16xf32>
      %parallel_loop3A_594 = arith.mulf %parallel_loop3A_593, %parallel_loop3A_593 : vector<16xf32>
      %parallel_loop3A_595 = arith.addf %parallel_loop3A_475, %parallel_loop3A_594 : vector<16xf32>
      %parallel_loop3A_596 = arith.constant 0 : i32
      %parallel_loop3A_597 = arith.index_cast %parallel_loop3A_596 : i32 to index
      %parallel_loop3A_598 = arith.index_cast %parallel_loop3A_257 : i32 to index
      %parallel_loop3A_599 = arith.constant 352 : index
      %parallel_loop3A_600 = tpu.vector_load %arg5[%parallel_loop3A_597, %parallel_loop3A_598, %parallel_loop3A_599] {strides = array<i32>} : memref<2x32x512xf32, #tpu.memory_space<vmem>>, vector<1x1x16xf32>,
      %parallel_loop3A_601 = vector.shape_cast %parallel_loop3A_600 : vector<1x1x16xf32> to vector<16xf32>
      %parallel_loop3A_602 = arith.constant 0 : i32
      %parallel_loop3A_603 = arith.index_cast %parallel_loop3A_602 : i32 to index
      %parallel_loop3A_604 = arith.index_cast %parallel_loop3A_257 : i32 to index
      %parallel_loop3A_605 = arith.constant 352 : index
      %parallel_loop3A_606 = tpu.vector_load %arg6[%parallel_loop3A_603, %parallel_loop3A_604, %parallel_loop3A_605] {strides = array<i32>} : memref<2x32x512xf32, #tpu.memory_space<vmem>>, vector<1x1x16xf32>,
      %parallel_loop3A_607 = vector.shape_cast %parallel_loop3A_606 : vector<1x1x16xf32> to vector<16xf32>
      %parallel_loop3A_608 = arith.subf %parallel_loop3A_601, %parallel_loop3A_607 : vector<16xf32>
      %parallel_loop3A_609 = arith.mulf %parallel_loop3A_608, %parallel_loop3A_608 : vector<16xf32>
      %parallel_loop3A_610 = arith.addf %parallel_loop3A_490, %parallel_loop3A_609 : vector<16xf32>
      %parallel_loop3A_611 = arith.constant 0 : i32
      %parallel_loop3A_612 = arith.index_cast %parallel_loop3A_611 : i32 to index
      %parallel_loop3A_613 = arith.index_cast %parallel_loop3A_257 : i32 to index
      %parallel_loop3A_614 = arith.constant 368 : index
      %parallel_loop3A_615 = tpu.vector_load %arg5[%parallel_loop3A_612, %parallel_loop3A_613, %parallel_loop3A_614] {strides = array<i32>} : memref<2x32x512xf32, #tpu.memory_space<vmem>>, vector<1x1x16xf32>,
      %parallel_loop3A_616 = vector.shape_cast %parallel_loop3A_615 : vector<1x1x16xf32> to vector<16xf32>
      %parallel_loop3A_617 = arith.constant 0 : i32
      %parallel_loop3A_618 = arith.index_cast %parallel_loop3A_617 : i32 to index
      %parallel_loop3A_619 = arith.index_cast %parallel_loop3A_257 : i32 to index
      %parallel_loop3A_620 = arith.constant 368 : index
      %parallel_loop3A_621 = tpu.vector_load %arg6[%parallel_loop3A_618, %parallel_loop3A_619, %parallel_loop3A_620] {strides = array<i32>} : memref<2x32x512xf32, #tpu.memory_space<vmem>>, vector<1x1x16xf32>,
      %parallel_loop3A_622 = vector.shape_cast %parallel_loop3A_621 : vector<1x1x16xf32> to vector<16xf32>
      %parallel_loop3A_623 = arith.subf %parallel_loop3A_616, %parallel_loop3A_622 : vector<16xf32>
      %parallel_loop3A_624 = arith.mulf %parallel_loop3A_623, %parallel_loop3A_623 : vector<16xf32>
      %parallel_loop3A_625 = arith.addf %parallel_loop3A_505, %parallel_loop3A_624 : vector<16xf32>
      %parallel_loop3A_626 = arith.constant 0 : i32
      %parallel_loop3A_627 = arith.index_cast %parallel_loop3A_626 : i32 to index
      %parallel_loop3A_628 = arith.index_cast %parallel_loop3A_257 : i32 to index
      %parallel_loop3A_629 = arith.constant 384 : index
      %parallel_loop3A_630 = tpu.vector_load %arg5[%parallel_loop3A_627, %parallel_loop3A_628, %parallel_loop3A_629] {strides = array<i32>} : memref<2x32x512xf32, #tpu.memory_space<vmem>>, vector<1x1x16xf32>,
      %parallel_loop3A_631 = vector.shape_cast %parallel_loop3A_630 : vector<1x1x16xf32> to vector<16xf32>
      %parallel_loop3A_632 = arith.constant 0 : i32
      %parallel_loop3A_633 = arith.index_cast %parallel_loop3A_632 : i32 to index
      %parallel_loop3A_634 = arith.index_cast %parallel_loop3A_257 : i32 to index
      %parallel_loop3A_635 = arith.constant 384 : index
      %parallel_loop3A_636 = tpu.vector_load %arg6[%parallel_loop3A_633, %parallel_loop3A_634, %parallel_loop3A_635] {strides = array<i32>} : memref<2x32x512xf32, #tpu.memory_space<vmem>>, vector<1x1x16xf32>,
      %parallel_loop3A_637 = vector.shape_cast %parallel_loop3A_636 : vector<1x1x16xf32> to vector<16xf32>
      %parallel_loop3A_638 = arith.subf %parallel_loop3A_631, %parallel_loop3A_637 : vector<16xf32>
      %parallel_loop3A_639 = arith.mulf %parallel_loop3A_638, %parallel_loop3A_638 : vector<16xf32>
      %parallel_loop3A_640 = arith.addf %parallel_loop3A_520, %parallel_loop3A_639 : vector<16xf32>
      %parallel_loop3A_641 = arith.constant 0 : i32
      %parallel_loop3A_642 = arith.index_cast %parallel_loop3A_641 : i32 to index
      %parallel_loop3A_643 = arith.index_cast %parallel_loop3A_257 : i32 to index
      %parallel_loop3A_644 = arith.constant 400 : index
      %parallel_loop3A_645 = tpu.vector_load %arg5[%parallel_loop3A_642, %parallel_loop3A_643, %parallel_loop3A_644] {strides = array<i32>} : memref<2x32x512xf32, #tpu.memory_space<vmem>>, vector<1x1x16xf32>,
      %parallel_loop3A_646 = vector.shape_cast %parallel_loop3A_645 : vector<1x1x16xf32> to vector<16xf32>
      %parallel_loop3A_647 = arith.constant 0 : i32
      %parallel_loop3A_648 = arith.index_cast %parallel_loop3A_647 : i32 to index
      %parallel_loop3A_649 = arith.index_cast %parallel_loop3A_257 : i32 to index
      %parallel_loop3A_650 = arith.constant 400 : index
      %parallel_loop3A_651 = tpu.vector_load %arg6[%parallel_loop3A_648, %parallel_loop3A_649, %parallel_loop3A_650] {strides = array<i32>} : memref<2x32x512xf32, #tpu.memory_space<vmem>>, vector<1x1x16xf32>,
      %parallel_loop3A_652 = vector.shape_cast %parallel_loop3A_651 : vector<1x1x16xf32> to vector<16xf32>
      %parallel_loop3A_653 = arith.subf %parallel_loop3A_646, %parallel_loop3A_652 : vector<16xf32>
      %parallel_loop3A_654 = arith.mulf %parallel_loop3A_653, %parallel_loop3A_653 : vector<16xf32>
      %parallel_loop3A_655 = arith.addf %parallel_loop3A_535, %parallel_loop3A_654 : vector<16xf32>
      %parallel_loop3A_656 = arith.constant 0 : i32
      %parallel_loop3A_657 = arith.index_cast %parallel_loop3A_656 : i32 to index
      %parallel_loop3A_658 = arith.index_cast %parallel_loop3A_257 : i32 to index
      %parallel_loop3A_659 = arith.constant 416 : index
      %parallel_loop3A_660 = tpu.vector_load %arg5[%parallel_loop3A_657, %parallel_loop3A_658, %parallel_loop3A_659] {strides = array<i32>} : memref<2x32x512xf32, #tpu.memory_space<vmem>>, vector<1x1x16xf32>,
      %parallel_loop3A_661 = vector.shape_cast %parallel_loop3A_660 : vector<1x1x16xf32> to vector<16xf32>
      %parallel_loop3A_662 = arith.constant 0 : i32
      %parallel_loop3A_663 = arith.index_cast %parallel_loop3A_662 : i32 to index
      %parallel_loop3A_664 = arith.index_cast %parallel_loop3A_257 : i32 to index
      %parallel_loop3A_665 = arith.constant 416 : index
      %parallel_loop3A_666 = tpu.vector_load %arg6[%parallel_loop3A_663, %parallel_loop3A_664, %parallel_loop3A_665] {strides = array<i32>} : memref<2x32x512xf32, #tpu.memory_space<vmem>>, vector<1x1x16xf32>,
      %parallel_loop3A_667 = vector.shape_cast %parallel_loop3A_666 : vector<1x1x16xf32> to vector<16xf32>
      %parallel_loop3A_668 = arith.subf %parallel_loop3A_661, %parallel_loop3A_667 : vector<16xf32>
      %parallel_loop3A_669 = arith.mulf %parallel_loop3A_668, %parallel_loop3A_668 : vector<16xf32>
      %parallel_loop3A_670 = arith.addf %parallel_loop3A_550, %parallel_loop3A_669 : vector<16xf32>
      %parallel_loop3A_671 = arith.constant 0 : i32
      %parallel_loop3A_672 = arith.index_cast %parallel_loop3A_671 : i32 to index
      %parallel_loop3A_673 = arith.index_cast %parallel_loop3A_257 : i32 to index
      %parallel_loop3A_674 = arith.constant 432 : index
      %parallel_loop3A_675 = tpu.vector_load %arg5[%parallel_loop3A_672, %parallel_loop3A_673, %parallel_loop3A_674] {strides = array<i32>} : memref<2x32x512xf32, #tpu.memory_space<vmem>>, vector<1x1x16xf32>,
      %parallel_loop3A_676 = vector.shape_cast %parallel_loop3A_675 : vector<1x1x16xf32> to vector<16xf32>
      %parallel_loop3A_677 = arith.constant 0 : i32
      %parallel_loop3A_678 = arith.index_cast %parallel_loop3A_677 : i32 to index
      %parallel_loop3A_679 = arith.index_cast %parallel_loop3A_257 : i32 to index
      %parallel_loop3A_680 = arith.constant 432 : index
      %parallel_loop3A_681 = tpu.vector_load %arg6[%parallel_loop3A_678, %parallel_loop3A_679, %parallel_loop3A_680] {strides = array<i32>} : memref<2x32x512xf32, #tpu.memory_space<vmem>>, vector<1x1x16xf32>,
      %parallel_loop3A_682 = vector.shape_cast %parallel_loop3A_681 : vector<1x1x16xf32> to vector<16xf32>
      %parallel_loop3A_683 = arith.subf %parallel_loop3A_676, %parallel_loop3A_682 : vector<16xf32>
      %parallel_loop3A_684 = arith.mulf %parallel_loop3A_683, %parallel_loop3A_683 : vector<16xf32>
      %parallel_loop3A_685 = arith.addf %parallel_loop3A_565, %parallel_loop3A_684 : vector<16xf32>
      %parallel_loop3A_686 = arith.constant 0 : i32
      %parallel_loop3A_687 = arith.index_cast %parallel_loop3A_686 : i32 to index
      %parallel_loop3A_688 = arith.index_cast %parallel_loop3A_257 : i32 to index
      %parallel_loop3A_689 = arith.constant 448 : index
      %parallel_loop3A_690 = tpu.vector_load %arg5[%parallel_loop3A_687, %parallel_loop3A_688, %parallel_loop3A_689] {strides = array<i32>} : memref<2x32x512xf32, #tpu.memory_space<vmem>>, vector<1x1x16xf32>,
      %parallel_loop3A_691 = vector.shape_cast %parallel_loop3A_690 : vector<1x1x16xf32> to vector<16xf32>
      %parallel_loop3A_692 = arith.constant 0 : i32
      %parallel_loop3A_693 = arith.index_cast %parallel_loop3A_692 : i32 to index
      %parallel_loop3A_694 = arith.index_cast %parallel_loop3A_257 : i32 to index
      %parallel_loop3A_695 = arith.constant 448 : index
      %parallel_loop3A_696 = tpu.vector_load %arg6[%parallel_loop3A_693, %parallel_loop3A_694, %parallel_loop3A_695] {strides = array<i32>} : memref<2x32x512xf32, #tpu.memory_space<vmem>>, vector<1x1x16xf32>,
      %parallel_loop3A_697 = vector.shape_cast %parallel_loop3A_696 : vector<1x1x16xf32> to vector<16xf32>
      %parallel_loop3A_698 = arith.subf %parallel_loop3A_691, %parallel_loop3A_697 : vector<16xf32>
      %parallel_loop3A_699 = arith.mulf %parallel_loop3A_698, %parallel_loop3A_698 : vector<16xf32>
      %parallel_loop3A_700 = arith.addf %parallel_loop3A_580, %parallel_loop3A_699 : vector<16xf32>
      %parallel_loop3A_701 = arith.constant 0 : i32
      %parallel_loop3A_702 = arith.index_cast %parallel_loop3A_701 : i32 to index
      %parallel_loop3A_703 = arith.index_cast %parallel_loop3A_257 : i32 to index
      %parallel_loop3A_704 = arith.constant 464 : index
      %parallel_loop3A_705 = tpu.vector_load %arg5[%parallel_loop3A_702, %parallel_loop3A_703, %parallel_loop3A_704] {strides = array<i32>} : memref<2x32x512xf32, #tpu.memory_space<vmem>>, vector<1x1x16xf32>,
      %parallel_loop3A_706 = vector.shape_cast %parallel_loop3A_705 : vector<1x1x16xf32> to vector<16xf32>
      %parallel_loop3A_707 = arith.constant 0 : i32
      %parallel_loop3A_708 = arith.index_cast %parallel_loop3A_707 : i32 to index
      %parallel_loop3A_709 = arith.index_cast %parallel_loop3A_257 : i32 to index
      %parallel_loop3A_710 = arith.constant 464 : index
      %parallel_loop3A_711 = tpu.vector_load %arg6[%parallel_loop3A_708, %parallel_loop3A_709, %parallel_loop3A_710] {strides = array<i32>} : memref<2x32x512xf32, #tpu.memory_space<vmem>>, vector<1x1x16xf32>,
      %parallel_loop3A_712 = vector.shape_cast %parallel_loop3A_711 : vector<1x1x16xf32> to vector<16xf32>
      %parallel_loop3A_713 = arith.subf %parallel_loop3A_706, %parallel_loop3A_712 : vector<16xf32>
      %parallel_loop3A_714 = arith.mulf %parallel_loop3A_713, %parallel_loop3A_713 : vector<16xf32>
      %parallel_loop3A_715 = arith.addf %parallel_loop3A_595, %parallel_loop3A_714 : vector<16xf32>
      %parallel_loop3A_716 = arith.constant 0 : i32
      %parallel_loop3A_717 = arith.index_cast %parallel_loop3A_716 : i32 to index
      %parallel_loop3A_718 = arith.index_cast %parallel_loop3A_257 : i32 to index
      %parallel_loop3A_719 = arith.constant 480 : index
      %parallel_loop3A_720 = tpu.vector_load %arg5[%parallel_loop3A_717, %parallel_loop3A_718, %parallel_loop3A_719] {strides = array<i32>} : memref<2x32x512xf32, #tpu.memory_space<vmem>>, vector<1x1x16xf32>,
      %parallel_loop3A_721 = vector.shape_cast %parallel_loop3A_720 : vector<1x1x16xf32> to vector<16xf32>
      %parallel_loop3A_722 = arith.constant 0 : i32
      %parallel_loop3A_723 = arith.index_cast %parallel_loop3A_722 : i32 to index
      %parallel_loop3A_724 = arith.index_cast %parallel_loop3A_257 : i32 to index
      %parallel_loop3A_725 = arith.constant 480 : index
      %parallel_loop3A_726 = tpu.vector_load %arg6[%parallel_loop3A_723, %parallel_loop3A_724, %parallel_loop3A_725] {strides = array<i32>} : memref<2x32x512xf32, #tpu.memory_space<vmem>>, vector<1x1x16xf32>,
      %parallel_loop3A_727 = vector.shape_cast %parallel_loop3A_726 : vector<1x1x16xf32> to vector<16xf32>
      %parallel_loop3A_728 = arith.subf %parallel_loop3A_721, %parallel_loop3A_727 : vector<16xf32>
      %parallel_loop3A_729 = arith.mulf %parallel_loop3A_728, %parallel_loop3A_728 : vector<16xf32>
      %parallel_loop3A_730 = arith.addf %parallel_loop3A_610, %parallel_loop3A_729 : vector<16xf32>
      %parallel_loop3A_731 = arith.constant 0 : i32
      %parallel_loop3A_732 = arith.index_cast %parallel_loop3A_731 : i32 to index
      %parallel_loop3A_733 = arith.index_cast %parallel_loop3A_257 : i32 to index
      %parallel_loop3A_734 = arith.constant 496 : index
      %parallel_loop3A_735 = tpu.vector_load %arg5[%parallel_loop3A_732, %parallel_loop3A_733, %parallel_loop3A_734] {strides = array<i32>} : memref<2x32x512xf32, #tpu.memory_space<vmem>>, vector<1x1x16xf32>,
      %parallel_loop3A_736 = vector.shape_cast %parallel_loop3A_735 : vector<1x1x16xf32> to vector<16xf32>
      %parallel_loop3A_737 = arith.constant 0 : i32
      %parallel_loop3A_738 = arith.index_cast %parallel_loop3A_737 : i32 to index
      %parallel_loop3A_739 = arith.index_cast %parallel_loop3A_257 : i32 to index
      %parallel_loop3A_740 = arith.constant 496 : index
      %parallel_loop3A_741 = tpu.vector_load %arg6[%parallel_loop3A_738, %parallel_loop3A_739, %parallel_loop3A_740] {strides = array<i32>} : memref<2x32x512xf32, #tpu.memory_space<vmem>>, vector<1x1x16xf32>,
      %parallel_loop3A_742 = vector.shape_cast %parallel_loop3A_741 : vector<1x1x16xf32> to vector<16xf32>
      %parallel_loop3A_743 = arith.subf %parallel_loop3A_736, %parallel_loop3A_742 : vector<16xf32>
      %parallel_loop3A_744 = arith.mulf %parallel_loop3A_743, %parallel_loop3A_743 : vector<16xf32>
      %parallel_loop3A_745 = arith.addf %parallel_loop3A_625, %parallel_loop3A_744 : vector<16xf32>
      scf.yield %parallel_loop3A_640, %parallel_loop3A_655, %parallel_loop3A_670, %parallel_loop3A_685, %parallel_loop3A_700, %parallel_loop3A_715, %parallel_loop3A_730, %parallel_loop3A_745 : vector<16xf32>, vector<16xf32>, vector<16xf32>, vector<16xf32>, vector<16xf32>, vector<16xf32>, vector<16xf32>, vector<16xf32>
    } {sc.loop_unroll_factor = 1 : i64, sc.parallel_access}
    %dma_wait3A_217 = arith.constant 1 : i32
    %dma_wait3A_218 = arith.constant 0 : i32
    %dma_wait3A_219 = arith.constant 0 : i32
    %dma_wait3A_220 = tpu.memref_slice %arg5[%dma_wait3A_217, %dma_wait3A_218, %dma_wait3A_219] : memref<2x32x512xf32, #tpu.memory_space<vmem>> -> memref<1x32x512xf32, #tpu.memory_space<vmem>>
    %dma_wait3A_221 = tpu.memref_squeeze %dma_wait3A_220 : memref<1x32x512xf32, #tpu.memory_space<vmem>> -> memref<32x512xf32, #tpu.memory_space<vmem>>
    %dma_wait3A_222 = arith.constant 0 : i32
    %dma_wait3A_223 = tpu.memref_slice %arg2[%add3A_186, %dma_wait3A_222] : memref<16384x512xf32, #tpu.memory_space<hbm>> -> memref<32x512xf32, #tpu.memory_space<hbm>>
    %dma_wait3A_224 = arith.constant 0 : i32
    %dma_wait3A_225 = arith.constant 0 : i32
    %dma_wait3A_226 = tpu.memref_slice %arg5[%dma_wait3A_217, %dma_wait3A_224, %dma_wait3A_225] : memref<2x32x512xf32, #tpu.memory_space<vmem>> -> memref<1x32x512xf32, #tpu.memory_space<vmem>>
    %dma_wait3A_227 = tpu.memref_squeeze %dma_wait3A_226 : memref<1x32x512xf32, #tpu.memory_space<vmem>> -> memref<32x512xf32, #tpu.memory_space<vmem>>
    %dma_wait3A_228 = arith.constant 0 : i32
    %dma_wait3A_229 = tpu.memref_slice %arg2[%add3A_186, %dma_wait3A_228] : memref<16384x512xf32, #tpu.memory_space<hbm>> -> memref<32x512xf32, #tpu.memory_space<hbm>>
    tpu.wait_dma2 semaphore(%arg9 : memref<!tpu.dma_semaphore, #tpu.memory_space<semaphore_mem>>) src(%dma_wait3A_229 : memref<32x512xf32, #tpu.memory_space<hbm>>) dst(%dma_wait3A_227 : memref<32x512xf32, #tpu.memory_space<vmem>>)
    %dma_wait3A_230 = arith.constant 1 : i32
    %dma_wait3A_231 = arith.constant 0 : i32
    %dma_wait3A_232 = arith.constant 0 : i32
    %dma_wait3A_233 = tpu.memref_slice %arg6[%dma_wait3A_230, %dma_wait3A_231, %dma_wait3A_232] : memref<2x32x512xf32, #tpu.memory_space<vmem>> -> memref<1x32x512xf32, #tpu.memory_space<vmem>>
    %dma_wait3A_234 = tpu.memref_squeeze %dma_wait3A_233 : memref<1x32x512xf32, #tpu.memory_space<vmem>> -> memref<32x512xf32, #tpu.memory_space<vmem>>
    %dma_wait3A_235 = arith.constant 0 : i32
    %dma_wait3A_236 = tpu.memref_slice %arg3[%add3A_186, %dma_wait3A_235] : memref<16384x512xf32, #tpu.memory_space<hbm>> -> memref<32x512xf32, #tpu.memory_space<hbm>>
    %dma_wait3A_237 = arith.constant 0 : i32
    %dma_wait3A_238 = arith.constant 0 : i32
    %dma_wait3A_239 = tpu.memref_slice %arg6[%dma_wait3A_230, %dma_wait3A_237, %dma_wait3A_238] : memref<2x32x512xf32, #tpu.memory_space<vmem>> -> memref<1x32x512xf32, #tpu.memory_space<vmem>>
    %dma_wait3A_240 = tpu.memref_squeeze %dma_wait3A_239 : memref<1x32x512xf32, #tpu.memory_space<vmem>> -> memref<32x512xf32, #tpu.memory_space<vmem>>
    %dma_wait3A_241 = arith.constant 0 : i32
    %dma_wait3A_242 = tpu.memref_slice %arg3[%add3A_186, %dma_wait3A_241] : memref<16384x512xf32, #tpu.memory_space<hbm>> -> memref<32x512xf32, #tpu.memory_space<hbm>>
    tpu.wait_dma2 semaphore(%arg9 : memref<!tpu.dma_semaphore, #tpu.memory_space<semaphore_mem>>) src(%dma_wait3A_242 : memref<32x512xf32, #tpu.memory_space<hbm>>) dst(%dma_wait3A_240 : memref<32x512xf32, #tpu.memory_space<vmem>>)
    %parallel_loop3A_243 = arith.constant 0 : i32
    %parallel_loop3A_244 = arith.constant 32 : i32
    %parallel_loop3A_245 = arith.constant 1 : i32
    %parallel_loop3A_246:8 = scf.for %parallel_loop3A_257 = %parallel_loop3A_243 to %parallel_loop3A_244 step %parallel_loop3A_245 iter_args(%parallel_loop3A_258 = %parallel_loop3A_216#0, %parallel_loop3A_259 = %parallel_loop3A_216#1, %parallel_loop3A_260 = %parallel_loop3A_216#2, %parallel_loop3A_261 = %parallel_loop3A_216#3, %parallel_loop3A_262 = %parallel_loop3A_216#4, %parallel_loop3A_263 = %parallel_loop3A_216#5, %parallel_loop3A_264 = %parallel_loop3A_216#6, %parallel_loop3A_265 = %parallel_loop3A_216#7) -> (vector<16xf32>, vector<16xf32>, vector<16xf32>, vector<16xf32>, vector<16xf32>, vector<16xf32>, vector<16xf32>, vector<16xf32>)  : i32 {
      %parallel_loop3A_266 = arith.constant 1 : i32
      %parallel_loop3A_267 = arith.index_cast %parallel_loop3A_266 : i32 to index
      %parallel_loop3A_268 = arith.index_cast %parallel_loop3A_257 : i32 to index
      %parallel_loop3A_269 = arith.constant 0 : index
      %parallel_loop3A_270 = tpu.vector_load %arg5[%parallel_loop3A_267, %parallel_loop3A_268, %parallel_loop3A_269] {strides = array<i32>} : memref<2x32x512xf32, #tpu.memory_space<vmem>>, vector<1x1x16xf32>,
      %parallel_loop3A_271 = vector.shape_cast %parallel_loop3A_270 : vector<1x1x16xf32> to vector<16xf32>
      %parallel_loop3A_272 = arith.constant 1 : i32
      %parallel_loop3A_273 = arith.index_cast %parallel_loop3A_272 : i32 to index
      %parallel_loop3A_274 = arith.index_cast %parallel_loop3A_257 : i32 to index
      %parallel_loop3A_275 = arith.constant 0 : index
      %parallel_loop3A_276 = tpu.vector_load %arg6[%parallel_loop3A_273, %parallel_loop3A_274, %parallel_loop3A_275] {strides = array<i32>} : memref<2x32x512xf32, #tpu.memory_space<vmem>>, vector<1x1x16xf32>,
      %parallel_loop3A_277 = vector.shape_cast %parallel_loop3A_276 : vector<1x1x16xf32> to vector<16xf32>
      %parallel_loop3A_278 = arith.subf %parallel_loop3A_271, %parallel_loop3A_277 : vector<16xf32>
      %parallel_loop3A_279 = arith.mulf %parallel_loop3A_278, %parallel_loop3A_278 : vector<16xf32>
      %parallel_loop3A_280 = arith.addf %parallel_loop3A_258, %parallel_loop3A_279 : vector<16xf32>
      %parallel_loop3A_281 = arith.constant 1 : i32
      %parallel_loop3A_282 = arith.index_cast %parallel_loop3A_281 : i32 to index
      %parallel_loop3A_283 = arith.index_cast %parallel_loop3A_257 : i32 to index
      %parallel_loop3A_284 = arith.constant 16 : index
      %parallel_loop3A_285 = tpu.vector_load %arg5[%parallel_loop3A_282, %parallel_loop3A_283, %parallel_loop3A_284] {strides = array<i32>} : memref<2x32x512xf32, #tpu.memory_space<vmem>>, vector<1x1x16xf32>,
      %parallel_loop3A_286 = vector.shape_cast %parallel_loop3A_285 : vector<1x1x16xf32> to vector<16xf32>
      %parallel_loop3A_287 = arith.constant 1 : i32
      %parallel_loop3A_288 = arith.index_cast %parallel_loop3A_287 : i32 to index
      %parallel_loop3A_289 = arith.index_cast %parallel_loop3A_257 : i32 to index
      %parallel_loop3A_290 = arith.constant 16 : index
      %parallel_loop3A_291 = tpu.vector_load %arg6[%parallel_loop3A_288, %parallel_loop3A_289, %parallel_loop3A_290] {strides = array<i32>} : memref<2x32x512xf32, #tpu.memory_space<vmem>>, vector<1x1x16xf32>,
      %parallel_loop3A_292 = vector.shape_cast %parallel_loop3A_291 : vector<1x1x16xf32> to vector<16xf32>
      %parallel_loop3A_293 = arith.subf %parallel_loop3A_286, %parallel_loop3A_292 : vector<16xf32>
      %parallel_loop3A_294 = arith.mulf %parallel_loop3A_293, %parallel_loop3A_293 : vector<16xf32>
      %parallel_loop3A_295 = arith.addf %parallel_loop3A_259, %parallel_loop3A_294 : vector<16xf32>
      %parallel_loop3A_296 = arith.constant 1 : i32
      %parallel_loop3A_297 = arith.index_cast %parallel_loop3A_296 : i32 to index
      %parallel_loop3A_298 = arith.index_cast %parallel_loop3A_257 : i32 to index
      %parallel_loop3A_299 = arith.constant 32 : index
      %parallel_loop3A_300 = tpu.vector_load %arg5[%parallel_loop3A_297, %parallel_loop3A_298, %parallel_loop3A_299] {strides = array<i32>} : memref<2x32x512xf32, #tpu.memory_space<vmem>>, vector<1x1x16xf32>,
      %parallel_loop3A_301 = vector.shape_cast %parallel_loop3A_300 : vector<1x1x16xf32> to vector<16xf32>
      %parallel_loop3A_302 = arith.constant 1 : i32
      %parallel_loop3A_303 = arith.index_cast %parallel_loop3A_302 : i32 to index
      %parallel_loop3A_304 = arith.index_cast %parallel_loop3A_257 : i32 to index
      %parallel_loop3A_305 = arith.constant 32 : index
      %parallel_loop3A_306 = tpu.vector_load %arg6[%parallel_loop3A_303, %parallel_loop3A_304, %parallel_loop3A_305] {strides = array<i32>} : memref<2x32x512xf32, #tpu.memory_space<vmem>>, vector<1x1x16xf32>,
      %parallel_loop3A_307 = vector.shape_cast %parallel_loop3A_306 : vector<1x1x16xf32> to vector<16xf32>
      %parallel_loop3A_308 = arith.subf %parallel_loop3A_301, %parallel_loop3A_307 : vector<16xf32>
      %parallel_loop3A_309 = arith.mulf %parallel_loop3A_308, %parallel_loop3A_308 : vector<16xf32>
      %parallel_loop3A_310 = arith.addf %parallel_loop3A_260, %parallel_loop3A_309 : vector<16xf32>
      %parallel_loop3A_311 = arith.constant 1 : i32
      %parallel_loop3A_312 = arith.index_cast %parallel_loop3A_311 : i32 to index
      %parallel_loop3A_313 = arith.index_cast %parallel_loop3A_257 : i32 to index
      %parallel_loop3A_314 = arith.constant 48 : index
      %parallel_loop3A_315 = tpu.vector_load %arg5[%parallel_loop3A_312, %parallel_loop3A_313, %parallel_loop3A_314] {strides = array<i32>} : memref<2x32x512xf32, #tpu.memory_space<vmem>>, vector<1x1x16xf32>,
      %parallel_loop3A_316 = vector.shape_cast %parallel_loop3A_315 : vector<1x1x16xf32> to vector<16xf32>
      %parallel_loop3A_317 = arith.constant 1 : i32
      %parallel_loop3A_318 = arith.index_cast %parallel_loop3A_317 : i32 to index
      %parallel_loop3A_319 = arith.index_cast %parallel_loop3A_257 : i32 to index
      %parallel_loop3A_320 = arith.constant 48 : index
      %parallel_loop3A_321 = tpu.vector_load %arg6[%parallel_loop3A_318, %parallel_loop3A_319, %parallel_loop3A_320] {strides = array<i32>} : memref<2x32x512xf32, #tpu.memory_space<vmem>>, vector<1x1x16xf32>,
      %parallel_loop3A_322 = vector.shape_cast %parallel_loop3A_321 : vector<1x1x16xf32> to vector<16xf32>
      %parallel_loop3A_323 = arith.subf %parallel_loop3A_316, %parallel_loop3A_322 : vector<16xf32>
      %parallel_loop3A_324 = arith.mulf %parallel_loop3A_323, %parallel_loop3A_323 : vector<16xf32>
      %parallel_loop3A_325 = arith.addf %parallel_loop3A_261, %parallel_loop3A_324 : vector<16xf32>
      %parallel_loop3A_326 = arith.constant 1 : i32
      %parallel_loop3A_327 = arith.index_cast %parallel_loop3A_326 : i32 to index
      %parallel_loop3A_328 = arith.index_cast %parallel_loop3A_257 : i32 to index
      %parallel_loop3A_329 = arith.constant 64 : index
      %parallel_loop3A_330 = tpu.vector_load %arg5[%parallel_loop3A_327, %parallel_loop3A_328, %parallel_loop3A_329] {strides = array<i32>} : memref<2x32x512xf32, #tpu.memory_space<vmem>>, vector<1x1x16xf32>,
      %parallel_loop3A_331 = vector.shape_cast %parallel_loop3A_330 : vector<1x1x16xf32> to vector<16xf32>
      %parallel_loop3A_332 = arith.constant 1 : i32
      %parallel_loop3A_333 = arith.index_cast %parallel_loop3A_332 : i32 to index
      %parallel_loop3A_334 = arith.index_cast %parallel_loop3A_257 : i32 to index
      %parallel_loop3A_335 = arith.constant 64 : index
      %parallel_loop3A_336 = tpu.vector_load %arg6[%parallel_loop3A_333, %parallel_loop3A_334, %parallel_loop3A_335] {strides = array<i32>} : memref<2x32x512xf32, #tpu.memory_space<vmem>>, vector<1x1x16xf32>,
      %parallel_loop3A_337 = vector.shape_cast %parallel_loop3A_336 : vector<1x1x16xf32> to vector<16xf32>
      %parallel_loop3A_338 = arith.subf %parallel_loop3A_331, %parallel_loop3A_337 : vector<16xf32>
      %parallel_loop3A_339 = arith.mulf %parallel_loop3A_338, %parallel_loop3A_338 : vector<16xf32>
      %parallel_loop3A_340 = arith.addf %parallel_loop3A_262, %parallel_loop3A_339 : vector<16xf32>
      %parallel_loop3A_341 = arith.constant 1 : i32
      %parallel_loop3A_342 = arith.index_cast %parallel_loop3A_341 : i32 to index
      %parallel_loop3A_343 = arith.index_cast %parallel_loop3A_257 : i32 to index
      %parallel_loop3A_344 = arith.constant 80 : index
      %parallel_loop3A_345 = tpu.vector_load %arg5[%parallel_loop3A_342, %parallel_loop3A_343, %parallel_loop3A_344] {strides = array<i32>} : memref<2x32x512xf32, #tpu.memory_space<vmem>>, vector<1x1x16xf32>,
      %parallel_loop3A_346 = vector.shape_cast %parallel_loop3A_345 : vector<1x1x16xf32> to vector<16xf32>
      %parallel_loop3A_347 = arith.constant 1 : i32
      %parallel_loop3A_348 = arith.index_cast %parallel_loop3A_347 : i32 to index
      %parallel_loop3A_349 = arith.index_cast %parallel_loop3A_257 : i32 to index
      %parallel_loop3A_350 = arith.constant 80 : index
      %parallel_loop3A_351 = tpu.vector_load %arg6[%parallel_loop3A_348, %parallel_loop3A_349, %parallel_loop3A_350] {strides = array<i32>} : memref<2x32x512xf32, #tpu.memory_space<vmem>>, vector<1x1x16xf32>,
      %parallel_loop3A_352 = vector.shape_cast %parallel_loop3A_351 : vector<1x1x16xf32> to vector<16xf32>
      %parallel_loop3A_353 = arith.subf %parallel_loop3A_346, %parallel_loop3A_352 : vector<16xf32>
      %parallel_loop3A_354 = arith.mulf %parallel_loop3A_353, %parallel_loop3A_353 : vector<16xf32>
      %parallel_loop3A_355 = arith.addf %parallel_loop3A_263, %parallel_loop3A_354 : vector<16xf32>
      %parallel_loop3A_356 = arith.constant 1 : i32
      %parallel_loop3A_357 = arith.index_cast %parallel_loop3A_356 : i32 to index
      %parallel_loop3A_358 = arith.index_cast %parallel_loop3A_257 : i32 to index
      %parallel_loop3A_359 = arith.constant 96 : index
      %parallel_loop3A_360 = tpu.vector_load %arg5[%parallel_loop3A_357, %parallel_loop3A_358, %parallel_loop3A_359] {strides = array<i32>} : memref<2x32x512xf32, #tpu.memory_space<vmem>>, vector<1x1x16xf32>,
      %parallel_loop3A_361 = vector.shape_cast %parallel_loop3A_360 : vector<1x1x16xf32> to vector<16xf32>
      %parallel_loop3A_362 = arith.constant 1 : i32
      %parallel_loop3A_363 = arith.index_cast %parallel_loop3A_362 : i32 to index
      %parallel_loop3A_364 = arith.index_cast %parallel_loop3A_257 : i32 to index
      %parallel_loop3A_365 = arith.constant 96 : index
      %parallel_loop3A_366 = tpu.vector_load %arg6[%parallel_loop3A_363, %parallel_loop3A_364, %parallel_loop3A_365] {strides = array<i32>} : memref<2x32x512xf32, #tpu.memory_space<vmem>>, vector<1x1x16xf32>,
      %parallel_loop3A_367 = vector.shape_cast %parallel_loop3A_366 : vector<1x1x16xf32> to vector<16xf32>
      %parallel_loop3A_368 = arith.subf %parallel_loop3A_361, %parallel_loop3A_367 : vector<16xf32>
      %parallel_loop3A_369 = arith.mulf %parallel_loop3A_368, %parallel_loop3A_368 : vector<16xf32>
      %parallel_loop3A_370 = arith.addf %parallel_loop3A_264, %parallel_loop3A_369 : vector<16xf32>
      %parallel_loop3A_371 = arith.constant 1 : i32
      %parallel_loop3A_372 = arith.index_cast %parallel_loop3A_371 : i32 to index
      %parallel_loop3A_373 = arith.index_cast %parallel_loop3A_257 : i32 to index
      %parallel_loop3A_374 = arith.constant 112 : index
      %parallel_loop3A_375 = tpu.vector_load %arg5[%parallel_loop3A_372, %parallel_loop3A_373, %parallel_loop3A_374] {strides = array<i32>} : memref<2x32x512xf32, #tpu.memory_space<vmem>>, vector<1x1x16xf32>,
      %parallel_loop3A_376 = vector.shape_cast %parallel_loop3A_375 : vector<1x1x16xf32> to vector<16xf32>
      %parallel_loop3A_377 = arith.constant 1 : i32
      %parallel_loop3A_378 = arith.index_cast %parallel_loop3A_377 : i32 to index
      %parallel_loop3A_379 = arith.index_cast %parallel_loop3A_257 : i32 to index
      %parallel_loop3A_380 = arith.constant 112 : index
      %parallel_loop3A_381 = tpu.vector_load %arg6[%parallel_loop3A_378, %parallel_loop3A_379, %parallel_loop3A_380] {strides = array<i32>} : memref<2x32x512xf32, #tpu.memory_space<vmem>>, vector<1x1x16xf32>,
      %parallel_loop3A_382 = vector.shape_cast %parallel_loop3A_381 : vector<1x1x16xf32> to vector<16xf32>
      %parallel_loop3A_383 = arith.subf %parallel_loop3A_376, %parallel_loop3A_382 : vector<16xf32>
      %parallel_loop3A_384 = arith.mulf %parallel_loop3A_383, %parallel_loop3A_383 : vector<16xf32>
      %parallel_loop3A_385 = arith.addf %parallel_loop3A_265, %parallel_loop3A_384 : vector<16xf32>
      %parallel_loop3A_386 = arith.constant 1 : i32
      %parallel_loop3A_387 = arith.index_cast %parallel_loop3A_386 : i32 to index
      %parallel_loop3A_388 = arith.index_cast %parallel_loop3A_257 : i32 to index
      %parallel_loop3A_389 = arith.constant 128 : index
      %parallel_loop3A_390 = tpu.vector_load %arg5[%parallel_loop3A_387, %parallel_loop3A_388, %parallel_loop3A_389] {strides = array<i32>} : memref<2x32x512xf32, #tpu.memory_space<vmem>>, vector<1x1x16xf32>,
      %parallel_loop3A_391 = vector.shape_cast %parallel_loop3A_390 : vector<1x1x16xf32> to vector<16xf32>
      %parallel_loop3A_392 = arith.constant 1 : i32
      %parallel_loop3A_393 = arith.index_cast %parallel_loop3A_392 : i32 to index
      %parallel_loop3A_394 = arith.index_cast %parallel_loop3A_257 : i32 to index
      %parallel_loop3A_395 = arith.constant 128 : index
      %parallel_loop3A_396 = tpu.vector_load %arg6[%parallel_loop3A_393, %parallel_loop3A_394, %parallel_loop3A_395] {strides = array<i32>} : memref<2x32x512xf32, #tpu.memory_space<vmem>>, vector<1x1x16xf32>,
      %parallel_loop3A_397 = vector.shape_cast %parallel_loop3A_396 : vector<1x1x16xf32> to vector<16xf32>
      %parallel_loop3A_398 = arith.subf %parallel_loop3A_391, %parallel_loop3A_397 : vector<16xf32>
      %parallel_loop3A_399 = arith.mulf %parallel_loop3A_398, %parallel_loop3A_398 : vector<16xf32>
      %parallel_loop3A_400 = arith.addf %parallel_loop3A_280, %parallel_loop3A_399 : vector<16xf32>
      %parallel_loop3A_401 = arith.constant 1 : i32
      %parallel_loop3A_402 = arith.index_cast %parallel_loop3A_401 : i32 to index
      %parallel_loop3A_403 = arith.index_cast %parallel_loop3A_257 : i32 to index
      %parallel_loop3A_404 = arith.constant 144 : index
      %parallel_loop3A_405 = tpu.vector_load %arg5[%parallel_loop3A_402, %parallel_loop3A_403, %parallel_loop3A_404] {strides = array<i32>} : memref<2x32x512xf32, #tpu.memory_space<vmem>>, vector<1x1x16xf32>,
      %parallel_loop3A_406 = vector.shape_cast %parallel_loop3A_405 : vector<1x1x16xf32> to vector<16xf32>
      %parallel_loop3A_407 = arith.constant 1 : i32
      %parallel_loop3A_408 = arith.index_cast %parallel_loop3A_407 : i32 to index
      %parallel_loop3A_409 = arith.index_cast %parallel_loop3A_257 : i32 to index
      %parallel_loop3A_410 = arith.constant 144 : index
      %parallel_loop3A_411 = tpu.vector_load %arg6[%parallel_loop3A_408, %parallel_loop3A_409, %parallel_loop3A_410] {strides = array<i32>} : memref<2x32x512xf32, #tpu.memory_space<vmem>>, vector<1x1x16xf32>,
      %parallel_loop3A_412 = vector.shape_cast %parallel_loop3A_411 : vector<1x1x16xf32> to vector<16xf32>
      %parallel_loop3A_413 = arith.subf %parallel_loop3A_406, %parallel_loop3A_412 : vector<16xf32>
      %parallel_loop3A_414 = arith.mulf %parallel_loop3A_413, %parallel_loop3A_413 : vector<16xf32>
      %parallel_loop3A_415 = arith.addf %parallel_loop3A_295, %parallel_loop3A_414 : vector<16xf32>
      %parallel_loop3A_416 = arith.constant 1 : i32
      %parallel_loop3A_417 = arith.index_cast %parallel_loop3A_416 : i32 to index
      %parallel_loop3A_418 = arith.index_cast %parallel_loop3A_257 : i32 to index
      %parallel_loop3A_419 = arith.constant 160 : index
      %parallel_loop3A_420 = tpu.vector_load %arg5[%parallel_loop3A_417, %parallel_loop3A_418, %parallel_loop3A_419] {strides = array<i32>} : memref<2x32x512xf32, #tpu.memory_space<vmem>>, vector<1x1x16xf32>,
      %parallel_loop3A_421 = vector.shape_cast %parallel_loop3A_420 : vector<1x1x16xf32> to vector<16xf32>
      %parallel_loop3A_422 = arith.constant 1 : i32
      %parallel_loop3A_423 = arith.index_cast %parallel_loop3A_422 : i32 to index
      %parallel_loop3A_424 = arith.index_cast %parallel_loop3A_257 : i32 to index
      %parallel_loop3A_425 = arith.constant 160 : index
      %parallel_loop3A_426 = tpu.vector_load %arg6[%parallel_loop3A_423, %parallel_loop3A_424, %parallel_loop3A_425] {strides = array<i32>} : memref<2x32x512xf32, #tpu.memory_space<vmem>>, vector<1x1x16xf32>,
      %parallel_loop3A_427 = vector.shape_cast %parallel_loop3A_426 : vector<1x1x16xf32> to vector<16xf32>
      %parallel_loop3A_428 = arith.subf %parallel_loop3A_421, %parallel_loop3A_427 : vector<16xf32>
      %parallel_loop3A_429 = arith.mulf %parallel_loop3A_428, %parallel_loop3A_428 : vector<16xf32>
      %parallel_loop3A_430 = arith.addf %parallel_loop3A_310, %parallel_loop3A_429 : vector<16xf32>
      %parallel_loop3A_431 = arith.constant 1 : i32
      %parallel_loop3A_432 = arith.index_cast %parallel_loop3A_431 : i32 to index
      %parallel_loop3A_433 = arith.index_cast %parallel_loop3A_257 : i32 to index
      %parallel_loop3A_434 = arith.constant 176 : index
      %parallel_loop3A_435 = tpu.vector_load %arg5[%parallel_loop3A_432, %parallel_loop3A_433, %parallel_loop3A_434] {strides = array<i32>} : memref<2x32x512xf32, #tpu.memory_space<vmem>>, vector<1x1x16xf32>,
      %parallel_loop3A_436 = vector.shape_cast %parallel_loop3A_435 : vector<1x1x16xf32> to vector<16xf32>
      %parallel_loop3A_437 = arith.constant 1 : i32
      %parallel_loop3A_438 = arith.index_cast %parallel_loop3A_437 : i32 to index
      %parallel_loop3A_439 = arith.index_cast %parallel_loop3A_257 : i32 to index
      %parallel_loop3A_440 = arith.constant 176 : index
      %parallel_loop3A_441 = tpu.vector_load %arg6[%parallel_loop3A_438, %parallel_loop3A_439, %parallel_loop3A_440] {strides = array<i32>} : memref<2x32x512xf32, #tpu.memory_space<vmem>>, vector<1x1x16xf32>,
      %parallel_loop3A_442 = vector.shape_cast %parallel_loop3A_441 : vector<1x1x16xf32> to vector<16xf32>
      %parallel_loop3A_443 = arith.subf %parallel_loop3A_436, %parallel_loop3A_442 : vector<16xf32>
      %parallel_loop3A_444 = arith.mulf %parallel_loop3A_443, %parallel_loop3A_443 : vector<16xf32>
      %parallel_loop3A_445 = arith.addf %parallel_loop3A_325, %parallel_loop3A_444 : vector<16xf32>
      %parallel_loop3A_446 = arith.constant 1 : i32
      %parallel_loop3A_447 = arith.index_cast %parallel_loop3A_446 : i32 to index
      %parallel_loop3A_448 = arith.index_cast %parallel_loop3A_257 : i32 to index
      %parallel_loop3A_449 = arith.constant 192 : index
      %parallel_loop3A_450 = tpu.vector_load %arg5[%parallel_loop3A_447, %parallel_loop3A_448, %parallel_loop3A_449] {strides = array<i32>} : memref<2x32x512xf32, #tpu.memory_space<vmem>>, vector<1x1x16xf32>,
      %parallel_loop3A_451 = vector.shape_cast %parallel_loop3A_450 : vector<1x1x16xf32> to vector<16xf32>
      %parallel_loop3A_452 = arith.constant 1 : i32
      %parallel_loop3A_453 = arith.index_cast %parallel_loop3A_452 : i32 to index
      %parallel_loop3A_454 = arith.index_cast %parallel_loop3A_257 : i32 to index
      %parallel_loop3A_455 = arith.constant 192 : index
      %parallel_loop3A_456 = tpu.vector_load %arg6[%parallel_loop3A_453, %parallel_loop3A_454, %parallel_loop3A_455] {strides = array<i32>} : memref<2x32x512xf32, #tpu.memory_space<vmem>>, vector<1x1x16xf32>,
      %parallel_loop3A_457 = vector.shape_cast %parallel_loop3A_456 : vector<1x1x16xf32> to vector<16xf32>
      %parallel_loop3A_458 = arith.subf %parallel_loop3A_451, %parallel_loop3A_457 : vector<16xf32>
      %parallel_loop3A_459 = arith.mulf %parallel_loop3A_458, %parallel_loop3A_458 : vector<16xf32>
      %parallel_loop3A_460 = arith.addf %parallel_loop3A_340, %parallel_loop3A_459 : vector<16xf32>
      %parallel_loop3A_461 = arith.constant 1 : i32
      %parallel_loop3A_462 = arith.index_cast %parallel_loop3A_461 : i32 to index
      %parallel_loop3A_463 = arith.index_cast %parallel_loop3A_257 : i32 to index
      %parallel_loop3A_464 = arith.constant 208 : index
      %parallel_loop3A_465 = tpu.vector_load %arg5[%parallel_loop3A_462, %parallel_loop3A_463, %parallel_loop3A_464] {strides = array<i32>} : memref<2x32x512xf32, #tpu.memory_space<vmem>>, vector<1x1x16xf32>,
      %parallel_loop3A_466 = vector.shape_cast %parallel_loop3A_465 : vector<1x1x16xf32> to vector<16xf32>
      %parallel_loop3A_467 = arith.constant 1 : i32
      %parallel_loop3A_468 = arith.index_cast %parallel_loop3A_467 : i32 to index
      %parallel_loop3A_469 = arith.index_cast %parallel_loop3A_257 : i32 to index
      %parallel_loop3A_470 = arith.constant 208 : index
      %parallel_loop3A_471 = tpu.vector_load %arg6[%parallel_loop3A_468, %parallel_loop3A_469, %parallel_loop3A_470] {strides = array<i32>} : memref<2x32x512xf32, #tpu.memory_space<vmem>>, vector<1x1x16xf32>,
      %parallel_loop3A_472 = vector.shape_cast %parallel_loop3A_471 : vector<1x1x16xf32> to vector<16xf32>
      %parallel_loop3A_473 = arith.subf %parallel_loop3A_466, %parallel_loop3A_472 : vector<16xf32>
      %parallel_loop3A_474 = arith.mulf %parallel_loop3A_473, %parallel_loop3A_473 : vector<16xf32>
      %parallel_loop3A_475 = arith.addf %parallel_loop3A_355, %parallel_loop3A_474 : vector<16xf32>
      %parallel_loop3A_476 = arith.constant 1 : i32
      %parallel_loop3A_477 = arith.index_cast %parallel_loop3A_476 : i32 to index
      %parallel_loop3A_478 = arith.index_cast %parallel_loop3A_257 : i32 to index
      %parallel_loop3A_479 = arith.constant 224 : index
      %parallel_loop3A_480 = tpu.vector_load %arg5[%parallel_loop3A_477, %parallel_loop3A_478, %parallel_loop3A_479] {strides = array<i32>} : memref<2x32x512xf32, #tpu.memory_space<vmem>>, vector<1x1x16xf32>,
      %parallel_loop3A_481 = vector.shape_cast %parallel_loop3A_480 : vector<1x1x16xf32> to vector<16xf32>
      %parallel_loop3A_482 = arith.constant 1 : i32
      %parallel_loop3A_483 = arith.index_cast %parallel_loop3A_482 : i32 to index
      %parallel_loop3A_484 = arith.index_cast %parallel_loop3A_257 : i32 to index
      %parallel_loop3A_485 = arith.constant 224 : index
      %parallel_loop3A_486 = tpu.vector_load %arg6[%parallel_loop3A_483, %parallel_loop3A_484, %parallel_loop3A_485] {strides = array<i32>} : memref<2x32x512xf32, #tpu.memory_space<vmem>>, vector<1x1x16xf32>,
      %parallel_loop3A_487 = vector.shape_cast %parallel_loop3A_486 : vector<1x1x16xf32> to vector<16xf32>
      %parallel_loop3A_488 = arith.subf %parallel_loop3A_481, %parallel_loop3A_487 : vector<16xf32>
      %parallel_loop3A_489 = arith.mulf %parallel_loop3A_488, %parallel_loop3A_488 : vector<16xf32>
      %parallel_loop3A_490 = arith.addf %parallel_loop3A_370, %parallel_loop3A_489 : vector<16xf32>
      %parallel_loop3A_491 = arith.constant 1 : i32
      %parallel_loop3A_492 = arith.index_cast %parallel_loop3A_491 : i32 to index
      %parallel_loop3A_493 = arith.index_cast %parallel_loop3A_257 : i32 to index
      %parallel_loop3A_494 = arith.constant 240 : index
      %parallel_loop3A_495 = tpu.vector_load %arg5[%parallel_loop3A_492, %parallel_loop3A_493, %parallel_loop3A_494] {strides = array<i32>} : memref<2x32x512xf32, #tpu.memory_space<vmem>>, vector<1x1x16xf32>,
      %parallel_loop3A_496 = vector.shape_cast %parallel_loop3A_495 : vector<1x1x16xf32> to vector<16xf32>
      %parallel_loop3A_497 = arith.constant 1 : i32
      %parallel_loop3A_498 = arith.index_cast %parallel_loop3A_497 : i32 to index
      %parallel_loop3A_499 = arith.index_cast %parallel_loop3A_257 : i32 to index
      %parallel_loop3A_500 = arith.constant 240 : index
      %parallel_loop3A_501 = tpu.vector_load %arg6[%parallel_loop3A_498, %parallel_loop3A_499, %parallel_loop3A_500] {strides = array<i32>} : memref<2x32x512xf32, #tpu.memory_space<vmem>>, vector<1x1x16xf32>,
      %parallel_loop3A_502 = vector.shape_cast %parallel_loop3A_501 : vector<1x1x16xf32> to vector<16xf32>
      %parallel_loop3A_503 = arith.subf %parallel_loop3A_496, %parallel_loop3A_502 : vector<16xf32>
      %parallel_loop3A_504 = arith.mulf %parallel_loop3A_503, %parallel_loop3A_503 : vector<16xf32>
      %parallel_loop3A_505 = arith.addf %parallel_loop3A_385, %parallel_loop3A_504 : vector<16xf32>
      %parallel_loop3A_506 = arith.constant 1 : i32
      %parallel_loop3A_507 = arith.index_cast %parallel_loop3A_506 : i32 to index
      %parallel_loop3A_508 = arith.index_cast %parallel_loop3A_257 : i32 to index
      %parallel_loop3A_509 = arith.constant 256 : index
      %parallel_loop3A_510 = tpu.vector_load %arg5[%parallel_loop3A_507, %parallel_loop3A_508, %parallel_loop3A_509] {strides = array<i32>} : memref<2x32x512xf32, #tpu.memory_space<vmem>>, vector<1x1x16xf32>,
      %parallel_loop3A_511 = vector.shape_cast %parallel_loop3A_510 : vector<1x1x16xf32> to vector<16xf32>
      %parallel_loop3A_512 = arith.constant 1 : i32
      %parallel_loop3A_513 = arith.index_cast %parallel_loop3A_512 : i32 to index
      %parallel_loop3A_514 = arith.index_cast %parallel_loop3A_257 : i32 to index
      %parallel_loop3A_515 = arith.constant 256 : index
      %parallel_loop3A_516 = tpu.vector_load %arg6[%parallel_loop3A_513, %parallel_loop3A_514, %parallel_loop3A_515] {strides = array<i32>} : memref<2x32x512xf32, #tpu.memory_space<vmem>>, vector<1x1x16xf32>,
      %parallel_loop3A_517 = vector.shape_cast %parallel_loop3A_516 : vector<1x1x16xf32> to vector<16xf32>
      %parallel_loop3A_518 = arith.subf %parallel_loop3A_511, %parallel_loop3A_517 : vector<16xf32>
      %parallel_loop3A_519 = arith.mulf %parallel_loop3A_518, %parallel_loop3A_518 : vector<16xf32>
      %parallel_loop3A_520 = arith.addf %parallel_loop3A_400, %parallel_loop3A_519 : vector<16xf32>
      %parallel_loop3A_521 = arith.constant 1 : i32
      %parallel_loop3A_522 = arith.index_cast %parallel_loop3A_521 : i32 to index
      %parallel_loop3A_523 = arith.index_cast %parallel_loop3A_257 : i32 to index
      %parallel_loop3A_524 = arith.constant 272 : index
      %parallel_loop3A_525 = tpu.vector_load %arg5[%parallel_loop3A_522, %parallel_loop3A_523, %parallel_loop3A_524] {strides = array<i32>} : memref<2x32x512xf32, #tpu.memory_space<vmem>>, vector<1x1x16xf32>,
      %parallel_loop3A_526 = vector.shape_cast %parallel_loop3A_525 : vector<1x1x16xf32> to vector<16xf32>
      %parallel_loop3A_527 = arith.constant 1 : i32
      %parallel_loop3A_528 = arith.index_cast %parallel_loop3A_527 : i32 to index
      %parallel_loop3A_529 = arith.index_cast %parallel_loop3A_257 : i32 to index
      %parallel_loop3A_530 = arith.constant 272 : index
      %parallel_loop3A_531 = tpu.vector_load %arg6[%parallel_loop3A_528, %parallel_loop3A_529, %parallel_loop3A_530] {strides = array<i32>} : memref<2x32x512xf32, #tpu.memory_space<vmem>>, vector<1x1x16xf32>,
      %parallel_loop3A_532 = vector.shape_cast %parallel_loop3A_531 : vector<1x1x16xf32> to vector<16xf32>
      %parallel_loop3A_533 = arith.subf %parallel_loop3A_526, %parallel_loop3A_532 : vector<16xf32>
      %parallel_loop3A_534 = arith.mulf %parallel_loop3A_533, %parallel_loop3A_533 : vector<16xf32>
      %parallel_loop3A_535 = arith.addf %parallel_loop3A_415, %parallel_loop3A_534 : vector<16xf32>
      %parallel_loop3A_536 = arith.constant 1 : i32
      %parallel_loop3A_537 = arith.index_cast %parallel_loop3A_536 : i32 to index
      %parallel_loop3A_538 = arith.index_cast %parallel_loop3A_257 : i32 to index
      %parallel_loop3A_539 = arith.constant 288 : index
      %parallel_loop3A_540 = tpu.vector_load %arg5[%parallel_loop3A_537, %parallel_loop3A_538, %parallel_loop3A_539] {strides = array<i32>} : memref<2x32x512xf32, #tpu.memory_space<vmem>>, vector<1x1x16xf32>,
      %parallel_loop3A_541 = vector.shape_cast %parallel_loop3A_540 : vector<1x1x16xf32> to vector<16xf32>
      %parallel_loop3A_542 = arith.constant 1 : i32
      %parallel_loop3A_543 = arith.index_cast %parallel_loop3A_542 : i32 to index
      %parallel_loop3A_544 = arith.index_cast %parallel_loop3A_257 : i32 to index
      %parallel_loop3A_545 = arith.constant 288 : index
      %parallel_loop3A_546 = tpu.vector_load %arg6[%parallel_loop3A_543, %parallel_loop3A_544, %parallel_loop3A_545] {strides = array<i32>} : memref<2x32x512xf32, #tpu.memory_space<vmem>>, vector<1x1x16xf32>,
      %parallel_loop3A_547 = vector.shape_cast %parallel_loop3A_546 : vector<1x1x16xf32> to vector<16xf32>
      %parallel_loop3A_548 = arith.subf %parallel_loop3A_541, %parallel_loop3A_547 : vector<16xf32>
      %parallel_loop3A_549 = arith.mulf %parallel_loop3A_548, %parallel_loop3A_548 : vector<16xf32>
      %parallel_loop3A_550 = arith.addf %parallel_loop3A_430, %parallel_loop3A_549 : vector<16xf32>
      %parallel_loop3A_551 = arith.constant 1 : i32
      %parallel_loop3A_552 = arith.index_cast %parallel_loop3A_551 : i32 to index
      %parallel_loop3A_553 = arith.index_cast %parallel_loop3A_257 : i32 to index
      %parallel_loop3A_554 = arith.constant 304 : index
      %parallel_loop3A_555 = tpu.vector_load %arg5[%parallel_loop3A_552, %parallel_loop3A_553, %parallel_loop3A_554] {strides = array<i32>} : memref<2x32x512xf32, #tpu.memory_space<vmem>>, vector<1x1x16xf32>,
      %parallel_loop3A_556 = vector.shape_cast %parallel_loop3A_555 : vector<1x1x16xf32> to vector<16xf32>
      %parallel_loop3A_557 = arith.constant 1 : i32
      %parallel_loop3A_558 = arith.index_cast %parallel_loop3A_557 : i32 to index
      %parallel_loop3A_559 = arith.index_cast %parallel_loop3A_257 : i32 to index
      %parallel_loop3A_560 = arith.constant 304 : index
      %parallel_loop3A_561 = tpu.vector_load %arg6[%parallel_loop3A_558, %parallel_loop3A_559, %parallel_loop3A_560] {strides = array<i32>} : memref<2x32x512xf32, #tpu.memory_space<vmem>>, vector<1x1x16xf32>,
      %parallel_loop3A_562 = vector.shape_cast %parallel_loop3A_561 : vector<1x1x16xf32> to vector<16xf32>
      %parallel_loop3A_563 = arith.subf %parallel_loop3A_556, %parallel_loop3A_562 : vector<16xf32>
      %parallel_loop3A_564 = arith.mulf %parallel_loop3A_563, %parallel_loop3A_563 : vector<16xf32>
      %parallel_loop3A_565 = arith.addf %parallel_loop3A_445, %parallel_loop3A_564 : vector<16xf32>
      %parallel_loop3A_566 = arith.constant 1 : i32
      %parallel_loop3A_567 = arith.index_cast %parallel_loop3A_566 : i32 to index
      %parallel_loop3A_568 = arith.index_cast %parallel_loop3A_257 : i32 to index
      %parallel_loop3A_569 = arith.constant 320 : index
      %parallel_loop3A_570 = tpu.vector_load %arg5[%parallel_loop3A_567, %parallel_loop3A_568, %parallel_loop3A_569] {strides = array<i32>} : memref<2x32x512xf32, #tpu.memory_space<vmem>>, vector<1x1x16xf32>,
      %parallel_loop3A_571 = vector.shape_cast %parallel_loop3A_570 : vector<1x1x16xf32> to vector<16xf32>
      %parallel_loop3A_572 = arith.constant 1 : i32
      %parallel_loop3A_573 = arith.index_cast %parallel_loop3A_572 : i32 to index
      %parallel_loop3A_574 = arith.index_cast %parallel_loop3A_257 : i32 to index
      %parallel_loop3A_575 = arith.constant 320 : index
      %parallel_loop3A_576 = tpu.vector_load %arg6[%parallel_loop3A_573, %parallel_loop3A_574, %parallel_loop3A_575] {strides = array<i32>} : memref<2x32x512xf32, #tpu.memory_space<vmem>>, vector<1x1x16xf32>,
      %parallel_loop3A_577 = vector.shape_cast %parallel_loop3A_576 : vector<1x1x16xf32> to vector<16xf32>
      %parallel_loop3A_578 = arith.subf %parallel_loop3A_571, %parallel_loop3A_577 : vector<16xf32>
      %parallel_loop3A_579 = arith.mulf %parallel_loop3A_578, %parallel_loop3A_578 : vector<16xf32>
      %parallel_loop3A_580 = arith.addf %parallel_loop3A_460, %parallel_loop3A_579 : vector<16xf32>
      %parallel_loop3A_581 = arith.constant 1 : i32
      %parallel_loop3A_582 = arith.index_cast %parallel_loop3A_581 : i32 to index
      %parallel_loop3A_583 = arith.index_cast %parallel_loop3A_257 : i32 to index
      %parallel_loop3A_584 = arith.constant 336 : index
      %parallel_loop3A_585 = tpu.vector_load %arg5[%parallel_loop3A_582, %parallel_loop3A_583, %parallel_loop3A_584] {strides = array<i32>} : memref<2x32x512xf32, #tpu.memory_space<vmem>>, vector<1x1x16xf32>,
      %parallel_loop3A_586 = vector.shape_cast %parallel_loop3A_585 : vector<1x1x16xf32> to vector<16xf32>
      %parallel_loop3A_587 = arith.constant 1 : i32
      %parallel_loop3A_588 = arith.index_cast %parallel_loop3A_587 : i32 to index
      %parallel_loop3A_589 = arith.index_cast %parallel_loop3A_257 : i32 to index
      %parallel_loop3A_590 = arith.constant 336 : index
      %parallel_loop3A_591 = tpu.vector_load %arg6[%parallel_loop3A_588, %parallel_loop3A_589, %parallel_loop3A_590] {strides = array<i32>} : memref<2x32x512xf32, #tpu.memory_space<vmem>>, vector<1x1x16xf32>,
      %parallel_loop3A_592 = vector.shape_cast %parallel_loop3A_591 : vector<1x1x16xf32> to vector<16xf32>
      %parallel_loop3A_593 = arith.subf %parallel_loop3A_586, %parallel_loop3A_592 : vector<16xf32>
      %parallel_loop3A_594 = arith.mulf %parallel_loop3A_593, %parallel_loop3A_593 : vector<16xf32>
      %parallel_loop3A_595 = arith.addf %parallel_loop3A_475, %parallel_loop3A_594 : vector<16xf32>
      %parallel_loop3A_596 = arith.constant 1 : i32
      %parallel_loop3A_597 = arith.index_cast %parallel_loop3A_596 : i32 to index
      %parallel_loop3A_598 = arith.index_cast %parallel_loop3A_257 : i32 to index
      %parallel_loop3A_599 = arith.constant 352 : index
      %parallel_loop3A_600 = tpu.vector_load %arg5[%parallel_loop3A_597, %parallel_loop3A_598, %parallel_loop3A_599] {strides = array<i32>} : memref<2x32x512xf32, #tpu.memory_space<vmem>>, vector<1x1x16xf32>,
      %parallel_loop3A_601 = vector.shape_cast %parallel_loop3A_600 : vector<1x1x16xf32> to vector<16xf32>
      %parallel_loop3A_602 = arith.constant 1 : i32
      %parallel_loop3A_603 = arith.index_cast %parallel_loop3A_602 : i32 to index
      %parallel_loop3A_604 = arith.index_cast %parallel_loop3A_257 : i32 to index
      %parallel_loop3A_605 = arith.constant 352 : index
      %parallel_loop3A_606 = tpu.vector_load %arg6[%parallel_loop3A_603, %parallel_loop3A_604, %parallel_loop3A_605] {strides = array<i32>} : memref<2x32x512xf32, #tpu.memory_space<vmem>>, vector<1x1x16xf32>,
      %parallel_loop3A_607 = vector.shape_cast %parallel_loop3A_606 : vector<1x1x16xf32> to vector<16xf32>
      %parallel_loop3A_608 = arith.subf %parallel_loop3A_601, %parallel_loop3A_607 : vector<16xf32>
      %parallel_loop3A_609 = arith.mulf %parallel_loop3A_608, %parallel_loop3A_608 : vector<16xf32>
      %parallel_loop3A_610 = arith.addf %parallel_loop3A_490, %parallel_loop3A_609 : vector<16xf32>
      %parallel_loop3A_611 = arith.constant 1 : i32
      %parallel_loop3A_612 = arith.index_cast %parallel_loop3A_611 : i32 to index
      %parallel_loop3A_613 = arith.index_cast %parallel_loop3A_257 : i32 to index
      %parallel_loop3A_614 = arith.constant 368 : index
      %parallel_loop3A_615 = tpu.vector_load %arg5[%parallel_loop3A_612, %parallel_loop3A_613, %parallel_loop3A_614] {strides = array<i32>} : memref<2x32x512xf32, #tpu.memory_space<vmem>>, vector<1x1x16xf32>,
      %parallel_loop3A_616 = vector.shape_cast %parallel_loop3A_615 : vector<1x1x16xf32> to vector<16xf32>
      %parallel_loop3A_617 = arith.constant 1 : i32
      %parallel_loop3A_618 = arith.index_cast %parallel_loop3A_617 : i32 to index
      %parallel_loop3A_619 = arith.index_cast %parallel_loop3A_257 : i32 to index
      %parallel_loop3A_620 = arith.constant 368 : index
      %parallel_loop3A_621 = tpu.vector_load %arg6[%parallel_loop3A_618, %parallel_loop3A_619, %parallel_loop3A_620] {strides = array<i32>} : memref<2x32x512xf32, #tpu.memory_space<vmem>>, vector<1x1x16xf32>,
      %parallel_loop3A_622 = vector.shape_cast %parallel_loop3A_621 : vector<1x1x16xf32> to vector<16xf32>
      %parallel_loop3A_623 = arith.subf %parallel_loop3A_616, %parallel_loop3A_622 : vector<16xf32>
      %parallel_loop3A_624 = arith.mulf %parallel_loop3A_623, %parallel_loop3A_623 : vector<16xf32>
      %parallel_loop3A_625 = arith.addf %parallel_loop3A_505, %parallel_loop3A_624 : vector<16xf32>
      %parallel_loop3A_626 = arith.constant 1 : i32
      %parallel_loop3A_627 = arith.index_cast %parallel_loop3A_626 : i32 to index
      %parallel_loop3A_628 = arith.index_cast %parallel_loop3A_257 : i32 to index
      %parallel_loop3A_629 = arith.constant 384 : index
      %parallel_loop3A_630 = tpu.vector_load %arg5[%parallel_loop3A_627, %parallel_loop3A_628, %parallel_loop3A_629] {strides = array<i32>} : memref<2x32x512xf32, #tpu.memory_space<vmem>>, vector<1x1x16xf32>,
      %parallel_loop3A_631 = vector.shape_cast %parallel_loop3A_630 : vector<1x1x16xf32> to vector<16xf32>
      %parallel_loop3A_632 = arith.constant 1 : i32
      %parallel_loop3A_633 = arith.index_cast %parallel_loop3A_632 : i32 to index
      %parallel_loop3A_634 = arith.index_cast %parallel_loop3A_257 : i32 to index
      %parallel_loop3A_635 = arith.constant 384 : index
      %parallel_loop3A_636 = tpu.vector_load %arg6[%parallel_loop3A_633, %parallel_loop3A_634, %parallel_loop3A_635] {strides = array<i32>} : memref<2x32x512xf32, #tpu.memory_space<vmem>>, vector<1x1x16xf32>,
      %parallel_loop3A_637 = vector.shape_cast %parallel_loop3A_636 : vector<1x1x16xf32> to vector<16xf32>
      %parallel_loop3A_638 = arith.subf %parallel_loop3A_631, %parallel_loop3A_637 : vector<16xf32>
      %parallel_loop3A_639 = arith.mulf %parallel_loop3A_638, %parallel_loop3A_638 : vector<16xf32>
      %parallel_loop3A_640 = arith.addf %parallel_loop3A_520, %parallel_loop3A_639 : vector<16xf32>
      %parallel_loop3A_641 = arith.constant 1 : i32
      %parallel_loop3A_642 = arith.index_cast %parallel_loop3A_641 : i32 to index
      %parallel_loop3A_643 = arith.index_cast %parallel_loop3A_257 : i32 to index
      %parallel_loop3A_644 = arith.constant 400 : index
      %parallel_loop3A_645 = tpu.vector_load %arg5[%parallel_loop3A_642, %parallel_loop3A_643, %parallel_loop3A_644] {strides = array<i32>} : memref<2x32x512xf32, #tpu.memory_space<vmem>>, vector<1x1x16xf32>,
      %parallel_loop3A_646 = vector.shape_cast %parallel_loop3A_645 : vector<1x1x16xf32> to vector<16xf32>
      %parallel_loop3A_647 = arith.constant 1 : i32
      %parallel_loop3A_648 = arith.index_cast %parallel_loop3A_647 : i32 to index
      %parallel_loop3A_649 = arith.index_cast %parallel_loop3A_257 : i32 to index
      %parallel_loop3A_650 = arith.constant 400 : index
      %parallel_loop3A_651 = tpu.vector_load %arg6[%parallel_loop3A_648, %parallel_loop3A_649, %parallel_loop3A_650] {strides = array<i32>} : memref<2x32x512xf32, #tpu.memory_space<vmem>>, vector<1x1x16xf32>,
      %parallel_loop3A_652 = vector.shape_cast %parallel_loop3A_651 : vector<1x1x16xf32> to vector<16xf32>
      %parallel_loop3A_653 = arith.subf %parallel_loop3A_646, %parallel_loop3A_652 : vector<16xf32>
      %parallel_loop3A_654 = arith.mulf %parallel_loop3A_653, %parallel_loop3A_653 : vector<16xf32>
      %parallel_loop3A_655 = arith.addf %parallel_loop3A_535, %parallel_loop3A_654 : vector<16xf32>
      %parallel_loop3A_656 = arith.constant 1 : i32
      %parallel_loop3A_657 = arith.index_cast %parallel_loop3A_656 : i32 to index
      %parallel_loop3A_658 = arith.index_cast %parallel_loop3A_257 : i32 to index
      %parallel_loop3A_659 = arith.constant 416 : index
      %parallel_loop3A_660 = tpu.vector_load %arg5[%parallel_loop3A_657, %parallel_loop3A_658, %parallel_loop3A_659] {strides = array<i32>} : memref<2x32x512xf32, #tpu.memory_space<vmem>>, vector<1x1x16xf32>,
      %parallel_loop3A_661 = vector.shape_cast %parallel_loop3A_660 : vector<1x1x16xf32> to vector<16xf32>
      %parallel_loop3A_662 = arith.constant 1 : i32
      %parallel_loop3A_663 = arith.index_cast %parallel_loop3A_662 : i32 to index
      %parallel_loop3A_664 = arith.index_cast %parallel_loop3A_257 : i32 to index
      %parallel_loop3A_665 = arith.constant 416 : index
      %parallel_loop3A_666 = tpu.vector_load %arg6[%parallel_loop3A_663, %parallel_loop3A_664, %parallel_loop3A_665] {strides = array<i32>} : memref<2x32x512xf32, #tpu.memory_space<vmem>>, vector<1x1x16xf32>,
      %parallel_loop3A_667 = vector.shape_cast %parallel_loop3A_666 : vector<1x1x16xf32> to vector<16xf32>
      %parallel_loop3A_668 = arith.subf %parallel_loop3A_661, %parallel_loop3A_667 : vector<16xf32>
      %parallel_loop3A_669 = arith.mulf %parallel_loop3A_668, %parallel_loop3A_668 : vector<16xf32>
      %parallel_loop3A_670 = arith.addf %parallel_loop3A_550, %parallel_loop3A_669 : vector<16xf32>
      %parallel_loop3A_671 = arith.constant 1 : i32
      %parallel_loop3A_672 = arith.index_cast %parallel_loop3A_671 : i32 to index
      %parallel_loop3A_673 = arith.index_cast %parallel_loop3A_257 : i32 to index
      %parallel_loop3A_674 = arith.constant 432 : index
      %parallel_loop3A_675 = tpu.vector_load %arg5[%parallel_loop3A_672, %parallel_loop3A_673, %parallel_loop3A_674] {strides = array<i32>} : memref<2x32x512xf32, #tpu.memory_space<vmem>>, vector<1x1x16xf32>,
      %parallel_loop3A_676 = vector.shape_cast %parallel_loop3A_675 : vector<1x1x16xf32> to vector<16xf32>
      %parallel_loop3A_677 = arith.constant 1 : i32
      %parallel_loop3A_678 = arith.index_cast %parallel_loop3A_677 : i32 to index
      %parallel_loop3A_679 = arith.index_cast %parallel_loop3A_257 : i32 to index
      %parallel_loop3A_680 = arith.constant 432 : index
      %parallel_loop3A_681 = tpu.vector_load %arg6[%parallel_loop3A_678, %parallel_loop3A_679, %parallel_loop3A_680] {strides = array<i32>} : memref<2x32x512xf32, #tpu.memory_space<vmem>>, vector<1x1x16xf32>,
      %parallel_loop3A_682 = vector.shape_cast %parallel_loop3A_681 : vector<1x1x16xf32> to vector<16xf32>
      %parallel_loop3A_683 = arith.subf %parallel_loop3A_676, %parallel_loop3A_682 : vector<16xf32>
      %parallel_loop3A_684 = arith.mulf %parallel_loop3A_683, %parallel_loop3A_683 : vector<16xf32>
      %parallel_loop3A_685 = arith.addf %parallel_loop3A_565, %parallel_loop3A_684 : vector<16xf32>
      %parallel_loop3A_686 = arith.constant 1 : i32
      %parallel_loop3A_687 = arith.index_cast %parallel_loop3A_686 : i32 to index
      %parallel_loop3A_688 = arith.index_cast %parallel_loop3A_257 : i32 to index
      %parallel_loop3A_689 = arith.constant 448 : index
      %parallel_loop3A_690 = tpu.vector_load %arg5[%parallel_loop3A_687, %parallel_loop3A_688, %parallel_loop3A_689] {strides = array<i32>} : memref<2x32x512xf32, #tpu.memory_space<vmem>>, vector<1x1x16xf32>,
      %parallel_loop3A_691 = vector.shape_cast %parallel_loop3A_690 : vector<1x1x16xf32> to vector<16xf32>
      %parallel_loop3A_692 = arith.constant 1 : i32
      %parallel_loop3A_693 = arith.index_cast %parallel_loop3A_692 : i32 to index
      %parallel_loop3A_694 = arith.index_cast %parallel_loop3A_257 : i32 to index
      %parallel_loop3A_695 = arith.constant 448 : index
      %parallel_loop3A_696 = tpu.vector_load %arg6[%parallel_loop3A_693, %parallel_loop3A_694, %parallel_loop3A_695] {strides = array<i32>} : memref<2x32x512xf32, #tpu.memory_space<vmem>>, vector<1x1x16xf32>,
      %parallel_loop3A_697 = vector.shape_cast %parallel_loop3A_696 : vector<1x1x16xf32> to vector<16xf32>
      %parallel_loop3A_698 = arith.subf %parallel_loop3A_691, %parallel_loop3A_697 : vector<16xf32>
      %parallel_loop3A_699 = arith.mulf %parallel_loop3A_698, %parallel_loop3A_698 : vector<16xf32>
      %parallel_loop3A_700 = arith.addf %parallel_loop3A_580, %parallel_loop3A_699 : vector<16xf32>
      %parallel_loop3A_701 = arith.constant 1 : i32
      %parallel_loop3A_702 = arith.index_cast %parallel_loop3A_701 : i32 to index
      %parallel_loop3A_703 = arith.index_cast %parallel_loop3A_257 : i32 to index
      %parallel_loop3A_704 = arith.constant 464 : index
      %parallel_loop3A_705 = tpu.vector_load %arg5[%parallel_loop3A_702, %parallel_loop3A_703, %parallel_loop3A_704] {strides = array<i32>} : memref<2x32x512xf32, #tpu.memory_space<vmem>>, vector<1x1x16xf32>,
      %parallel_loop3A_706 = vector.shape_cast %parallel_loop3A_705 : vector<1x1x16xf32> to vector<16xf32>
      %parallel_loop3A_707 = arith.constant 1 : i32
      %parallel_loop3A_708 = arith.index_cast %parallel_loop3A_707 : i32 to index
      %parallel_loop3A_709 = arith.index_cast %parallel_loop3A_257 : i32 to index
      %parallel_loop3A_710 = arith.constant 464 : index
      %parallel_loop3A_711 = tpu.vector_load %arg6[%parallel_loop3A_708, %parallel_loop3A_709, %parallel_loop3A_710] {strides = array<i32>} : memref<2x32x512xf32, #tpu.memory_space<vmem>>, vector<1x1x16xf32>,
      %parallel_loop3A_712 = vector.shape_cast %parallel_loop3A_711 : vector<1x1x16xf32> to vector<16xf32>
      %parallel_loop3A_713 = arith.subf %parallel_loop3A_706, %parallel_loop3A_712 : vector<16xf32>
      %parallel_loop3A_714 = arith.mulf %parallel_loop3A_713, %parallel_loop3A_713 : vector<16xf32>
      %parallel_loop3A_715 = arith.addf %parallel_loop3A_595, %parallel_loop3A_714 : vector<16xf32>
      %parallel_loop3A_716 = arith.constant 1 : i32
      %parallel_loop3A_717 = arith.index_cast %parallel_loop3A_716 : i32 to index
      %parallel_loop3A_718 = arith.index_cast %parallel_loop3A_257 : i32 to index
      %parallel_loop3A_719 = arith.constant 480 : index
      %parallel_loop3A_720 = tpu.vector_load %arg5[%parallel_loop3A_717, %parallel_loop3A_718, %parallel_loop3A_719] {strides = array<i32>} : memref<2x32x512xf32, #tpu.memory_space<vmem>>, vector<1x1x16xf32>,
      %parallel_loop3A_721 = vector.shape_cast %parallel_loop3A_720 : vector<1x1x16xf32> to vector<16xf32>
      %parallel_loop3A_722 = arith.constant 1 : i32
      %parallel_loop3A_723 = arith.index_cast %parallel_loop3A_722 : i32 to index
      %parallel_loop3A_724 = arith.index_cast %parallel_loop3A_257 : i32 to index
      %parallel_loop3A_725 = arith.constant 480 : index
      %parallel_loop3A_726 = tpu.vector_load %arg6[%parallel_loop3A_723, %parallel_loop3A_724, %parallel_loop3A_725] {strides = array<i32>} : memref<2x32x512xf32, #tpu.memory_space<vmem>>, vector<1x1x16xf32>,
      %parallel_loop3A_727 = vector.shape_cast %parallel_loop3A_726 : vector<1x1x16xf32> to vector<16xf32>
      %parallel_loop3A_728 = arith.subf %parallel_loop3A_721, %parallel_loop3A_727 : vector<16xf32>
      %parallel_loop3A_729 = arith.mulf %parallel_loop3A_728, %parallel_loop3A_728 : vector<16xf32>
      %parallel_loop3A_730 = arith.addf %parallel_loop3A_610, %parallel_loop3A_729 : vector<16xf32>
      %parallel_loop3A_731 = arith.constant 1 : i32
      %parallel_loop3A_732 = arith.index_cast %parallel_loop3A_731 : i32 to index
      %parallel_loop3A_733 = arith.index_cast %parallel_loop3A_257 : i32 to index
      %parallel_loop3A_734 = arith.constant 496 : index
      %parallel_loop3A_735 = tpu.vector_load %arg5[%parallel_loop3A_732, %parallel_loop3A_733, %parallel_loop3A_734] {strides = array<i32>} : memref<2x32x512xf32, #tpu.memory_space<vmem>>, vector<1x1x16xf32>,
      %parallel_loop3A_736 = vector.shape_cast %parallel_loop3A_735 : vector<1x1x16xf32> to vector<16xf32>
      %parallel_loop3A_737 = arith.constant 1 : i32
      %parallel_loop3A_738 = arith.index_cast %parallel_loop3A_737 : i32 to index
      %parallel_loop3A_739 = arith.index_cast %parallel_loop3A_257 : i32 to index
      %parallel_loop3A_740 = arith.constant 496 : index
      %parallel_loop3A_741 = tpu.vector_load %arg6[%parallel_loop3A_738, %parallel_loop3A_739, %parallel_loop3A_740] {strides = array<i32>} : memref<2x32x512xf32, #tpu.memory_space<vmem>>, vector<1x1x16xf32>,
      %parallel_loop3A_742 = vector.shape_cast %parallel_loop3A_741 : vector<1x1x16xf32> to vector<16xf32>
      %parallel_loop3A_743 = arith.subf %parallel_loop3A_736, %parallel_loop3A_742 : vector<16xf32>
      %parallel_loop3A_744 = arith.mulf %parallel_loop3A_743, %parallel_loop3A_743 : vector<16xf32>
      %parallel_loop3A_745 = arith.addf %parallel_loop3A_625, %parallel_loop3A_744 : vector<16xf32>
      scf.yield %parallel_loop3A_640, %parallel_loop3A_655, %parallel_loop3A_670, %parallel_loop3A_685, %parallel_loop3A_700, %parallel_loop3A_715, %parallel_loop3A_730, %parallel_loop3A_745 : vector<16xf32>, vector<16xf32>, vector<16xf32>, vector<16xf32>, vector<16xf32>, vector<16xf32>, vector<16xf32>, vector<16xf32>
    } {sc.loop_unroll_factor = 1 : i64, sc.parallel_access}
    %add3A_247 = arith.addf %parallel_loop3A_246#0, %parallel_loop3A_246#1 : vector<16xf32>
    %add3A_248 = arith.addf %add3A_247, %parallel_loop3A_246#2 : vector<16xf32>
    %add3A_249 = arith.addf %add3A_248, %parallel_loop3A_246#3 : vector<16xf32>
    %add3A_250 = arith.addf %add3A_249, %parallel_loop3A_246#4 : vector<16xf32>
    %add3A_251 = arith.addf %add3A_250, %parallel_loop3A_246#5 : vector<16xf32>
    %add3A_252 = arith.addf %add3A_251, %parallel_loop3A_246#6 : vector<16xf32>
    %add3A_253 = arith.addf %add3A_252, %parallel_loop3A_246#7 : vector<16xf32>
    %swap3A = arith.constant 0 : index
    %swap3A_254 = tpu.vector_load %arg7[%swap3A] {strides = array<i32>} : memref<16xf32, #tpu.memory_space<vmem>>, vector<16xf32>,
    %swap3A_255 = vector.shape_cast %swap3A_254 : vector<16xf32> to vector<16xf32>
    %swap3A_256 = vector.shape_cast %add3A_253 : vector<16xf32> to vector<16xf32>
    tpu.vector_store %arg7[%swap3A], %swap3A_256 {strides = array<i32>} : memref<16xf32, #tpu.memory_space<vmem>>, vector<16xf32>,
    "tpu.region"() ({
      %run_scoped3A = tpu.sem_alloc : memref<!tpu.dma_semaphore, #tpu.memory_space<semaphore_mem>>
      %dma_start3A_257 = arith.constant 0 : i32
      %dma_start3A_258 = tpu.memref_slice %arg4[%add3A, %dma_start3A_257] : memref<32x16xf32, #tpu.memory_space<hbm>> -> memref<1x16xf32, #tpu.memory_space<hbm>>
      %dma_start3A_259 = tpu.memref_squeeze %dma_start3A_258 : memref<1x16xf32, #tpu.memory_space<hbm>> -> memref<16xf32, #tpu.memory_space<hbm>>
      %dma_start3A_260 = arith.constant 0 : i32
      %dma_start3A_261 = tpu.memref_slice %arg4[%add3A, %dma_start3A_260] : memref<32x16xf32, #tpu.memory_space<hbm>> -> memref<1x16xf32, #tpu.memory_space<hbm>>
      %dma_start3A_262 = tpu.memref_squeeze %dma_start3A_261 : memref<1x16xf32, #tpu.memory_space<hbm>> -> memref<16xf32, #tpu.memory_space<hbm>>
      tpu.enqueue_dma source(%arg7 : memref<16xf32, #tpu.memory_space<vmem>>) target(%dma_start3A_262 : memref<16xf32, #tpu.memory_space<hbm>>) target_semaphore(%run_scoped3A : memref<!tpu.dma_semaphore, #tpu.memory_space<semaphore_mem>>)
      %dma_wait3A_263 = arith.constant 0 : i32
      %dma_wait3A_264 = tpu.memref_slice %arg4[%add3A, %dma_wait3A_263] : memref<32x16xf32, #tpu.memory_space<hbm>> -> memref<1x16xf32, #tpu.memory_space<hbm>>
      %dma_wait3A_265 = tpu.memref_squeeze %dma_wait3A_264 : memref<1x16xf32, #tpu.memory_space<hbm>> -> memref<16xf32, #tpu.memory_space<hbm>>
      %dma_wait3A_266 = arith.constant 0 : i32
      %dma_wait3A_267 = tpu.memref_slice %arg4[%add3A, %dma_wait3A_266] : memref<32x16xf32, #tpu.memory_space<hbm>> -> memref<1x16xf32, #tpu.memory_space<hbm>>
      %dma_wait3A_268 = tpu.memref_squeeze %dma_wait3A_267 : memref<1x16xf32, #tpu.memory_space<hbm>> -> memref<16xf32, #tpu.memory_space<hbm>>
      tpu.wait_dma2 semaphore(%run_scoped3A : memref<!tpu.dma_semaphore, #tpu.memory_space<semaphore_mem>>) src(%arg7 : memref<16xf32, #tpu.memory_space<vmem>>) dst(%dma_wait3A_268 : memref<16xf32, #tpu.memory_space<hbm>>)
      tpu.yield
    }) : () -> ()
    return
  }
}

module attributes {stable_mosaic.version = 14 : i64} {
  func.func @_tc_sse(%arg0: i32, %arg1: memref<2048x512xf32, #tpu.memory_space<vmem>>, %arg2: memref<2048x512xf32, #tpu.memory_space<vmem>>, %arg3: memref<1x1xf32, #tpu.memory_space<vmem>>, %arg4: memref<1x512xf32, #tpu.memory_space<vmem>>) attributes {dimension_semantics = [#tpu.dimension_semantics<arbitrary>], iteration_bounds = array<i64: 6>, scalar_prefetch = 0 : i64, scratch_operands = 1 : i64, tpu.core_type = #tpu.core_type<tc>, window_params = [{transform_indices = @transform_0, window_bounds = array<i64: 2048, 512>}, {transform_indices = @transform_1, window_bounds = array<i64: 2048, 512>}, {pipeline_mode = #tpu.pipeline_mode<synchronous>, transform_indices = @transform_2, window_bounds = array<i64: 1, 1>}]} {
    %eq3A = arith.constant 0 : i32
    %eq3A_0 = arith.cmpi eq, %arg0, %eq3A : i32
    %convert_element_type3A = arith.extui %eq3A_0 : i1 to i32
    %cond3A = arith.constant 0 : i32
    %cond3A_1 = arith.cmpi ne, %convert_element_type3A, %cond3A : i32
    scf.if %cond3A_1 {
      %broadcast_in_dim3A_18 = arith.constant 0.000000e+00 : f32
      %broadcast_in_dim3A_19 = vector.broadcast %broadcast_in_dim3A_18 : f32 to vector<1x512xf32>
      %swap3A_20 = arith.constant 0 : index
      %swap3A_21 = arith.constant 0 : index
      %swap3A_22 = vector.load %arg4[%swap3A_20, %swap3A_21] : memref<1x512xf32, #tpu.memory_space<vmem>>, vector<1x512xf32>
      tpu.vector_store %arg4[%swap3A_20, %swap3A_21], %broadcast_in_dim3A_19 {strides = array<i32>} : memref<1x512xf32, #tpu.memory_space<vmem>>, vector<1x512xf32>,
    } else {
    }
    %get3A = arith.constant 0 : index
    %get3A_2 = arith.constant 0 : index
    %get3A_3 = vector.load %arg1[%get3A, %get3A_2] : memref<2048x512xf32, #tpu.memory_space<vmem>>, vector<2048x512xf32>
    %get3A_4 = arith.constant 0 : index
    %get3A_5 = arith.constant 0 : index
    %get3A_6 = vector.load %arg2[%get3A_4, %get3A_5] : memref<2048x512xf32, #tpu.memory_space<vmem>>, vector<2048x512xf32>
    %sub3A = arith.subf %get3A_3, %get3A_6 : vector<2048x512xf32>
    %get3A_7 = arith.constant 0 : index
    %get3A_8 = arith.constant 0 : index
    %get3A_9 = vector.load %arg4[%get3A_7, %get3A_8] : memref<1x512xf32, #tpu.memory_space<vmem>>, vector<1x512xf32>
    %mul3A = arith.mulf %sub3A, %sub3A : vector<2048x512xf32>
    %reduce_sum3A = arith.constant dense<0.000000e+00> : vector<512xf32>
    %reduce_sum3A_10 = vector.multi_reduction <add>, %mul3A, %reduce_sum3A [0] : vector<2048x512xf32> to vector<512xf32>
    %broadcast_in_dim3A = vector.shape_cast %reduce_sum3A_10 : vector<512xf32> to vector<1x512xf32>
    %add3A = arith.addf %get3A_9, %broadcast_in_dim3A : vector<1x512xf32>
    %swap3A = arith.constant 0 : index
    %swap3A_11 = arith.constant 0 : index
    %swap3A_12 = vector.load %arg4[%swap3A, %swap3A_11] : memref<1x512xf32, #tpu.memory_space<vmem>>, vector<1x512xf32>
    tpu.vector_store %arg4[%swap3A, %swap3A_11], %add3A {strides = array<i32>} : memref<1x512xf32, #tpu.memory_space<vmem>>, vector<1x512xf32>,
    %eq3A_13 = arith.constant 5 : i32
    %eq3A_14 = arith.cmpi eq, %arg0, %eq3A_13 : i32
    %convert_element_type3A_15 = arith.extui %eq3A_14 : i1 to i32
    %cond3A_16 = arith.constant 0 : i32
    %cond3A_17 = arith.cmpi ne, %convert_element_type3A_15, %cond3A_16 : i32
    scf.if %cond3A_17 {
      %get3A_18 = arith.constant 0 : index
      %get3A_19 = arith.constant 0 : index
      %get3A_20 = vector.load %arg4[%get3A_18, %get3A_19] : memref<1x512xf32, #tpu.memory_space<vmem>>, vector<1x512xf32>
      %reduce_sum3A_21 = vector.shape_cast %get3A_20 : vector<1x512xf32> to vector<1x1x512xf32>
      %reduce_sum3A_22 = arith.constant dense<0.000000e+00> : vector<1xf32>
      %reduce_sum3A_23 = vector.multi_reduction <add>, %reduce_sum3A_21, %reduce_sum3A_22 [1, 2] : vector<1x1x512xf32> to vector<1xf32>
      %reduce_sum3A_24 = vector.shape_cast %reduce_sum3A_23 : vector<1xf32> to vector<1x1x1xf32>
      %reduce_sum3A_25 = vector.extract %reduce_sum3A_24[0, 0, 0] : f32 from vector<1x1x1xf32>
      %reshape3A = vector.broadcast %reduce_sum3A_25 : f32 to vector<1x1xf32>
      %swap3A_26 = arith.constant 0 : index
      %swap3A_27 = arith.constant 0 : index
      %swap3A_28 = vector.load %arg3[%swap3A_26, %swap3A_27] : memref<1x1xf32, #tpu.memory_space<vmem>>, vector<1x1xf32>
      tpu.vector_store %arg3[%swap3A_26, %swap3A_27], %reshape3A {strides = array<i32>} : memref<1x1xf32, #tpu.memory_space<vmem>>, vector<1x1xf32>,
    } else {
    }
    return
  }
  func.func @transform_0(%arg0: i32) -> (i32, i32) {
    %add3A = arith.constant 2 : i32
    %add3A_0 = arith.addi %arg0, %add3A : i32
    %c0_i32 = arith.constant 0 : i32
    %c0_i32_1 = arith.constant 0 : i32
    return %add3A_0, %c0_i32 : i32, i32
  }
  func.func @transform_1(%arg0: i32) -> (i32, i32) {
    %add3A = arith.constant 2 : i32
    %add3A_0 = arith.addi %arg0, %add3A : i32
    %c0_i32 = arith.constant 0 : i32
    %c0_i32_1 = arith.constant 0 : i32
    return %add3A_0, %c0_i32 : i32, i32
  }
  func.func @transform_2(%arg0: i32) -> (i32, i32) {
    %c0_i32 = arith.constant 0 : i32
    %c0_i32_0 = arith.constant 0 : i32
    %c0_i32_1 = arith.constant 0 : i32
    return %c0_i32, %c0_i32_0 : i32, i32
  }
}

</mosaic_0001>

<sc_bundles>
// kernel: kernel.4.cloned.1.call-start
scs
__scs_entry_jumppad:
0x0: {  	(pc) =	sbr.rel $0x88, $3  }
0x1: {  	(tag) =	ssettag $0x0;
	lr =	simm.s32 $0x1  }
0x2: {  	[smem:$0x3F9F] =	sst lr;
	_ =	strace $0xD0000000  }
0x3: {  	_ = 	snop  }
0x4: {  	_ = 	snop  }
0x5: {  	_ = 	snop  }
0x6: {  	_ = 	snop  }
0x7: {  	_ = 	snop  }
__scs_overlays_trampoline_lowered:
0x8: {  	[smem:$0x3FAE] =	sst s0  }
0x9: {  	[smem:$0x3FAF] =	sst s1  }
0xa: {  	[smem:$0x3FB0] =	sst s2  }
0xb: {  	[smem:$0x3FB1] =	sst s3  }
0xc: {  	[smem:$0x3FB2] =	sst s4  }
0xd: {  	[smem:$0x3FB3] =	sst s5  }
0xe: {  	[smem:$0x3FB4] =	sst s6  }
0xf: {  	[smem:$0x3FB5] =	sst s7  }
0x10: {  	[smem:$0x3FB6] =	sst s8  }
0x11: {  	[smem:$0x3FB7] =	sst s9;
	s0 =	simm.s32 @!p0 $0x0  }
0x12: {  	s1 =	sld [smem:$0x3F9D];
	s0 =	simm.s32 @p0 $0x1  }
0x13: {  	[smem:$0x3FB8] =	sst s0;
	s0 =	simm.s32 @!p1 $0x0  }
0x14: {  	s2 =	sld [smem:$0x3F9C];
	s0 =	simm.s32 @p1 $0x1  }
0x15: {  	[smem:$0x3FB9] =	sst s0;
	s0 =	simm.s32 @!p2 $0x0  }
0x16: {  	s3 =	sld [smem:$0x3FDB];
	s0 =	simm.s32 @p2 $0x1  }
0x17: {  	s4 =	simm.s32 $0x1BF5;
	[smem:$0x3FBB] =	sst s0  }
0x18: {  	s0 =	sld [smem:$0x3F9E];
	_ =	swait.ge [sflag:s4], $0x0  }
0x19: {  	s7 =	sld [smem:$0x3F9F]  }
0x1a: {  	s8 =	sadd.s32 $0xFFFFE003, lr  }
0x1b: {  	s9 =	sadd.s32 $0xFFFFFEF7, lr;
	s5 =	simm.s32 $0xFFFFFFFF;
	p2 =	slt.u32 s8, $0xFFFFF086  }
0x1c: {  	p1 =	slt.u32 s9, $0xF7A;
	s5 =	simm.s32 @!p2 $0x0  }
0x1d: {  	s5 =	simm.s32 @p1 $0x1;
	p0 =	seq.s32 s7, s2  }
0x1e: {  	s7 =	smul.u32 @!p0 $0xF7A, s2;
	p2 =	seq.s32 @!p0 s5, $0x0  }
0x1f: {  	s9 =	smul.u32 $0xF7A, s1;
	s8 =	simm.s32 @!p0 $0x1BF5;
	p2 =	por !p2, p0  }
0x20: {  	[sflag:s8] =	ssyncset.s32 @!p0 $0xFFFFF086;
	s6 =	sadd.s32 @!p0 s3, s7;
	s7 =	simm.s32 @!p0 $0x108  }
0x21: {  	s3 =	sadd.s32 s3, s9;
	s6 =	sadd.s32 @!p0 $0x88, s6;
	s7 =	simm.s32 @p2 $0x1082  }
0x22: {  	[simem:s7], [sflag:s8] =	dma.local @!p0 [hbm:s6], $0xF7A  }
0x23: {  	s9 =	sor.u32 $0xD0000000, s2;
	s6 =	simm.s32 $0x108;
	_ =	swait.ge @!p0 [sflag:s8], $0x0  }
0x24: {  	s3 =	sadd.s32 $0x88, s3;
	s6 =	simm.s32 @!p1 $0x1082;
	[sflag:s4] =	ssyncset.s32 $0xFFFFF086  }
0x25: {  	[simem:s6], [sflag:s4] =	dma.local [hbm:s3], $0xF7A  }
0x26: {  	[smem:$0x3F9F] =	sst s1;
	(tag) =	ssettag s2;
	_ =	strace s9  }
0x27: {  	s1 =	sld [smem:$0x3FAF]  }
0x28: {  	s2 =	sld [smem:$0x3FB0]  }
0x29: {  	s4 =	sld [smem:$0x3FB2]  }
0x2a: {  	p0 =	seq.s32 s5, $0x0;
	s5 =	sld [smem:$0x3FB3]  }
0x2b: {  	s6 =	sld [smem:$0x3FB4]  }
0x2c: {  	s7 =	sld [smem:$0x3FB5]  }
0x2d: {  	s3 =	simm.s32 $0x108;
	s8 =	sld [smem:$0x3FB6]  }
0x2e: {  	s3 =	simm.s32 @!p0 $0x1082;
	s9 =	sld [smem:$0x3FB7]  }
0x2f: {  	lr =	sadd.s32 s0, s3;
	s0 =	sld [smem:$0x3FAE]  }
0x30: {  	s3 =	sld [smem:$0x3FB1]  }
0x31: {  	[smem:$0x3FBA] =	sst s10  }
0x32: {  	s10 =	sld [smem:$0x3FB8];
	_ =	sdelay $0x3  }
0x33: {  	p0 =	seq.s32 s10, $0x1;
	s10 =	sld [smem:$0x3FBA];
	_ =	sdelay $0x3  }
0x34: {  	[smem:$0x3FBA] =	sst s10  }
0x35: {  	s10 =	sld [smem:$0x3FB9];
	_ =	sdelay $0x3  }
0x36: {  	p1 =	seq.s32 s10, $0x1;
	s10 =	sld [smem:$0x3FBA];
	_ =	sdelay $0x3  }
0x37: {  	[smem:$0x3FBA] =	sst s10  }
0x38: {  	s10 =	sld [smem:$0x3FBB]  }
0x39: {  	_ = 	snop;
	(pc) =	sbr.ind lr, $3  }
0x3a: {  	_ = 	snop  }
0x3b: {  	_ = 	snop  }
0x3c: {  	p2 =	seq.s32 s10, $0x1;
	s10 =	sld [smem:$0x3FBA]  }
0x3d: {  	_ =	shalt  }
0x3e: {  	_ =	shalt  }
0x3f: {  	_ =	shalt  }
0x40: {  	_ =	shalt  }
0x41: {  	_ =	shalt  }
0x42: {  	_ =	shalt  }
0x43: {  	_ =	shalt  }
0x44: {  	_ =	shalt  }
0x45: {  	_ =	shalt  }
0x46: {  	_ =	shalt  }
0x47: {  	_ =	shalt  }
0x48: {  	_ =	shalt  }
0x49: {  	_ =	shalt  }
0x4a: {  	_ =	shalt  }
0x4b: {  	_ =	shalt  }
0x4c: {  	_ =	shalt  }
0x4d: {  	_ =	shalt  }
0x4e: {  	_ =	shalt  }
0x4f: {  	_ =	shalt  }
0x50: {  	_ =	shalt  }
0x51: {  	_ =	shalt  }
0x52: {  	_ =	shalt  }
0x53: {  	_ =	shalt  }
0x54: {  	_ =	shalt  }
0x55: {  	_ =	shalt  }
0x56: {  	_ =	shalt  }
0x57: {  	_ =	shalt  }
0x58: {  	_ =	shalt  }
0x59: {  	_ =	shalt  }
0x5a: {  	_ =	shalt  }
0x5b: {  	_ =	shalt  }
0x5c: {  	_ =	shalt  }
0x5d: {  	_ =	shalt  }
0x5e: {  	_ =	shalt  }
0x5f: {  	_ =	shalt  }
0x60: {  	_ =	shalt  }
0x61: {  	_ =	shalt  }
0x62: {  	_ =	shalt  }
0x63: {  	_ =	shalt  }
0x64: {  	_ =	shalt  }
0x65: {  	_ =	shalt  }
0x66: {  	_ =	shalt  }
0x67: {  	_ =	shalt  }
0x68: {  	_ =	shalt  }
0x69: {  	_ =	shalt  }
0x6a: {  	_ =	shalt  }
0x6b: {  	_ =	shalt  }
0x6c: {  	_ =	shalt  }
0x6d: {  	_ =	shalt  }
0x6e: {  	_ =	shalt  }
0x6f: {  	_ =	shalt  }
0x70: {  	_ =	shalt  }
0x71: {  	_ =	shalt  }
0x72: {  	_ =	shalt  }
0x73: {  	_ =	shalt  }
0x74: {  	_ =	shalt  }
0x75: {  	_ =	shalt  }
0x76: {  	_ =	shalt  }
0x77: {  	_ =	shalt  }
0x78: {  	_ =	shalt  }
0x79: {  	_ =	shalt  }
0x7a: {  	_ =	shalt  }
0x7b: {  	_ =	shalt  }
0x7c: {  	_ =	shalt  }
0x7d: {  	_ =	shalt  }
0x7e: {  	_ =	shalt  }
0x7f: {  	_ =	shalt  }
0x80: {  	_ =	shalt  }
0x81: {  	_ =	shalt  }
0x82: {  	_ =	shalt  }
0x83: {  	_ =	shalt  }
0x84: {  	_ =	shalt  }
0x85: {  	_ =	shalt  }
0x86: {  	_ =	shalt  }
0x87: {  	_ =	shalt  }
.Lfunc_end0:
.L_simem_size_0:
called_computation_lowered:
.L_overlay_start_0:
0x88: {  	s2 =	sld [smem:$0x3FD9]  }
0x89: {  	s3 =	sld [smem:$0x3FFE];
	_ =	sdelay $0x1  }
0x8a: {  	s1 =	srdreg.scid  }
0x8b: {  	s0 =	sand.u32 $0x1, s1  }
0x8c: {  	s17 =	sshll.u32 s0, $0xA;
	s2 =	sadd.s32 s3, s2  }
0x8d: {  	s2 =	sadd.s32 s2, s17  }
0x8e: {  	[smem:$0x3FC6] =	sst s2  }
0x8f: {  	_ = 	snop  }
0x90: {  	s2 =	sld [smem:$0x3FC9]  }
0x91: {  	s18 =	sld [smem:$0x3FC8];
	(tm) =	ssettm $0x1  }
0x92: {  	s4 =	sld [smem:$0x3FFB];
	_ =	sdelay $0x3  }
0x93: {  	_ =	strace s4  }
0x94: {  	s4 =	sld [smem:$0x3FFC];
	_ =	sdelay $0x3  }
0x95: {  	_ =	strace s4  }
0x96: {  	s4 =	sld [smem:$0x3FFD];
	_ =	sdelay $0x3  }
0x97: {  	_ =	strace s4  }
0x98: {  	_ =	strace $0x8FFFFFFF  }
0x99: {  	s19 =	sld [smem:$0x3FDB];
	_ =	sdelay $0x1  }
0x9a: {  	s5 =	simm.s32 $_scs_section_size  }
0x9b: {  	s6 =	simm.s32 $_size__tile_overlayer_lowered;
	s7 =	simm.s32 $_tile_overlayer_lowered  }
0x9c: {  	s22 =	simm.s32 $0x1BFF;
	s21 =	sshll.u32 s7, $0x1;
	s4 =	sadd.s32 s5, s19  }
0x9d: {  	s8 =	simm.s32 $0x0;
	s20 =	sshll.u32 s6, $0x1;
	s6 =	sadd.s32 s21, s4  }
0x9e: {  	[timem:s8], [sflag:s22] =	dma.local [hbm:s6], s20  }
0x9f: {  	_ =	swait.ge [sflag:s22], s20  }
0xa0: {  	s5 =	ssub.s32 $0x0, s20;
	[sflag:s22] =	ssyncset.done $0x0  }
0xa1: {  	[sflag:s22] =	ssyncadd.s32 s5;
	_ =	sdelay $0x1  }
0xa2: {  	s23 =	simm.s32 $0x1B8B  }
0xa3: {  	_ =	swait.ge [sflag:s23], $0x1  }
0xa4: {  	[sflag:s23] =	ssyncset.done $0x0  }
0xa5: {  	s25 =	simm.s32 $0x1B8E;
	s24 =	sld [smem:$0x3FFE];
	[sflag:s23] =	ssyncadd.s32 $0xFFFFFFFF  }
0xa6: {  	s26 =	simm.s32 $execute0_lowered;
	[smem:$0x3FD2] =	sst s25  }
0xa7: {  	s6 =	sshll.u32 s26, $0x1;
	_ =	strace $0x80000046;
	[dreg:$0x1] =	wrdreg $0xFFFFFFFF  }
0xa8: {  	s28 =	simm.s32 $_size_execute0_lowered;
	s4 =	sadd.s32 s4, s6;
	[dreg:$0x0] =	wrdreg $0x0  }
0xa9: {  	s6 =	sshll.u32 s28, $0x1;
	[dreg:$0x2] =	wrdreg s4  }
0xaa: {  	[dreg:$0x3] =	wrdreg s6  }
0xab: {  	[dreg:$0x4] =	wrdreg $0xC0  }
0xac: {  	_ =	task [dreg:s8], $0x5FFFF  }
0xad: {  	[dreg:$0x1] =	wrdreg $0xFFFFFFFF  }
0xae: {  	[dreg:$0x0] =	wrdreg $0x60  }
0xaf: {  	[dreg:$0x2] =	wrdreg s2  }
0xb0: {  	[dreg:$0x3] =	wrdreg s18  }
0xb1: {  	[dreg:$0x4] =	wrdreg s24  }
0xb2: {  	[dreg:$0x5] =	wrdreg $0x9  }
0xb3: {  	_ =	task.clear_ibuf [dreg:s8], $0x6FFFF;
	_ =	strace $0x90000046  }
0xb4: {  	s29 =	simm.s32 $0x9;
	_ =	strace $0x80000048  }
0xb5: {  	_ =	swait.ge [sflag:s29], $0x1  }
0xb6: {  	[sflag:s29] =	ssyncadd.s32 $0xFFFFFFFF  }
0xb7: {  	_ =	strace $0x90000048  }
0xb8: {  	_ =	sfence  }
0xb9: {  	s30 =	sld [smem:$0x0];
	_ =	sdelay $0x2  }
0xba: {  	s31 =	sshll.u32 s1, $0xD;
	s1 =	sshrl.u32 s1, $0x2  }
0xbb: {  	s3 =	sand.u32 $0x4000, s31;
	s1 =	sadd.s32 s1, s30  }
0xbc: {  	s0 =	sor.u32 s3, s0;
	s1 =	sshll.u32 s1, $0x11  }
0xbd: {  	s0 =	sor.u32 s1, s0  }
0xbe: {  	s0 =	sadd.s32 $0x8F2B, s0  }
0xbf: {  	[sflag:s0] =	ssyncadd.remote.s32 $0x1  }
0xc0: {  	_ =	sfence.sel $0xFFFF  }
0xc1: {  	[dreg:$0x0] =	wrdreg $0xFFFFFFFF;
	(pc) =	sbr.abs _section_cstart, $3  }
0xc2: {  	[dreg:$0x1] =	wrdreg $0xFFFFFFFF  }
0xc3: {  	_ =	task.clear_ibuf [dreg:s8], $0x2FFFF;
	_ =	strace $0x9FFFFFFF  }
0xc4: {  	(tm) =	ssettm $0x7FFFFFFF  }
0xc5: {  	_ =	shalt  }
tec
execute0_lowered:
.L_overlay_start_1:
0x0: {  	(tag) =	ssettag $0x1  }
0x1: {  	s9 =	rddreg [dreg:$0x0]  }
0x2: {  	s10 =	rddreg [dreg:$0x1]  }
0x3: {  	s11 =	rddreg [dreg:$0x2]  }
0x4: {  	s2 =	srdreg.scid;
	s1 =	stileid.u32  }
0x5: {  	s0 =	rddreg [dreg:$0x3];
	s15 =	simm.s32 $0x4000;
	s16 =	simm.s32 $0xC000  }
0x6: {  	s17 =	simm.s32 $0x2;
	s18 =	simm.s32 $0x10000;
	s19 =	simm.s32 $0x3  }
0x7: {  	s20 =	simm.s32 $0x0;
	s3 =	sand.u32 $0x1, s2;
	s4 =	sshll.u32 s1, $0x1  }
0x8: {  	s2 =	simm.s32 $0x0;
	s5 =	ssub.s32 $0x2, s3;
	s12 =	sor.u32 s3, s4  }
0x9: {  	[smem:$0x7FF] =	sst s2;
	s31 =	sshrl.u32 s5, $0x1;
	s13 =	sshll.u32 s12, $0xD  }
0xa: {  	_ =	strace $0x80000047;
	s12 =	sshll.u32 s12, $0x4;
	s14 =	ssub.s32 s5, s31  }
0xb: {  	s3 =	sadd.s32 s9, s13;
	s4 =	sadd.s32 s10, s13;
	s6 =	sor.u32 $0x800, s13  }
0xc: {  	s8 =	sor.u32 $0x1000, s13;
	s13 =	sor.u32 $0x1800, s13;
	s11 =	sadd.s32 s11, s12  }
0xd: {  	s5 =	sadd.s32 s9, s6;
	s6 =	sadd.s32 s10, s6;
	s7 =	sadd.s32 s9, s8  }
0xe: {  	s8 =	sadd.s32 s10, s8;
	s9 =	sadd.s32 s9, s13;
	s10 =	sadd.s32 s10, s13  }
0xf: {  	s12 =	smax.u32 s14, $0x1;
	s13 =	simm.s32 $0x8000;
	s14 =	simm.s32 $0x1  }
.LBB2_1:
0x10: {  	[tilespmem:s2], [sflag:$0x1] =	stream.linear.gather [hbm4b:s3+s2], $0x4000, $0x38;
	[tilespmem:$0x10080] =	vst v63  }
0x11: {  	_ = 	snop  }
0x12: {  	[tilespmem:s13], [sflag:$0x1] =	stream.linear.gather [hbm4b:s4+s2], $0x4000, $0x38;
	[tilespmem:$0x10080] =	vst v63  }
0x13: {  	_ =	swait.ge [sflag:s14], $0x4000  }
0x14: {  	[sflag:s14] =	ssyncset.done $0x0  }
0x15: {  	[sflag:s14] =	ssyncadd.s32 $0xFFFFC000  }
0x16: {  	_ =	swait.ge [sflag:s14], $0x4000  }
0x17: {  	[sflag:s14] =	ssyncset.done $0x0  }
0x18: {  	s21 =	sand.u32 $0x3000, s2;
	s22 =	sand.u32 $0x380, s2;
	[sflag:s14] =	ssyncadd.s32 $0xFFFFC000  }
0x19: {  	[tilespmem:s15], [sflag:$0x2] =	stream.linear.gather [hbm4b:s5+s2], $0x4000, $0x38;
	[tilespmem:$0x10080] =	vst v63  }
0x1a: {  	s21 =	sor.u32 s22, s21  }
0x1b: {  	[tilespmem:s16], [sflag:$0x2] =	stream.linear.gather [hbm4b:s6+s2], $0x4000, $0x38;
	[tilespmem:$0x10080] =	vst v63  }
0x1c: {  	v0 =	vld [tilespmem:s21+$0xC00]  }
0x1d: {  	v1 =	vld [tilespmem:s21+$0x8C00]  }
0x1e: {  	v2 =	vld [tilespmem:s21+$0xC10]  }
0x1f: {  	v3 =	vld [tilespmem:s21+$0x8C10]  }
0x20: {  	v4 =	vld [tilespmem:s21+$0xC20]  }
0x21: {  	v5 =	vld [tilespmem:s21+$0x8C20]  }
0x22: {  	v6 =	vld [tilespmem:s21+$0xC30]  }
0x23: {  	v7 =	vld [tilespmem:s21+$0x8C30]  }
0x24: {  	v8 =	vld [tilespmem:s21+$0xC40]  }
0x25: {  	v9 =	vld [tilespmem:s21+$0x8C40]  }
0x26: {  	v10 =	vld [tilespmem:s21+$0xC50]  }
0x27: {  	v11 =	vld [tilespmem:s21+$0x8C50]  }
0x28: {  	v12 =	vld [tilespmem:s21+$0xC60]  }
0x29: {  	v13 =	vld [tilespmem:s21+$0x8C60]  }
0x2a: {  	v14 =	vld [tilespmem:s21+$0xC70]  }
0x2b: {  	v15 =	vld [tilespmem:s21+$0x8C70]  }
0x2c: {  	v16 =	vld [tilespmem:s21+$0x800]  }
0x2d: {  	v17 =	vld [tilespmem:s21+$0x8800]  }
0x2e: {  	v18 =	vld [tilespmem:s21+$0x810]  }
0x2f: {  	v19 =	vld [tilespmem:s21+$0x8810]  }
0x30: {  	v20 =	vld [tilespmem:s21+$0x820]  }
0x31: {  	v21 =	vld [tilespmem:s21+$0x8820]  }
0x32: {  	v22 =	vld [tilespmem:s21+$0x830]  }
0x33: {  	v23 =	vld [tilespmem:s21+$0x8830]  }
0x34: {  	v24 =	vld [tilespmem:s21+$0x840]  }
0x35: {  	v25 =	vld [tilespmem:s21+$0x8840]  }
0x36: {  	v26 =	vld [tilespmem:s21+$0x850]  }
0x37: {  	v27 =	vld [tilespmem:s21+$0x8850]  }
0x38: {  	v28 =	vld [tilespmem:s21+$0x860]  }
0x39: {  	v29 =	vld [tilespmem:s21+$0x8860]  }
0x3a: {  	v30 =	vld [tilespmem:s21+$0x870]  }
0x3b: {  	v31 =	vld [tilespmem:s21+$0x8870]  }
0x3c: {  	v32 =	vld [tilespmem:s21+$0x400]  }
0x3d: {  	v33 =	vld [tilespmem:s21+$0x8400]  }
0x3e: {  	v34 =	vld [tilespmem:s21+$0x410]  }
0x3f: {  	v35 =	vld [tilespmem:s21+$0x8410]  }
0x40: {  	v36 =	vld [tilespmem:s21+$0x420]  }
0x41: {  	v37 =	vld [tilespmem:s21+$0x8420]  }
0x42: {  	v38 =	vld [tilespmem:s21+$0x430]  }
0x43: {  	v39 =	vld [tilespmem:s21+$0x8430]  }
0x44: {  	v40 =	vld [tilespmem:s21+$0x440]  }
0x45: {  	v41 =	vld [tilespmem:s21+$0x8440]  }
0x46: {  	v42 =	vld [tilespmem:s21+$0x450]  }
0x47: {  	v43 =	vld [tilespmem:s21+$0x8450]  }
0x48: {  	v44 =	vld [tilespmem:s21+$0x460]  }
0x49: {  	v45 =	vld [tilespmem:s21+$0x8460]  }
0x4a: {  	v46 =	vld [tilespmem:s21+$0x470]  }
0x4b: {  	v47 =	vld [tilespmem:s21+$0x8470];
	v1 =	vsub.f32 v0, v1;
	v2 =	vsub.f32 v2, v3  }
0x4c: {  	v48 =	vld [tilespmem:s21+$0x0];
	v5 =	vsub.f32 v4, v5;
	v6 =	vsub.f32 v6, v7  }
0x4d: {  	v49 =	vld [tilespmem:s21+$0x8000];
	v7 =	vsub.f32 v8, v9;
	v9 =	vsub.f32 v10, v11  }
0x4e: {  	v52 =	vld [tilespmem:s21+$0x8020];
	v0 =	vsub.f32 v12, v13;
	v16 =	vsub.f32 v16, v17  }
0x4f: {  	v55 =	vld [tilespmem:s21+$0x30];
	v50 =	vsub.f32 v18, v19;
	v51 =	vsub.f32 v20, v21  }
0x50: {  	v62 =	vld [tilespmem:s21+$0x8040];
	v53 =	vsub.f32 v22, v23;
	v54 =	vsub.f32 v24, v25  }
0x51: {  	v63 =	vld [tilespmem:s21+$0x50];
	v56 =	vsub.f32 v26, v27;
	v11 =	vsub.f32 v28, v29  }
0x52: {  	v8 =	vld [tilespmem:s21+$0x10];
	v33 =	vsub.f32 v32, v33;
	v10 =	vsub.f32 v30, v31  }
0x53: {  	v13 =	vld [tilespmem:s21+$0x8010];
	v31 =	vsub.f32 v34, v35;
	v25 =	vsub.f32 v36, v37;
	v4 =	vimm.f32 $0.0e+00  }
0x54: {  	v17 =	vld [tilespmem:s21+$0x20];
	v24 =	vsub.f32 v38, v39;
	v19 =	vsub.f32 v40, v41;
	v20 =	vmul.f32 v1, v1  }
0x55: {  	v27 =	vld [tilespmem:s21+$0x8030];
	v18 =	vsub.f32 v42, v43;
	v22 =	vmul.f32 v2, v2;
	v21 =	vmul.f32 v5, v5  }
0x56: {  	v30 =	vld [tilespmem:s21+$0x40];
	[tilespmem:$0x1FFD0] =	vst v0;
	v0 =	vsub.f32 v14, v15;
	v23 =	vmul.f32 v6, v6;
	v12 =	vmul.f32 v7, v7  }
0x57: {  	v15 =	vsub.f32 v44, v45;
	v1 =	vld [tilespmem:s21+$0x8050];
	v28 =	vmul.f32 v16, v16;
	v29 =	vmul.f32 v50, v50  }
0x58: {  	v2 =	vld [tilespmem:s21+$0x60];
	v5 =	vsub.f32 v48, v49;
	v26 =	vmul.f32 v51, v51;
	v16 =	vmul.f32 v54, v54  }
0x59: {  	v14 =	vsub.f32 v46, v47;
	v6 =	vld [tilespmem:s21+$0x8060];
	v34 =	vmul.f32 v33, v33;
	v33 =	vmul.f32 v31, v31  }
0x5a: {  	[tilespmem:$0x1FFE0] =	vst v0;
	v40 =	vmul.f32 v5, v5;
	v5 =	vimm.f32 $0.0e+00;
	v0 =	vimm.f32 $0.0e+00  }
0x5b: {  	v7 =	vsub.f32 v8, v13;
	v13 =	vmul.f32 v9, v9;
	v35 =	vsub.f32 v17, v52  }
0x5c: {  	v36 =	vsub.f32 v55, v27;
	v27 =	vmul.f32 v53, v53;
	v32 =	vsub.f32 v30, v62  }
0x5d: {  	v17 =	vmul.f32 v56, v56;
	v8 =	vimm.f32 $0.0e+00;
	v9 =	vimm.f32 $0.0e+00  }
0x5e: {  	v37 =	vld [tilespmem:s21+$0x70];
	v30 =	vsub.f32 v63, v1;
	v39 =	vmul.f32 v7, v7;
	v31 =	vsub.f32 v2, v6  }
0x5f: {  	s22 =	simm.s32 $0x200;
	v38 =	vld [tilespmem:s21+$0x8070];
	s21 =	simm.s32 $0x80;
	[tilespmem:$0x1FFF0] =	vst v0;
	v2 =	vimm.f32 $0.0e+00;
	v1 =	vimm.f32 $0.0e+00;
	v7 =	vimm.f32 $0.0e+00  }
.LBB2_2:
0x60: {  	s23 =	sand.u32 $0x3000, s22;
	s24 =	sand.u32 $0x380, s21  }
0x61: {  	s23 =	sor.u32 s24, s23  }
0x62: {  	v60 =	vmul.f32 v25, v25;
	v25 =	vld [tilespmem:s23+$0xC00]  }
0x63: {  	v61 =	vmul.f32 v24, v24;
	v24 =	vld [tilespmem:s23+$0x8C00]  }
0x64: {  	v62 =	vmul.f32 v19, v19;
	v19 =	vld [tilespmem:s23+$0xC10]  }
0x65: {  	v63 =	vld [tilespmem:s23+$0x8C10]  }
0x66: {  	v2 =	vadd.f32 v39, v2;
	v39 =	vld [tilespmem:s23+$0x870]  }
0x67: {  	v41 =	vld [tilespmem:s23+$0x400]  }
0x68: {  	v42 =	vld [tilespmem:s23+$0x8400]  }
0x69: {  	v43 =	vld [tilespmem:s23+$0x410]  }
0x6a: {  	v44 =	vld [tilespmem:s23+$0x8410]  }
0x6b: {  	v45 =	vld [tilespmem:s23+$0x420]  }
0x6c: {  	v46 =	vld [tilespmem:s23+$0x8420]  }
0x6d: {  	v47 =	vld [tilespmem:s23+$0x430]  }
0x6e: {  	v48 =	vld [tilespmem:s23+$0x8430]  }
0x6f: {  	v49 =	vld [tilespmem:s23+$0x440]  }
0x70: {  	v50 =	vld [tilespmem:s23+$0x8440]  }
0x71: {  	v51 =	vld [tilespmem:s23+$0x450]  }
0x72: {  	v52 =	vld [tilespmem:s23+$0x8450]  }
0x73: {  	v53 =	vld [tilespmem:s23+$0x460]  }
0x74: {  	v54 =	vld [tilespmem:s23+$0x8460]  }
0x75: {  	v55 =	vld [tilespmem:s23+$0x470]  }
0x76: {  	v56 =	vld [tilespmem:s23+$0x8470]  }
0x77: {  	v32 =	vmul.f32 v32, v32;
	v57 =	vld [tilespmem:s23+$0x0]  }
0x78: {  	v59 =	vld [tilespmem:s23+$0x8000]  }
0x79: {  	v35 =	vmul.f32 v35, v35;
	v8 =	vadd.f32 v32, v8;
	v32 =	vld [tilespmem:s23+$0x840]  }
0x7a: {  	v36 =	vmul.f32 v36, v36;
	v2 =	vadd.f32 v33, v2;
	v33 =	vld [tilespmem:s23+$0x8840]  }
0x7b: {  	v5 =	vadd.f32 v35, v5;
	v35 =	vld [tilespmem:s23+$0x850]  }
0x7c: {  	v1 =	vadd.f32 v36, v1;
	v36 =	vld [tilespmem:s23+$0x8850]  }
0x7d: {  	v37 =	vsub.f32 v37, v38;
	v38 =	vld [tilespmem:s23+$0x8860]  }
0x7e: {  	v0 =	vadd.f32 v40, v4;
	v40 =	vld [tilespmem:s23+$0x8870]  }
0x7f: {  	v5 =	vadd.f32 v60, v5;
	v2 =	vadd.f32 v29, v2;
	v29 =	vmul.f32 v30, v30;
	v30 =	vld [tilespmem:s23+$0x830]  }
0x80: {  	v8 =	vadd.f32 v62, v8;
	v62 =	vld [tilespmem:s23+$0x8010]  }
0x81: {  	v5 =	vadd.f32 v26, v5;
	v26 =	vld [tilespmem:s23+$0x8C20]  }
0x82: {  	v1 =	vadd.f32 v61, v1;
	v8 =	vadd.f32 v16, v8;
	v16 =	vld [tilespmem:s23+$0x810]  }
0x83: {  	v9 =	vadd.f32 v29, v9;
	v29 =	vld [tilespmem:s23+$0x8820]  }
0x84: {  	v0 =	vadd.f32 v34, v0;
	v1 =	vadd.f32 v27, v1;
	v27 =	vmul.f32 v31, v31;
	v31 =	vld [tilespmem:s23+$0x8830]  }
0x85: {  	v2 =	vadd.f32 v22, v2;
	v22 =	vmul.f32 v37, v37;
	v37 =	vld [tilespmem:s23+$0x860]  }
0x86: {  	v41 =	vsub.f32 v41, v42;
	v42 =	vld [tilespmem:s23+$0x50];
	v0 =	vadd.f32 v28, v0  }
0x87: {  	v34 =	vsub.f32 v19, v63;
	v19 =	vsub.f32 v49, v50;
	v50 =	vld [tilespmem:s23+$0x8050]  }
0x88: {  	v28 =	vld [tilespmem:s23+$0xC20];
	v0 =	vadd.f32 v20, v0  }
0x89: {  	v5 =	vadd.f32 v21, v5;
	v21 =	vld [tilespmem:s23+$0x8C30]  }
0x8a: {  	v18 =	vmul.f32 v18, v18;
	[tilespmem:$0x1FFC0] =	vst v0;
	v0 =	vld [tilespmem:$0x1FFF0]  }
0x8b: {  	v1 =	vadd.f32 v23, v1;
	v23 =	vld [tilespmem:s23+$0xC40]  }
0x8c: {  	v9 =	vadd.f32 v18, v9;
	v18 =	vld [tilespmem:s23+$0xC50]  }
0x8d: {  	v8 =	vadd.f32 v12, v8;
	v12 =	vld [tilespmem:s23+$0x800]  }
0x8e: {  	v7 =	vadd.f32 v27, v7;
	v27 =	vld [tilespmem:s23+$0x820]  }
0x8f: {  	v15 =	vmul.f32 v15, v15;
	v6 =	vadd.f32 v22, v0;
	v0 =	vld [tilespmem:$0x1FFD0]  }
0x90: {  	v20 =	vld [tilespmem:s23+$0xC30]  }
0x91: {  	v7 =	vadd.f32 v15, v7;
	v15 =	vld [tilespmem:s23+$0xC60]  }
0x92: {  	v9 =	vadd.f32 v17, v9;
	v17 =	vld [tilespmem:s23+$0x8810]  }
0x93: {  	v11 =	vmul.f32 v11, v11;
	v30 =	vsub.f32 v30, v31;
	v31 =	vsub.f32 v32, v33;
	v32 =	vld [tilespmem:s23+$0x8030]  }
0x94: {  	v4 =	vmul.f32 v0, v0;
	v0 =	vld [tilespmem:$0x1FFE0]  }
0x95: {  	v14 =	vmul.f32 v14, v14;
	v58 =	vsub.f32 v25, v24;
	v7 =	vadd.f32 v11, v7;
	v11 =	vld [tilespmem:s23+$0xC70]  }
0x96: {  	v9 =	vadd.f32 v13, v9;
	v13 =	vld [tilespmem:s23+$0x8800];
	v26 =	vsub.f32 v28, v26  }
0x97: {  	v10 =	vmul.f32 v10, v10;
	v28 =	vld [tilespmem:s23+$0x10];
	v60 =	vsub.f32 v20, v21;
	v6 =	vadd.f32 v14, v6  }
0x98: {  	v20 =	vmul.f32 v58, v58;
	v58 =	vsub.f32 v57, v59;
	v59 =	vld [tilespmem:s23+$0x8060];
	v16 =	vsub.f32 v16, v17  }
0x99: {  	v17 =	vsub.f32 v27, v29;
	v27 =	vld [tilespmem:s23+$0x30];
	v6 =	vadd.f32 v10, v6;
	v3 =	vmul.f32 v0, v0  }
0x9a: {  	v10 =	vld [tilespmem:s23+$0x8C60]  }
0x9b: {  	v25 =	vsub.f32 v45, v46;
	v0 =	vadd.f32 v3, v6;
	v3 =	vld [tilespmem:s23+$0x8C70]  }
0x9c: {  	v24 =	vsub.f32 v47, v48;
	v33 =	vsub.f32 v35, v36;
	v22 =	vld [tilespmem:s23+$0x8C40]  }
0x9d: {  	v21 =	vmul.f32 v26, v26;
	v62 =	vsub.f32 v28, v62;
	v29 =	vmul.f32 v16, v16;
	v14 =	vld [tilespmem:s23+$0x8C50]  }
0x9e: {  	v26 =	vmul.f32 v17, v17;
	v36 =	vsub.f32 v27, v32;
	v7 =	vadd.f32 v4, v7;
	v4 =	vld [tilespmem:s23+$0x20]  }
0x9f: {  	v27 =	vmul.f32 v30, v30;
	v30 =	vsub.f32 v42, v50;
	v6 =	vld [tilespmem:s23+$0x40];
	[tilespmem:$0x1FFF0] =	vst v0;
	v0 =	vsub.f32 v15, v10  }
0xa0: {  	v16 =	vmul.f32 v31, v31;
	v10 =	vsub.f32 v39, v40;
	v39 =	vld [tilespmem:s23+$0x8040];
	v3 =	vsub.f32 v11, v3  }
0xa1: {  	v17 =	vmul.f32 v33, v33;
	v61 =	vsub.f32 v23, v22;
	v15 =	vsub.f32 v53, v54;
	v54 =	vld [tilespmem:s23+$0x60]  }
0xa2: {  	p0 =	sne.s32 s22, $0x3E00;
	v22 =	vmul.f32 v34, v34;
	v23 =	vmul.f32 v60, v60;
	v63 =	vsub.f32 v18, v14;
	[tilespmem:$0x1FFE0] =	vst v3;
	v3 =	vld [tilespmem:s23+$0x8020]  }
.Ltmp0:
0xa3: {  	v34 =	vmul.f32 v41, v41;
	v18 =	vsub.f32 v51, v52;
	v40 =	vsub.f32 v43, v44;
	(pc) =	sbr.rel @p0 .LBB2_2-.Ltmp0, $4  }
0xa4: {  	v14 =	vsub.f32 v55, v56;
	[tilespmem:$0x1FFD0] =	vst v0;
	v0 =	vsub.f32 v12, v13;
	v12 =	vmul.f32 v61, v61  }
0xa5: {  	v13 =	vmul.f32 v63, v63;
	v33 =	vmul.f32 v40, v40;
	v11 =	vsub.f32 v37, v38;
	v37 =	vld [tilespmem:s23+$0x70]  }
0xa6: {  	v40 =	vmul.f32 v58, v58;
	v38 =	vld [tilespmem:s23+$0x8070];
	v28 =	vmul.f32 v0, v0;
	v32 =	vsub.f32 v6, v39  }
0xa7: {  	s21 =	sadd.s32 $0x80, s21;
	s22 =	sadd.s32 $0x200, s22;
	v39 =	vmul.f32 v62, v62;
	v31 =	vsub.f32 v54, v59;
	v35 =	vsub.f32 v4, v3;
	v4 =	vld [tilespmem:$0x1FFC0]  }
0xa8: {  	_ =	swait.ge [sflag:s17], $0x4000  }
0xa9: {  	[sflag:s17] =	ssyncset.done $0x0  }
0xaa: {  	[sflag:s17] =	ssyncadd.s32 $0xFFFFC000  }
0xab: {  	s21 =	simm.s32 $0x0;
	_ =	swait.ge [sflag:s17], $0x4000  }
0xac: {  	s22 =	sand.u32 $0xFFFFF000, s21;
	[sflag:s17] =	ssyncset.done $0x0  }
0xad: {  	s22 =	sadd.s32 $0x0, s22;
	[sflag:s17] =	ssyncadd.s32 $0xFFFFC000  }
0xae: {  	[tilespmem:s21], [sflag:$0x1] =	stream.linear.gather [hbm4b:s7+s21], $0x4000, $0x38;
	[tilespmem:$0x10080] =	vst v63  }
0xaf: {  	s23 =	sor.u32 $0x4C00, s22  }
0xb0: {  	[tilespmem:s13], [sflag:$0x1] =	stream.linear.gather [hbm4b:s8+s21], $0x4000, $0x38;
	[tilespmem:$0x10080] =	vst v63  }
0xb1: {  	v0 =	vld [tilespmem:s23+$0x0];
	_ =	sdelay $0x4  }
0xb2: {  	[tilespmem:$0x1FF70] =	vst v0;
	v0 =	vld [tilespmem:s23+$0x8000];
	_ =	sdelay $0x1  }
0xb3: {  	s24 =	sor.u32 $0x4C20, s22  }
0xb4: {  	s25 =	sor.u32 $0x4C30, s22;
	v45 =	vld [tilespmem:s24+$0x8000]  }
0xb5: {  	s31 =	sor.u32 $0x4C10, s22;
	v46 =	vld [tilespmem:s25+$0x0]  }
0xb6: {  	[tilespmem:$0x1FF80] =	vst v0;
	v0 =	vld [tilespmem:s31+$0x0]  }
0xb7: {  	s26 =	sor.u32 $0x4C40, s22;
	v47 =	vld [tilespmem:s25+$0x8000]  }
0xb8: {  	v48 =	vld [tilespmem:s26+$0x0]  }
0xb9: {  	s28 =	sor.u32 $0x4C50, s22;
	v49 =	vld [tilespmem:s26+$0x8000]  }
0xba: {  	v50 =	vld [tilespmem:s28+$0x0]  }
0xbb: {  	[tilespmem:$0x1FF90] =	vst v0;
	v0 =	vld [tilespmem:s31+$0x8000]  }
0xbc: {  	s29 =	sor.u32 $0x4C60, s22;
	v51 =	vld [tilespmem:s28+$0x8000]  }
0xbd: {  	v52 =	vld [tilespmem:s29+$0x0]  }
0xbe: {  	s30 =	sor.u32 $0x4C70, s22;
	v53 =	vld [tilespmem:s29+$0x8000]  }
0xbf: {  	v54 =	vld [tilespmem:s30+$0x0]  }
0xc0: {  	s31 =	sand.u32 $0x3000, s21;
	[tilespmem:$0x1FFA0] =	vst v0;
	v0 =	vld [tilespmem:s24+$0x0];
	s24 =	sand.u32 $0x380, s21  }
0xc1: {  	v55 =	vld [tilespmem:s30+$0x8000];
	s22 =	sor.u32 s24, s31  }
0xc2: {  	v56 =	vld [tilespmem:s22+$0x4800]  }
0xc3: {  	v57 =	vld [tilespmem:s22+$0xC800]  }
0xc4: {  	v58 =	vld [tilespmem:s22+$0x4810]  }
0xc5: {  	v59 =	vld [tilespmem:s22+$0xC810]  }
0xc6: {  	v60 =	vld [tilespmem:s22+$0x4820]  }
0xc7: {  	v61 =	vld [tilespmem:s22+$0xC820]  }
0xc8: {  	v62 =	vld [tilespmem:s22+$0x4830]  }
0xc9: {  	v36 =	vmul.f32 v36, v36;
	v63 =	vld [tilespmem:s22+$0xC830]  }
0xca: {  	v2 =	vadd.f32 v39, v2;
	v43 =	vld [tilespmem:s22+$0x4840];
	[tilespmem:$0x1FFB0] =	vst v0;
	v0 =	vmul.f32 v35, v35  }
0xcb: {  	v24 =	vmul.f32 v24, v24;
	v1 =	vadd.f32 v36, v1;
	v3 =	vsub.f32 v37, v38;
	v6 =	vld [tilespmem:s22+$0xC840]  }
0xcc: {  	v2 =	vadd.f32 v33, v2;
	v44 =	vld [tilespmem:s22+$0x4850];
	v0 =	vadd.f32 v0, v5;
	v5 =	vmul.f32 v25, v25  }
0xcd: {  	v4 =	vadd.f32 v40, v4;
	v1 =	vadd.f32 v24, v1;
	v41 =	vld [tilespmem:s22+$0xC850]  }
0xce: {  	v2 =	vadd.f32 v29, v2;
	v42 =	vld [tilespmem:s22+$0x4860];
	v0 =	vadd.f32 v5, v0  }
0xcf: {  	v4 =	vadd.f32 v34, v4;
	v27 =	vadd.f32 v27, v1;
	v37 =	vld [tilespmem:s22+$0x4870]  }
0xd0: {  	v34 =	vld [tilespmem:s22+$0x4400];
	v5 =	vadd.f32 v26, v0;
	v0 =	vadd.f32 v22, v2  }
0xd1: {  	v4 =	vadd.f32 v28, v4;
	v28 =	vmul.f32 v32, v32;
	v33 =	vld [tilespmem:s22+$0xC400]  }
0xd2: {  	v19 =	vmul.f32 v19, v19;
	v24 =	vld [tilespmem:s22+$0x4410];
	[tilespmem:$0x1FF40] =	vst v0;
	v0 =	vadd.f32 v23, v27  }
0xd3: {  	v1 =	vadd.f32 v20, v4;
	v4 =	vmul.f32 v30, v30;
	v8 =	vadd.f32 v28, v8;
	v20 =	vld [tilespmem:s22+$0x4420]  }
0xd4: {  	[tilespmem:$0x1FF50] =	vst v0;
	v0 =	vld [tilespmem:$0x1FFF0]  }
0xd5: {  	v4 =	vadd.f32 v4, v9;
	v9 =	vmul.f32 v18, v18;
	v8 =	vadd.f32 v19, v8;
	v18 =	vld [tilespmem:s22+$0x4440]  }
0xd6: {  	v19 =	vld [tilespmem:s22+$0xC440]  }
0xd7: {  	v3 =	vmul.f32 v3, v3;
	v8 =	vadd.f32 v16, v8;
	v16 =	vld [tilespmem:s22+$0x4460]  }
0xd8: {  	v29 =	vld [tilespmem:s22+$0x4000]  }
0xd9: {  	v3 =	vadd.f32 v3, v0;
	v0 =	vld [tilespmem:$0x1FFD0]  }
0xda: {  	v32 =	vld [tilespmem:s22+$0xC000]  }
0xdb: {  	v39 =	vld [tilespmem:s22+$0x4010];
	v22 =	vmul.f32 v31, v31  }
0xdc: {  	v36 =	vsub.f32 v46, v47;
	v47 =	vld [tilespmem:s22+$0x4020]  }
0xdd: {  	v15 =	vmul.f32 v15, v15;
	v40 =	vsub.f32 v50, v51;
	v50 =	vld [tilespmem:s22+$0xC020];
	v7 =	vadd.f32 v22, v7  }
0xde: {  	v4 =	vadd.f32 v9, v4;
	v9 =	vmul.f32 v11, v11;
	v11 =	vmul.f32 v0, v0;
	v0 =	vld [tilespmem:$0x1FFE0]  }
0xdf: {  	v35 =	vld [tilespmem:s22+$0xC860];
	v7 =	vadd.f32 v15, v7  }
0xe0: {  	v38 =	vsub.f32 v48, v49;
	v25 =	vld [tilespmem:s22+$0xC870]  }
0xe1: {  	v33 =	vsub.f32 v34, v33;
	v34 =	vld [tilespmem:s22+$0x4040];
	v9 =	vadd.f32 v9, v7  }
0xe2: {  	v4 =	vadd.f32 v17, v4;
	v49 =	vsub.f32 v60, v61;
	v60 =	vld [tilespmem:s22+$0x4050]  }
0xe3: {  	v51 =	vsub.f32 v62, v63;
	v62 =	vld [tilespmem:s22+$0x4060];
	v17 =	vmul.f32 v0, v0;
	v0 =	vadd.f32 v11, v9  }
0xe4: {  	v2 =	vld [tilespmem:$0x1FF80]  }
0xe5: {  	[tilespmem:$0x1FF60] =	vst v0;
	v0 =	vld [tilespmem:$0x1FF70]  }
0xe6: {  	v8 =	vadd.f32 v12, v8;
	v12 =	vsub.f32 v42, v35;
	v42 =	vld [tilespmem:s22+$0xC030]  }
0xe7: {  	v26 =	vld [tilespmem:s22+$0xC410]  }
0xe8: {  	v5 =	vadd.f32 v21, v5;
	v21 =	vld [tilespmem:s22+$0xC420]  }
0xe9: {  	v23 =	vld [tilespmem:s22+$0x4430]  }
0xea: {  	v28 =	vsub.f32 v0, v2;
	v0 =	vld [tilespmem:$0x1FF90]  }
0xeb: {  	v2 =	vld [tilespmem:$0x1FFA0]  }
0xec: {  	v14 =	vmul.f32 v14, v14;
	v46 =	vsub.f32 v56, v57;
	v27 =	vld [tilespmem:s22+$0xC430]  }
0xed: {  	v48 =	vsub.f32 v58, v59;
	v43 =	vsub.f32 v43, v6;
	v22 =	vld [tilespmem:s22+$0xC460]  }
0xee: {  	v10 =	vmul.f32 v10, v10;
	v41 =	vsub.f32 v44, v41;
	v15 =	vld [tilespmem:s22+$0x4450];
	v3 =	vadd.f32 v14, v3  }
0xef: {  	v32 =	vsub.f32 v29, v32;
	v7 =	vadd.f32 v13, v4;
	v13 =	vld [tilespmem:s22+$0x4470]  }
0xf0: {  	v10 =	vadd.f32 v10, v3;
	v30 =	vsub.f32 v0, v2;
	v0 =	vld [tilespmem:$0x1FFB0]  }
0xf1: {  	v35 =	vsub.f32 v47, v50;
	v44 =	vsub.f32 v24, v26;
	v14 =	vld [tilespmem:s22+$0xC450]  }
0xf2: {  	v24 =	vsub.f32 v23, v27;
	v4 =	vadd.f32 v17, v10;
	v17 =	vld [tilespmem:s22+$0xC470]  }
0xf3: {  	v29 =	vmul.f32 v46, v46;
	v16 =	vsub.f32 v16, v22;
	v10 =	vsub.f32 v52, v53;
	v52 =	vld [tilespmem:s22+$0x4030]  }
0xf4: {  	v63 =	vld [tilespmem:s22+$0xC060];
	v26 =	vmul.f32 v51, v51;
	v9 =	vsub.f32 v54, v55;
	v11 =	vsub.f32 v37, v25  }
0xf5: {  	v27 =	vmul.f32 v49, v49;
	v25 =	vsub.f32 v20, v21;
	v31 =	vsub.f32 v0, v45;
	v45 =	vld [tilespmem:s22+$0xC010]  }
0xf6: {  	v20 =	vsub.f32 v18, v19;
	v19 =	vsub.f32 v15, v14;
	v21 =	vmul.f32 v36, v36;
	v53 =	vld [tilespmem:s22+$0xC040]  }
0xf7: {  	v61 =	vld [tilespmem:s22+$0xC050];
	v14 =	vmul.f32 v38, v38;
	v18 =	vmul.f32 v43, v43;
	v15 =	vsub.f32 v13, v17  }
0xf8: {  	v13 =	vmul.f32 v40, v40;
	v37 =	vsub.f32 v52, v42;
	v17 =	vmul.f32 v41, v41  }
0xf9: {  	v40 =	vmul.f32 v32, v32;
	v32 =	vsub.f32 v62, v63;
	v23 =	vmul.f32 v28, v28  }
0xfa: {  	v28 =	vmul.f32 v48, v48;
	v6 =	vmul.f32 v30, v30;
	v39 =	vsub.f32 v39, v45  }
0xfb: {  	v36 =	vld [tilespmem:s22+$0x4070];
	v22 =	vmul.f32 v31, v31;
	v31 =	vsub.f32 v34, v53;
	v34 =	vmul.f32 v33, v33  }
0xfc: {  	v38 =	vld [tilespmem:s22+$0xC070];
	v30 =	vsub.f32 v60, v61;
	s22 =	simm.s32 $0x200;
	v33 =	vmul.f32 v44, v44;
	v39 =	vmul.f32 v39, v39  }
.LBB2_4:
0xfd: {  	v0 =	vld [tilespmem:$0x1FF40]  }
0xfe: {  	v2 =	vld [tilespmem:$0x1FF50]  }
0xff: {  	v35 =	vmul.f32 v35, v35;
	v31 =	vmul.f32 v31, v31  }
0x100: {  	s23 =	sand.u32 $0xFFFFF000, s22;
	s21 =	sadd.s32 $0x80, s21  }
0x101: {  	v37 =	vmul.f32 v37, v37;
	s23 =	sadd.s32 s23, s21;
	v5 =	vadd.f32 v35, v5;
	v8 =	vadd.f32 v31, v8  }
0x102: {  	v25 =	vmul.f32 v25, v25;
	s24 =	sor.u32 $0x4C00, s23;
	v36 =	vsub.f32 v36, v38;
	v1 =	vadd.f32 v40, v1  }
0x103: {  	v47 =	vmul.f32 v24, v24;
	v24 =	vld [tilespmem:s24+$0x0];
	v0 =	vadd.f32 v39, v0;
	v2 =	vadd.f32 v37, v2  }
0x104: {  	v48 =	vmul.f32 v20, v20;
	s30 =	sor.u32 $0x4C10, s23;
	v20 =	vld [tilespmem:s24+$0x8000];
	v5 =	vadd.f32 v25, v5;
	v1 =	vadd.f32 v34, v1  }
0x105: {  	v49 =	vmul.f32 v19, v19;
	v19 =	vld [tilespmem:s30+$0x0];
	v0 =	vadd.f32 v33, v0;
	v2 =	vadd.f32 v47, v2  }
0x106: {  	s31 =	sor.u32 $0x4C20, s23;
	v25 =	vld [tilespmem:s30+$0x8000];
	v5 =	vadd.f32 v27, v5;
	v1 =	vadd.f32 v29, v1  }
0x107: {  	s25 =	sor.u32 $0x4C30, s23;
	v0 =	vadd.f32 v28, v0;
	v2 =	vadd.f32 v26, v2;
	v26 =	vld [tilespmem:s31+$0x0]  }
0x108: {  	v5 =	vadd.f32 v22, v5;
	v22 =	vld [tilespmem:s25+$0x8000];
	v1 =	vadd.f32 v23, v1;
	v23 =	vmul.f32 v36, v36  }
0x109: {  	s26 =	sor.u32 $0x4C40, s23;
	v28 =	vmul.f32 v30, v30;
	v0 =	vadd.f32 v6, v0;
	v6 =	vld [tilespmem:s31+$0x8000]  }
0x10a: {  	v15 =	vmul.f32 v15, v15;
	v8 =	vadd.f32 v48, v8;
	v4 =	vadd.f32 v23, v4;
	v23 =	vld [tilespmem:s26+$0x0]  }
0x10b: {  	s28 =	sor.u32 $0x4C50, s23;
	v7 =	vadd.f32 v28, v7;
	[tilespmem:$0x1FF40] =	vst v0;
	v0 =	vadd.f32 v21, v2;
	v21 =	vld [tilespmem:s25+$0x0]  }
0x10c: {  	v8 =	vadd.f32 v18, v8;
	s31 =	sand.u32 $0x3000, s22;
	s25 =	sand.u32 $0x380, s21;
	v4 =	vadd.f32 v15, v4;
	v15 =	vld [tilespmem:s28+$0x0]  }
0x10d: {  	s29 =	sor.u32 $0x4C60, s23;
	s30 =	sor.u32 $0x4C70, s23;
	v7 =	vadd.f32 v49, v7;
	s23 =	sor.u32 s25, s31;
	[tilespmem:$0x1FF50] =	vst v0;
	v0 =	vld [tilespmem:$0x1FF60]  }
0x10e: {  	v8 =	vadd.f32 v14, v8;
	v14 =	vld [tilespmem:s23+$0x4800]  }
0x10f: {  	v7 =	vadd.f32 v17, v7;
	v17 =	vld [tilespmem:s23+$0xC800]  }
0x110: {  	v18 =	vld [tilespmem:s23+$0x4810]  }
0x111: {  	v28 =	vld [tilespmem:s23+$0xC810]  }
0x112: {  	v29 =	vld [tilespmem:s23+$0x4820]  }
0x113: {  	v30 =	vld [tilespmem:s23+$0xC820]  }
0x114: {  	v31 =	vld [tilespmem:s23+$0x4830]  }
0x115: {  	v27 =	vmul.f32 v32, v32;
	v32 =	vld [tilespmem:s23+$0xC830]  }
0x116: {  	v33 =	vld [tilespmem:s23+$0x4840]  }
0x117: {  	v34 =	vld [tilespmem:s23+$0xC840]  }
0x118: {  	v35 =	vld [tilespmem:s23+$0x4850]  }
0x119: {  	v36 =	vld [tilespmem:s23+$0xC850]  }
0x11a: {  	v37 =	vld [tilespmem:s23+$0x4860]  }
0x11b: {  	v38 =	vld [tilespmem:s23+$0xC860]  }
0x11c: {  	v39 =	vld [tilespmem:s23+$0x4870]  }
0x11d: {  	v40 =	vld [tilespmem:s23+$0xC870]  }
0x11e: {  	v41 =	vld [tilespmem:s23+$0x4400]  }
0x11f: {  	v42 =	vld [tilespmem:s23+$0xC400]  }
0x120: {  	v43 =	vld [tilespmem:s23+$0x4410]  }
0x121: {  	v44 =	vld [tilespmem:s23+$0xC410]  }
0x122: {  	v45 =	vld [tilespmem:s23+$0x4420]  }
0x123: {  	v46 =	vld [tilespmem:s23+$0xC420]  }
0x124: {  	v47 =	vld [tilespmem:s23+$0x4430]  }
0x125: {  	v48 =	vld [tilespmem:s23+$0xC430]  }
0x126: {  	v49 =	vld [tilespmem:s23+$0x4440]  }
0x127: {  	v50 =	vld [tilespmem:s23+$0xC440]  }
0x128: {  	v51 =	vld [tilespmem:s23+$0x4450]  }
0x129: {  	v52 =	vld [tilespmem:s23+$0xC450]  }
0x12a: {  	v53 =	vld [tilespmem:s23+$0x4460]  }
0x12b: {  	v54 =	vld [tilespmem:s23+$0xC460]  }
0x12c: {  	v55 =	vld [tilespmem:s23+$0x4470]  }
0x12d: {  	v56 =	vld [tilespmem:s23+$0xC470]  }
0x12e: {  	v57 =	vld [tilespmem:s23+$0x4000]  }
0x12f: {  	v59 =	vld [tilespmem:s23+$0xC000]  }
0x130: {  	v11 =	vmul.f32 v11, v11;
	v61 =	vld [tilespmem:s23+$0x4010]  }
0x131: {  	v62 =	vld [tilespmem:s23+$0xC010]  }
0x132: {  	v9 =	vmul.f32 v9, v9;
	v58 =	vsub.f32 v24, v20;
	[tilespmem:$0x1FF30] =	vst v1;
	v1 =	vld [tilespmem:s23+$0xC020];
	v4 =	vadd.f32 v11, v4  }
0x133: {  	v60 =	vsub.f32 v19, v25;
	v2 =	vld [tilespmem:s23+$0x4030];
	v26 =	vsub.f32 v26, v6  }
0x134: {  	v11 =	vld [tilespmem:s29+$0x0];
	v7 =	vadd.f32 v13, v7;
	v4 =	vadd.f32 v9, v4  }
0x135: {  	v6 =	vmul.f32 v60, v60;
	v60 =	vld [tilespmem:s23+$0xC060];
	v21 =	vsub.f32 v21, v22;
	v3 =	vadd.f32 v27, v0  }
0x136: {  	v13 =	vld [tilespmem:s30+$0x8000];
	v17 =	vsub.f32 v14, v17;
	v18 =	vsub.f32 v18, v28  }
0x137: {  	v9 =	vld [tilespmem:s30+$0x0];
	v30 =	vsub.f32 v29, v30;
	v31 =	vsub.f32 v31, v32  }
0x138: {  	v16 =	vmul.f32 v16, v16;
	v27 =	vld [tilespmem:s26+$0x8000];
	v32 =	vsub.f32 v33, v34;
	v34 =	vsub.f32 v35, v36  }
0x139: {  	v33 =	vld [tilespmem:s23+$0xC030];
	v41 =	vsub.f32 v41, v42;
	v25 =	vsub.f32 v45, v46  }
0x13a: {  	v12 =	vmul.f32 v12, v12;
	v24 =	vsub.f32 v47, v48;
	v3 =	vadd.f32 v16, v3;
	v16 =	vld [tilespmem:s28+$0x8000]  }
0x13b: {  	v10 =	vmul.f32 v10, v10;
	v42 =	vld [tilespmem:s23+$0x4050];
	v20 =	vsub.f32 v49, v50;
	v19 =	vsub.f32 v51, v52  }
0x13c: {  	v22 =	vmul.f32 v26, v26;
	v59 =	vsub.f32 v57, v59;
	v3 =	vadd.f32 v12, v3;
	v12 =	vld [tilespmem:s29+$0x8000]  }
0x13d: {  	v50 =	vld [tilespmem:s23+$0xC050];
	v21 =	vmul.f32 v21, v21;
	v62 =	vsub.f32 v61, v62;
	v29 =	vmul.f32 v17, v17  }
0x13e: {  	v28 =	vmul.f32 v18, v18;
	v26 =	vmul.f32 v31, v31;
	v0 =	vadd.f32 v10, v3;
	v3 =	vld [tilespmem:s23+$0x4040]  }
0x13f: {  	v18 =	vmul.f32 v32, v32;
	v63 =	vsub.f32 v15, v16;
	v16 =	vsub.f32 v53, v54;
	v54 =	vld [tilespmem:s23+$0x4060]  }
0x140: {  	v17 =	vmul.f32 v34, v34;
	v9 =	vsub.f32 v9, v13;
	v27 =	vsub.f32 v23, v27;
	[tilespmem:$0x1FF60] =	vst v0;
	v0 =	vld [tilespmem:s23+$0x4020]  }
0x141: {  	p0 =	sne.s32 s22, $0x3E00;
	v34 =	vmul.f32 v41, v41;
	v10 =	vsub.f32 v11, v12;
	v11 =	vsub.f32 v39, v40;
	v39 =	vld [tilespmem:s23+$0xC040]  }
.Ltmp1:
0x142: {  	v23 =	vmul.f32 v58, v58;
	v15 =	vsub.f32 v55, v56;
	v14 =	vmul.f32 v27, v27;
	(pc) =	sbr.rel @p0 .LBB2_4-.Ltmp1, $4  }
0x143: {  	v27 =	vmul.f32 v30, v30;
	v30 =	vsub.f32 v42, v50;
	v40 =	vsub.f32 v43, v44  }
0x144: {  	v36 =	vld [tilespmem:s23+$0x4070];
	v12 =	vsub.f32 v37, v38;
	v13 =	vmul.f32 v63, v63;
	v37 =	vsub.f32 v2, v33  }
0x145: {  	v38 =	vld [tilespmem:s23+$0xC070];
	v33 =	vmul.f32 v40, v40;
	v40 =	vmul.f32 v59, v59;
	v32 =	vsub.f32 v54, v60  }
0x146: {  	s22 =	sadd.s32 $0x200, s22;
	v35 =	vsub.f32 v0, v1;
	v1 =	vld [tilespmem:$0x1FF30];
	v31 =	vsub.f32 v3, v39;
	v39 =	vmul.f32 v62, v62  }
0x147: {  	_ =	swait.ge [sflag:s14], $0x4000  }
0x148: {  	[sflag:s14] =	ssyncset.done $0x0  }
0x149: {  	[sflag:s14] =	ssyncadd.s32 $0xFFFFC000  }
0x14a: {  	_ =	swait.ge [sflag:s14], $0x4000  }
0x14b: {  	[sflag:s14] =	ssyncset.done $0x0  }
0x14c: {  	s21 =	simm.s32 $0x0;
	[sflag:s14] =	ssyncadd.s32 $0xFFFFC000  }
0x14d: {  	[tilespmem:s15], [sflag:$0x2] =	stream.linear.gather [hbm4b:s9+s21], $0x4000, $0x38;
	[tilespmem:$0x10080] =	vst v63  }
0x14e: {  	_ = 	snop  }
0x14f: {  	[tilespmem:s16], [sflag:$0x2] =	stream.linear.gather [hbm4b:s10+s21], $0x4000, $0x38;
	[tilespmem:$0x10080] =	vst v63  }
0x150: {  	s22 =	sand.u32 $0x3000, s21;
	s21 =	sand.u32 $0x380, s21  }
0x151: {  	v1 =	vadd.f32 v40, v1;
	v40 =	vld [tilespmem:$0x1FF40];
	s21 =	sor.u32 s21, s22  }
0x152: {  	v0 =	vld [tilespmem:s21+$0xC00];
	_ =	sdelay $0x3  }
0x153: {  	v3 =	vmul.f32 v37, v37;
	v37 =	vadd.f32 v39, v40;
	v40 =	vld [tilespmem:$0x1FF50]  }
0x154: {  	[tilespmem:$0x1FED0] =	vst v0;
	v0 =	vld [tilespmem:s21+$0x8C00]  }
0x155: {  	v47 =	vld [tilespmem:s21+$0x8C20]  }
0x156: {  	v48 =	vld [tilespmem:s21+$0x8C30]  }
0x157: {  	v49 =	vld [tilespmem:s21+$0xC40]  }
0x158: {  	v50 =	vld [tilespmem:s21+$0x8C40]  }
0x159: {  	[tilespmem:$0x1FEE0] =	vst v0;
	v0 =	vld [tilespmem:s21+$0xC10]  }
0x15a: {  	v51 =	vld [tilespmem:s21+$0xC50]  }
0x15b: {  	v52 =	vld [tilespmem:s21+$0x8C50]  }
0x15c: {  	v53 =	vld [tilespmem:s21+$0xC60]  }
0x15d: {  	v54 =	vld [tilespmem:s21+$0x8C60]  }
0x15e: {  	[tilespmem:$0x1FEF0] =	vst v0;
	v0 =	vld [tilespmem:s21+$0x8C10]  }
0x15f: {  	v55 =	vld [tilespmem:s21+$0xC70]  }
0x160: {  	v56 =	vld [tilespmem:s21+$0x8C70]  }
0x161: {  	v57 =	vld [tilespmem:s21+$0x800]  }
0x162: {  	v58 =	vld [tilespmem:s21+$0x8800]  }
0x163: {  	[tilespmem:$0x1FF00] =	vst v0;
	v0 =	vld [tilespmem:s21+$0xC20]  }
0x164: {  	v59 =	vld [tilespmem:s21+$0x810]  }
0x165: {  	v60 =	vld [tilespmem:s21+$0x8810]  }
0x166: {  	v61 =	vld [tilespmem:s21+$0x820]  }
0x167: {  	v62 =	vld [tilespmem:s21+$0x8820]  }
0x168: {  	[tilespmem:$0x1FF10] =	vst v0;
	v0 =	vld [tilespmem:s21+$0xC30]  }
0x169: {  	v63 =	vld [tilespmem:s21+$0x830]  }
0x16a: {  	v46 =	vld [tilespmem:s21+$0x8830]  }
0x16b: {  	v45 =	vld [tilespmem:s21+$0x840]  }
0x16c: {  	v2 =	vsub.f32 v36, v38;
	v41 =	vld [tilespmem:s21+$0x8840]  }
0x16d: {  	v24 =	vmul.f32 v24, v24;
	v44 =	vld [tilespmem:s21+$0x850];
	[tilespmem:$0x1FF20] =	vst v0;
	v0 =	vmul.f32 v35, v35  }
0x16e: {  	v2 =	vmul.f32 v2, v2;
	v1 =	vadd.f32 v34, v1;
	v42 =	vld [tilespmem:s21+$0x8850];
	v3 =	vadd.f32 v3, v40  }
0x16f: {  	v43 =	vld [tilespmem:s21+$0x860];
	v33 =	vadd.f32 v33, v37;
	v0 =	vadd.f32 v0, v5;
	v5 =	vmul.f32 v25, v25  }
0x170: {  	v2 =	vadd.f32 v2, v4;
	v36 =	vld [tilespmem:s21+$0x870];
	v3 =	vadd.f32 v24, v3  }
0x171: {  	v34 =	vld [tilespmem:s21+$0x400];
	v28 =	vadd.f32 v28, v33;
	v0 =	vadd.f32 v5, v0  }
0x172: {  	v1 =	vadd.f32 v29, v1;
	v29 =	vld [tilespmem:s21+$0x8410];
	v3 =	vadd.f32 v26, v3  }
0x173: {  	v4 =	vmul.f32 v15, v15;
	v15 =	vld [tilespmem:s21+$0x8440];
	v27 =	vadd.f32 v27, v0;
	v0 =	vadd.f32 v6, v28  }
0x174: {  	v39 =	vld [tilespmem:s21+$0x10]  }
0x175: {  	v37 =	vld [tilespmem:s21+$0x8400];
	[tilespmem:$0x1FEA0] =	vst v0;
	v0 =	vadd.f32 v21, v3  }
0x176: {  	v38 =	vsub.f32 v49, v50;
	v49 =	vld [tilespmem:s21+$0x20]  }
0x177: {  	[tilespmem:$0x1FEB0] =	vst v0;
	v0 =	vld [tilespmem:$0x1FF60]  }
0x178: {  	v40 =	vsub.f32 v51, v52;
	v52 =	vld [tilespmem:s21+$0x8020]  }
0x179: {  	v41 =	vsub.f32 v45, v41;
	v45 =	vld [tilespmem:s21+$0x30]  }
0x17a: {  	v50 =	vsub.f32 v59, v60;
	v60 =	vld [tilespmem:s21+$0x50];
	v26 =	vmul.f32 v31, v31;
	v3 =	vmul.f32 v32, v32  }
0x17b: {  	v20 =	vmul.f32 v20, v20;
	v51 =	vsub.f32 v61, v62;
	v61 =	vld [tilespmem:s21+$0x8050]  }
0x17c: {  	v16 =	vmul.f32 v16, v16;
	v62 =	vld [tilespmem:s21+$0x60];
	v8 =	vadd.f32 v26, v8;
	v3 =	vadd.f32 v3, v0  }
0x17d: {  	v46 =	vsub.f32 v63, v46;
	v63 =	vld [tilespmem:s21+$0x8060]  }
0x17e: {  	v12 =	vmul.f32 v12, v12;
	v24 =	vld [tilespmem:s21+$0x410];
	v8 =	vadd.f32 v20, v8;
	v3 =	vadd.f32 v16, v3  }
0x17f: {  	v26 =	vld [tilespmem:s21+$0x8430]  }
0x180: {  	v10 =	vmul.f32 v10, v10;
	v8 =	vadd.f32 v18, v8;
	v18 =	vld [tilespmem:s21+$0x8450];
	v3 =	vadd.f32 v12, v3  }
0x181: {  	v35 =	vld [tilespmem:s21+$0x8860]  }
0x182: {  	v25 =	vld [tilespmem:s21+$0x8870];
	v0 =	vadd.f32 v10, v3  }
0x183: {  	v5 =	vadd.f32 v23, v1;
	v1 =	vld [tilespmem:$0x1FEE0]  }
0x184: {  	[tilespmem:$0x1FEC0] =	vst v0;
	v0 =	vld [tilespmem:$0x1FED0]  }
0x185: {  	v23 =	vld [tilespmem:s21+$0x420]  }
0x186: {  	v28 =	vmul.f32 v30, v30;
	v6 =	vadd.f32 v22, v27;
	v22 =	vld [tilespmem:s21+$0x8420]  }
0x187: {  	v21 =	vld [tilespmem:s21+$0x430]  }
0x188: {  	v19 =	vmul.f32 v19, v19;
	v7 =	vadd.f32 v28, v7;
	v27 =	vld [tilespmem:s21+$0x440]  }
0x189: {  	v20 =	vsub.f32 v0, v1;
	v0 =	vld [tilespmem:$0x1FEF0]  }
0x18a: {  	v7 =	vadd.f32 v19, v7;
	v1 =	vld [tilespmem:$0x1FF00]  }
0x18b: {  	v2 =	vadd.f32 v4, v2;
	v4 =	vmul.f32 v11, v11;
	v28 =	vld [tilespmem:s21+$0x0]  }
0x18c: {  	v42 =	vsub.f32 v44, v42;
	v32 =	vld [tilespmem:s21+$0x8000];
	v11 =	vadd.f32 v17, v7  }
0x18d: {  	v17 =	vadd.f32 v4, v2;
	v7 =	vadd.f32 v14, v8;
	v14 =	vld [tilespmem:s21+$0x8460]  }
0x18e: {  	v4 =	vadd.f32 v13, v11;
	v11 =	vsub.f32 v43, v35;
	v43 =	vld [tilespmem:s21+$0x8030]  }
0x18f: {  	v34 =	vsub.f32 v34, v37;
	v30 =	vsub.f32 v0, v1;
	v0 =	vld [tilespmem:$0x1FF10]  }
0x190: {  	v44 =	vsub.f32 v24, v29;
	v8 =	vsub.f32 v55, v56;
	v16 =	vld [tilespmem:s21+$0x450]  }
0x191: {  	v9 =	vmul.f32 v9, v9;
	v24 =	vsub.f32 v21, v26;
	v19 =	vsub.f32 v27, v15;
	v12 =	vld [tilespmem:s21+$0x460]  }
0x192: {  	v34 =	vmul.f32 v34, v34;
	v32 =	vsub.f32 v28, v32;
	v13 =	vld [tilespmem:s21+$0x470];
	v35 =	vsub.f32 v49, v52  }
0x193: {  	v27 =	vmul.f32 v50, v50;
	v37 =	vsub.f32 v45, v43;
	v3 =	vadd.f32 v9, v17;
	v17 =	vld [tilespmem:s21+$0x8470]  }
0x194: {  	v28 =	vmul.f32 v51, v51;
	v9 =	vsub.f32 v53, v54;
	v31 =	vsub.f32 v0, v47;
	v0 =	vld [tilespmem:$0x1FF20]  }
0x195: {  	v26 =	vmul.f32 v46, v46;
	v10 =	vsub.f32 v36, v25;
	v25 =	vsub.f32 v23, v22;
	v47 =	vld [tilespmem:s21+$0x8010]  }
0x196: {  	v36 =	vld [tilespmem:s21+$0x40];
	v18 =	vsub.f32 v16, v18;
	v16 =	vmul.f32 v42, v42;
	v15 =	vsub.f32 v12, v14  }
0x197: {  	v53 =	vld [tilespmem:s21+$0x8040];
	v12 =	vmul.f32 v40, v40;
	v40 =	vmul.f32 v32, v32;
	v32 =	vsub.f32 v62, v63  }
0x198: {  	v14 =	vsub.f32 v13, v17;
	v13 =	vmul.f32 v38, v38;
	v17 =	vmul.f32 v41, v41  }
0x199: {  	v22 =	vmul.f32 v20, v20;
	v33 =	vsub.f32 v0, v48;
	v48 =	vsub.f32 v57, v58  }
0x19a: {  	v20 =	vmul.f32 v30, v30;
	v23 =	vmul.f32 v31, v31;
	v39 =	vsub.f32 v39, v47  }
0x19b: {  	v38 =	vld [tilespmem:s21+$0x8070];
	v30 =	vsub.f32 v60, v61;
	v21 =	vmul.f32 v33, v33;
	v29 =	vmul.f32 v48, v48  }
0x19c: {  	s22 =	simm.s32 $0x200;
	v31 =	vsub.f32 v36, v53;
	v36 =	vld [tilespmem:s21+$0x70];
	s21 =	simm.s32 $0x80;
	v33 =	vmul.f32 v44, v44;
	v39 =	vmul.f32 v39, v39  }
.LBB2_6:
0x19d: {  	s23 =	sand.u32 $0x3000, s22;
	s24 =	sand.u32 $0x380, s21;
	v0 =	vld [tilespmem:$0x1FEA0]  }
0x19e: {  	v1 =	vld [tilespmem:$0x1FEB0];
	s23 =	sor.u32 s24, s23  }
0x19f: {  	v60 =	vmul.f32 v25, v25;
	v25 =	vld [tilespmem:s23+$0xC00]  }
0x1a0: {  	v61 =	vmul.f32 v24, v24;
	v24 =	vld [tilespmem:s23+$0x8C00]  }
0x1a1: {  	v62 =	vmul.f32 v19, v19;
	v19 =	vld [tilespmem:s23+$0xC10]  }
0x1a2: {  	v63 =	vld [tilespmem:s23+$0x8C10]  }
0x1a3: {  	v5 =	vadd.f32 v40, v5;
	v40 =	vld [tilespmem:s23+$0x8870]  }
0x1a4: {  	v41 =	vld [tilespmem:s23+$0x400]  }
0x1a5: {  	v42 =	vld [tilespmem:s23+$0x8400]  }
0x1a6: {  	v43 =	vld [tilespmem:s23+$0x410]  }
0x1a7: {  	v44 =	vld [tilespmem:s23+$0x8410]  }
0x1a8: {  	v45 =	vld [tilespmem:s23+$0x420]  }
0x1a9: {  	v46 =	vld [tilespmem:s23+$0x8420]  }
0x1aa: {  	v47 =	vld [tilespmem:s23+$0x430]  }
0x1ab: {  	v48 =	vld [tilespmem:s23+$0x8430]  }
0x1ac: {  	v49 =	vld [tilespmem:s23+$0x440]  }
0x1ad: {  	v50 =	vld [tilespmem:s23+$0x8440]  }
0x1ae: {  	v51 =	vld [tilespmem:s23+$0x450]  }
0x1af: {  	v52 =	vld [tilespmem:s23+$0x8450]  }
0x1b0: {  	v53 =	vld [tilespmem:s23+$0x460]  }
0x1b1: {  	v54 =	vld [tilespmem:s23+$0x8460]  }
0x1b2: {  	v55 =	vld [tilespmem:s23+$0x470]  }
0x1b3: {  	v56 =	vld [tilespmem:s23+$0x8470]  }
0x1b4: {  	v31 =	vmul.f32 v31, v31;
	v57 =	vld [tilespmem:s23+$0x0]  }
0x1b5: {  	v35 =	vmul.f32 v35, v35;
	v59 =	vld [tilespmem:s23+$0x8000]  }
0x1b6: {  	v7 =	vadd.f32 v31, v7;
	v31 =	vld [tilespmem:s23+$0x8830]  }
0x1b7: {  	v6 =	vadd.f32 v35, v6;
	v5 =	vadd.f32 v34, v5;
	v35 =	vld [tilespmem:s23+$0x850]  }
0x1b8: {  	v37 =	vmul.f32 v37, v37;
	v36 =	vsub.f32 v36, v38;
	v38 =	vld [tilespmem:s23+$0x8860]  }
0x1b9: {  	v5 =	vadd.f32 v29, v5;
	v29 =	vmul.f32 v30, v30;
	v30 =	vld [tilespmem:s23+$0x830]  }
0x1ba: {  	v1 =	vadd.f32 v37, v1;
	v7 =	vadd.f32 v62, v7;
	v37 =	vld [tilespmem:s23+$0x860]  }
0x1bb: {  	v0 =	vadd.f32 v39, v0;
	v39 =	vld [tilespmem:s23+$0x870]  }
0x1bc: {  	v6 =	vadd.f32 v60, v6;
	v7 =	vadd.f32 v17, v7;
	v17 =	vld [tilespmem:s23+$0x8810]  }
0x1bd: {  	v4 =	vadd.f32 v29, v4;
	v29 =	vld [tilespmem:s23+$0x8820]  }
0x1be: {  	v6 =	vadd.f32 v28, v6;
	v28 =	vmul.f32 v32, v32;
	v32 =	vld [tilespmem:s23+$0x840]  }
0x1bf: {  	v0 =	vadd.f32 v33, v0;
	v33 =	vld [tilespmem:s23+$0x8840]  }
0x1c0: {  	v5 =	vadd.f32 v22, v5;
	v22 =	vmul.f32 v36, v36;
	v36 =	vld [tilespmem:s23+$0x8850]  }
0x1c1: {  	v1 =	vadd.f32 v61, v1;
	v61 =	vld [tilespmem:s23+$0x8010]  }
0x1c2: {  	v34 =	vsub.f32 v19, v63;
	v63 =	vld [tilespmem:s23+$0x20]  }
0x1c3: {  	v41 =	vsub.f32 v41, v42;
	v42 =	vld [tilespmem:s23+$0x50]  }
0x1c4: {  	v19 =	vsub.f32 v49, v50;
	v50 =	vld [tilespmem:s23+$0x8050]  }
0x1c5: {  	v0 =	vadd.f32 v27, v0;
	v27 =	vld [tilespmem:s23+$0xC20]  }
0x1c6: {  	v1 =	vadd.f32 v26, v1;
	v26 =	vld [tilespmem:s23+$0x8C20]  }
0x1c7: {  	v18 =	vmul.f32 v18, v18;
	v6 =	vadd.f32 v23, v6;
	v23 =	vld [tilespmem:s23+$0xC40]  }
0x1c8: {  	v3 =	vadd.f32 v22, v3;
	v22 =	vld [tilespmem:s23+$0x8C40]  }
0x1c9: {  	v4 =	vadd.f32 v18, v4;
	v18 =	vld [tilespmem:s23+$0xC50]  }
0x1ca: {  	v7 =	vadd.f32 v13, v7;
	v13 =	vld [tilespmem:s23+$0x8800]  }
0x1cb: {  	v14 =	vmul.f32 v14, v14;
	v30 =	vsub.f32 v30, v31;
	v31 =	vld [tilespmem:s23+$0x8030]  }
0x1cc: {  	v0 =	vadd.f32 v20, v0;
	v20 =	vld [tilespmem:s23+$0xC30]  }
0x1cd: {  	v3 =	vadd.f32 v14, v3;
	v14 =	vld [tilespmem:s23+$0x8C50]  }
0x1ce: {  	v4 =	vadd.f32 v16, v4;
	v16 =	vld [tilespmem:s23+$0x810];
	[tilespmem:$0x1FEA0] =	vst v0;
	v0 =	vadd.f32 v21, v1  }
0x1cf: {  	v10 =	vmul.f32 v10, v10;
	v58 =	vsub.f32 v25, v24;
	v21 =	vld [tilespmem:s23+$0x8C30]  }
0x1d0: {  	v25 =	vsub.f32 v45, v46;
	v24 =	vsub.f32 v47, v48;
	[tilespmem:$0x1FEB0] =	vst v0;
	v0 =	vld [tilespmem:$0x1FEC0]  }
0x1d1: {  	v32 =	vsub.f32 v32, v33;
	v3 =	vadd.f32 v10, v3;
	v10 =	vld [tilespmem:s23+$0x8C60]  }
0x1d2: {  	v8 =	vmul.f32 v8, v8;
	v33 =	vsub.f32 v35, v36;
	v4 =	vadd.f32 v12, v4;
	v12 =	vld [tilespmem:s23+$0x800]  }
0x1d3: {  	v1 =	vld [tilespmem:s23+$0x8020];
	v26 =	vsub.f32 v27, v26;
	v60 =	vsub.f32 v23, v22  }
0x1d4: {  	v27 =	vld [tilespmem:s23+$0x10];
	v22 =	vmul.f32 v58, v58;
	v58 =	vsub.f32 v57, v59;
	v3 =	vadd.f32 v8, v3  }
0x1d5: {  	v15 =	vmul.f32 v15, v15;
	v62 =	vsub.f32 v18, v14;
	v2 =	vadd.f32 v28, v0;
	v28 =	vld [tilespmem:s23+$0x820]  }
0x1d6: {  	v59 =	vld [tilespmem:s23+$0x8060];
	v16 =	vsub.f32 v16, v17;
	v18 =	vsub.f32 v51, v52  }
0x1d7: {  	v11 =	vmul.f32 v11, v11;
	v14 =	vsub.f32 v55, v56;
	v2 =	vadd.f32 v15, v2;
	v15 =	vld [tilespmem:s23+$0xC60]  }
0x1d8: {  	v8 =	vld [tilespmem:s23+$0x8C70];
	v23 =	vmul.f32 v26, v26;
	v26 =	vmul.f32 v30, v30;
	v30 =	vsub.f32 v42, v50  }
0x1d9: {  	v9 =	vmul.f32 v9, v9;
	v21 =	vsub.f32 v20, v21;
	v2 =	vadd.f32 v11, v2;
	v11 =	vld [tilespmem:s23+$0xC70]  }
0x1da: {  	v20 =	vmul.f32 v34, v34;
	v35 =	vsub.f32 v63, v1;
	v17 =	vsub.f32 v28, v29;
	v28 =	vld [tilespmem:s23+$0x30]  }
0x1db: {  	v34 =	vmul.f32 v41, v41;
	v61 =	vsub.f32 v27, v61;
	v0 =	vadd.f32 v9, v2;
	v2 =	vld [tilespmem:s23+$0x40]  }
0x1dc: {  	v27 =	vmul.f32 v16, v16;
	v9 =	vsub.f32 v15, v10;
	v10 =	vsub.f32 v39, v40;
	v39 =	vld [tilespmem:s23+$0x8040]  }
0x1dd: {  	p0 =	sne.s32 s22, $0x3E00;
	v16 =	vmul.f32 v33, v33;
	v40 =	vsub.f32 v43, v44;
	v15 =	vsub.f32 v53, v54;
	v54 =	vld [tilespmem:s23+$0x60]  }
.Ltmp2:
0x1de: {  	v21 =	vmul.f32 v21, v21;
	[tilespmem:$0x1FEC0] =	vst v0;
	v0 =	vsub.f32 v12, v13;
	v13 =	vmul.f32 v60, v60;
	(pc) =	sbr.rel @p0 .LBB2_6-.Ltmp2, $4  }
0x1df: {  	v12 =	vmul.f32 v62, v62;
	v8 =	vsub.f32 v11, v8;
	v33 =	vmul.f32 v40, v40  }
0x1e0: {  	v11 =	vsub.f32 v37, v38;
	v40 =	vmul.f32 v58, v58;
	v29 =	vmul.f32 v0, v0  }
0x1e1: {  	v36 =	vld [tilespmem:s23+$0x70];
	v37 =	vsub.f32 v28, v31;
	v28 =	vmul.f32 v17, v17;
	v17 =	vmul.f32 v32, v32  }
0x1e2: {  	s21 =	sadd.s32 $0x80, s21;
	s22 =	sadd.s32 $0x200, s22;
	v38 =	vld [tilespmem:s23+$0x8070];
	v31 =	vsub.f32 v2, v39;
	v39 =	vmul.f32 v61, v61;
	v32 =	vsub.f32 v54, v59  }
0x1e3: {  	_ =	swait.ge [sflag:s17], $0x4000  }
0x1e4: {  	[sflag:s17] =	ssyncset.done $0x0  }
0x1e5: {  	s21 =	simm.s32 $0x0;
	[sflag:s17] =	ssyncadd.s32 $0xFFFFC000  }
0x1e6: {  	s22 =	sand.u32 $0xFFFFF000, s21;
	_ =	swait.ge [sflag:s17], $0x4000  }
0x1e7: {  	s22 =	sadd.s32 $0x0, s22;
	[sflag:s17] =	ssyncset.done $0x0  }
0x1e8: {  	s23 =	sor.u32 $0x4C00, s22;
	[sflag:s17] =	ssyncadd.s32 $0xFFFFC000  }
0x1e9: {  	v0 =	vld [tilespmem:s23+$0x0];
	_ =	sdelay $0x4  }
0x1ea: {  	[tilespmem:$0x1FE40] =	vst v0;
	v0 =	vld [tilespmem:s23+$0x8000];
	_ =	sdelay $0x3  }
0x1eb: {  	s31 =	sor.u32 $0x4C10, s22  }
0x1ec: {  	[tilespmem:$0x1FE50] =	vst v0;
	v0 =	vld [tilespmem:s31+$0x0];
	_ =	sdelay $0x1  }
0x1ed: {  	v1 =	vadd.f32 v40, v5;
	s25 =	sor.u32 $0x4C30, s22;
	v40 =	vld [tilespmem:$0x1FEA0]  }
0x1ee: {  	v47 =	vld [tilespmem:s25+$0x0]  }
0x1ef: {  	v48 =	vld [tilespmem:s25+$0x8000]  }
0x1f0: {  	s26 =	sor.u32 $0x4C40, s22;
	[tilespmem:$0x1FE60] =	vst v0;
	v0 =	vld [tilespmem:s31+$0x8000]  }
0x1f1: {  	v49 =	vld [tilespmem:s26+$0x0]  }
0x1f2: {  	s28 =	sor.u32 $0x4C50, s22;
	v50 =	vld [tilespmem:s26+$0x8000]  }
0x1f3: {  	v51 =	vld [tilespmem:s28+$0x0]  }
0x1f4: {  	s24 =	sor.u32 $0x4C20, s22;
	v52 =	vld [tilespmem:s28+$0x8000]  }
0x1f5: {  	s29 =	sor.u32 $0x4C60, s22;
	[tilespmem:$0x1FE70] =	vst v0;
	v0 =	vld [tilespmem:s24+$0x0]  }
0x1f6: {  	v53 =	vld [tilespmem:s29+$0x0]  }
0x1f7: {  	s30 =	sor.u32 $0x4C70, s22;
	v54 =	vld [tilespmem:s29+$0x8000]  }
0x1f8: {  	v55 =	vld [tilespmem:s30+$0x0]  }
0x1f9: {  	v56 =	vld [tilespmem:s30+$0x8000]  }
0x1fa: {  	s31 =	sand.u32 $0x3000, s21;
	[tilespmem:$0x1FE80] =	vst v0;
	v0 =	vld [tilespmem:s24+$0x8000];
	s24 =	sand.u32 $0x380, s21  }
0x1fb: {  	v5 =	vmul.f32 v37, v37;
	v37 =	vadd.f32 v39, v40;
	v40 =	vld [tilespmem:$0x1FEB0];
	s22 =	sor.u32 s24, s31  }
0x1fc: {  	v57 =	vld [tilespmem:s22+$0x4800]  }
0x1fd: {  	v58 =	vld [tilespmem:s22+$0xC800]  }
0x1fe: {  	v59 =	vld [tilespmem:s22+$0x4810]  }
0x1ff: {  	v60 =	vld [tilespmem:s22+$0xC810]  }
0x200: {  	v61 =	vld [tilespmem:s22+$0x4820]  }
0x201: {  	v62 =	vld [tilespmem:s22+$0xC820]  }
0x202: {  	v63 =	vld [tilespmem:s22+$0x4830]  }
0x203: {  	v46 =	vld [tilespmem:s22+$0xC830]  }
0x204: {  	v45 =	vld [tilespmem:s22+$0x4840]  }
0x205: {  	v41 =	vld [tilespmem:s22+$0xC840]  }
0x206: {  	v44 =	vld [tilespmem:s22+$0x4850]  }
0x207: {  	v1 =	vadd.f32 v34, v1;
	v42 =	vld [tilespmem:s22+$0xC850]  }
0x208: {  	v2 =	vsub.f32 v36, v38;
	v43 =	vld [tilespmem:s22+$0x4860]  }
0x209: {  	v1 =	vadd.f32 v29, v1;
	v29 =	vmul.f32 v31, v31;
	v36 =	vld [tilespmem:s22+$0x4870]  }
0x20a: {  	v24 =	vmul.f32 v24, v24;
	v2 =	vmul.f32 v2, v2;
	v5 =	vadd.f32 v5, v40;
	v34 =	vld [tilespmem:s22+$0x4400]  }
0x20b: {  	v19 =	vmul.f32 v19, v19;
	v7 =	vadd.f32 v29, v7;
	v33 =	vadd.f32 v33, v37;
	v37 =	vld [tilespmem:s22+$0xC400]  }
0x20c: {  	v2 =	vadd.f32 v2, v3;
	v3 =	vmul.f32 v14, v14;
	v5 =	vadd.f32 v24, v5;
	v24 =	vld [tilespmem:s22+$0x4410]  }
0x20d: {  	v14 =	vld [tilespmem:s22+$0xC440]  }
0x20e: {  	v7 =	vadd.f32 v19, v7;
	v2 =	vadd.f32 v3, v2;
	v3 =	vmul.f32 v10, v10;
	v19 =	vld [tilespmem:s22+$0xC450]  }
0x20f: {  	v29 =	vld [tilespmem:s22+$0xC470];
	[tilespmem:$0x1FE90] =	vst v0;
	v0 =	vmul.f32 v35, v35  }
0x210: {  	v8 =	vmul.f32 v8, v8;
	v2 =	vadd.f32 v3, v2;
	v31 =	vld [tilespmem:s22+$0x4000]  }
0x211: {  	v39 =	vsub.f32 v47, v48;
	v38 =	vld [tilespmem:s22+$0xC000];
	v0 =	vadd.f32 v0, v6;
	v6 =	vmul.f32 v25, v25  }
0x212: {  	v48 =	vsub.f32 v51, v52;
	v2 =	vadd.f32 v8, v2;
	v47 =	vld [tilespmem:s22+$0x4010]  }
0x213: {  	v40 =	vsub.f32 v49, v50;
	v49 =	vld [tilespmem:s22+$0xC010];
	v0 =	vadd.f32 v6, v0  }
0x214: {  	v8 =	vsub.f32 v55, v56;
	v51 =	vld [tilespmem:s22+$0x4020];
	v6 =	vadd.f32 v27, v33  }
0x215: {  	v55 =	vld [tilespmem:s22+$0x4050];
	v27 =	vadd.f32 v28, v0;
	v0 =	vadd.f32 v22, v1  }
0x216: {  	v35 =	vld [tilespmem:s22+$0xC860]  }
0x217: {  	v25 =	vld [tilespmem:s22+$0xC870];
	[tilespmem:$0x1FE00] =	vst v0;
	v0 =	vadd.f32 v20, v6  }
0x218: {  	v26 =	vadd.f32 v26, v5;
	v41 =	vsub.f32 v45, v41;
	v45 =	vld [tilespmem:s22+$0x4030]  }
0x219: {  	v42 =	vsub.f32 v44, v42;
	v44 =	vld [tilespmem:s22+$0xC040];
	[tilespmem:$0x1FE10] =	vst v0;
	v0 =	vadd.f32 v23, v27  }
0x21a: {  	v52 =	vsub.f32 v59, v60;
	v60 =	vld [tilespmem:s22+$0xC050]  }
0x21b: {  	v46 =	vsub.f32 v63, v46;
	v63 =	vld [tilespmem:s22+$0xC060];
	[tilespmem:$0x1FE20] =	vst v0;
	v0 =	vadd.f32 v21, v26  }
0x21c: {  	v28 =	vld [tilespmem:s22+$0xC410]  }
0x21d: {  	[tilespmem:$0x1FE30] =	vst v0;
	v0 =	vld [tilespmem:$0x1FEC0]  }
0x21e: {  	v22 =	vld [tilespmem:s22+$0x4420];
	v20 =	vmul.f32 v30, v30  }
0x21f: {  	v1 =	vld [tilespmem:$0x1FE50]  }
0x220: {  	v18 =	vmul.f32 v18, v18;
	v23 =	vld [tilespmem:s22+$0xC420];
	v4 =	vadd.f32 v20, v4;
	v21 =	vmul.f32 v32, v32  }
0x221: {  	v20 =	vld [tilespmem:s22+$0xC430]  }
0x222: {  	v4 =	vadd.f32 v18, v4;
	v21 =	vadd.f32 v21, v0;
	v0 =	vld [tilespmem:$0x1FE40]  }
0x223: {  	v27 =	vld [tilespmem:s22+$0x4440]  }
0x224: {  	v7 =	vadd.f32 v17, v7;
	v26 =	vld [tilespmem:s22+$0x4430];
	v10 =	vadd.f32 v16, v4  }
0x225: {  	v50 =	vsub.f32 v57, v58;
	v18 =	vld [tilespmem:s22+$0x4450]  }
0x226: {  	v15 =	vmul.f32 v15, v15;
	v4 =	vadd.f32 v13, v7;
	v7 =	vadd.f32 v12, v10;
	v12 =	vld [tilespmem:s22+$0x4470]  }
0x227: {  	v34 =	vsub.f32 v34, v37;
	v30 =	vsub.f32 v0, v1;
	v0 =	vld [tilespmem:$0x1FE60]  }
0x228: {  	v11 =	vmul.f32 v11, v11;
	v47 =	vsub.f32 v47, v49;
	v15 =	vadd.f32 v15, v21;
	v1 =	vld [tilespmem:$0x1FE70]  }
0x229: {  	v13 =	vld [tilespmem:s22+$0xC460];
	v17 =	vsub.f32 v27, v14;
	v10 =	vsub.f32 v36, v25  }
0x22a: {  	v9 =	vmul.f32 v9, v9;
	v36 =	vld [tilespmem:s22+$0x4040];
	v16 =	vsub.f32 v26, v20;
	v11 =	vadd.f32 v11, v15  }
0x22b: {  	v34 =	vmul.f32 v34, v34;
	v18 =	vsub.f32 v18, v19;
	v21 =	vsub.f32 v22, v23;
	v15 =	vld [tilespmem:s22+$0x4460]  }
0x22c: {  	v20 =	vmul.f32 v41, v41;
	v3 =	vadd.f32 v9, v11;
	v9 =	vsub.f32 v53, v54;
	v54 =	vld [tilespmem:s22+$0xC020]  }
0x22d: {  	v19 =	vmul.f32 v42, v42;
	v14 =	vsub.f32 v12, v29;
	v32 =	vsub.f32 v0, v1;
	v0 =	vld [tilespmem:$0x1FE80]  }
0x22e: {  	v12 =	vmul.f32 v48, v48;
	v29 =	vmul.f32 v50, v50;
	v53 =	vsub.f32 v61, v62;
	v1 =	vld [tilespmem:$0x1FE90]  }
0x22f: {  	v22 =	vmul.f32 v46, v46;
	v11 =	vsub.f32 v43, v35;
	v35 =	vld [tilespmem:s22+$0xC030];
	v43 =	vsub.f32 v24, v28  }
0x230: {  	v61 =	vld [tilespmem:s22+$0x4060];
	v62 =	vsub.f32 v31, v38;
	v24 =	vmul.f32 v39, v39;
	v28 =	vmul.f32 v52, v52  }
0x231: {  	v31 =	vsub.f32 v36, v44;
	v25 =	vmul.f32 v30, v30;
	v30 =	vsub.f32 v55, v60  }
0x232: {  	v27 =	vmul.f32 v53, v53;
	v39 =	vmul.f32 v62, v62;
	v15 =	vsub.f32 v15, v13  }
0x233: {  	v13 =	vmul.f32 v40, v40;
	v40 =	vmul.f32 v47, v47;
	v33 =	vsub.f32 v0, v1  }
0x234: {  	v36 =	vld [tilespmem:s22+$0x4070];
	v37 =	vsub.f32 v45, v35;
	v35 =	vmul.f32 v43, v43;
	v23 =	vmul.f32 v32, v32  }
0x235: {  	v38 =	vld [tilespmem:s22+$0xC070];
	s22 =	simm.s32 $0x200;
	v32 =	vsub.f32 v61, v63;
	v26 =	vmul.f32 v33, v33;
	v33 =	vsub.f32 v51, v54  }
.LBB2_8:
0x236: {  	v0 =	vld [tilespmem:$0x1FE00]  }
0x237: {  	v1 =	vld [tilespmem:$0x1FE10]  }
0x238: {  	v5 =	vld [tilespmem:$0x1FE20]  }
0x239: {  	v6 =	vld [tilespmem:$0x1FE30];
	_ =	sdelay $0x1  }
0x23a: {  	s23 =	sand.u32 $0xFFFFF000, s22;
	s21 =	sadd.s32 $0x80, s21;
	v33 =	vmul.f32 v33, v33  }
0x23b: {  	v37 =	vmul.f32 v37, v37;
	s23 =	sadd.s32 s23, s21;
	v36 =	vsub.f32 v36, v38;
	v0 =	vadd.f32 v39, v0  }
0x23c: {  	v21 =	vmul.f32 v21, v21;
	s24 =	sor.u32 $0x4C00, s23;
	v1 =	vadd.f32 v40, v1;
	v5 =	vadd.f32 v33, v5  }
0x23d: {  	v47 =	vmul.f32 v16, v16;
	v16 =	vld [tilespmem:s24+$0x0];
	v6 =	vadd.f32 v37, v6;
	v0 =	vadd.f32 v34, v0  }
0x23e: {  	v48 =	vmul.f32 v17, v17;
	s30 =	sor.u32 $0x4C10, s23;
	v17 =	vld [tilespmem:s24+$0x8000];
	v1 =	vadd.f32 v35, v1;
	v5 =	vadd.f32 v21, v5  }
0x23f: {  	v49 =	vmul.f32 v18, v18;
	v18 =	vld [tilespmem:s30+$0x0];
	v6 =	vadd.f32 v47, v6;
	v0 =	vadd.f32 v29, v0  }
0x240: {  	s31 =	sor.u32 $0x4C20, s23;
	v21 =	vld [tilespmem:s30+$0x8000];
	v1 =	vadd.f32 v28, v1;
	v5 =	vadd.f32 v27, v5;
	v27 =	vmul.f32 v32, v32  }
0x241: {  	s26 =	sor.u32 $0x4C40, s23;
	v6 =	vadd.f32 v22, v6;
	v22 =	vld [tilespmem:s31+$0x0];
	v0 =	vadd.f32 v25, v0  }
0x242: {  	v25 =	vmul.f32 v36, v36;
	v3 =	vadd.f32 v27, v3;
	v27 =	vld [tilespmem:s26+$0x8000]  }
0x243: {  	v15 =	vmul.f32 v15, v15;
	v28 =	vmul.f32 v30, v30;
	[tilespmem:$0x1FE00] =	vst v0;
	v0 =	vadd.f32 v23, v1;
	v23 =	vld [tilespmem:s31+$0x8000]  }
0x244: {  	v31 =	vmul.f32 v31, v31;
	s28 =	sor.u32 $0x4C50, s23;
	v2 =	vadd.f32 v25, v2;
	v25 =	vld [tilespmem:s26+$0x0]  }
0x245: {  	v14 =	vmul.f32 v14, v14;
	s25 =	sor.u32 $0x4C30, s23;
	v7 =	vadd.f32 v28, v7;
	v3 =	vadd.f32 v15, v3;
	v15 =	vld [tilespmem:s28+$0x8000]  }
0x246: {  	v11 =	vmul.f32 v11, v11;
	v4 =	vadd.f32 v31, v4;
	[tilespmem:$0x1FE10] =	vst v0;
	v0 =	vadd.f32 v26, v5;
	v26 =	vld [tilespmem:s25+$0x8000]  }
0x247: {  	s29 =	sor.u32 $0x4C60, s23;
	v7 =	vadd.f32 v49, v7;
	v2 =	vadd.f32 v14, v2;
	v14 =	vld [tilespmem:s28+$0x0]  }
0x248: {  	v10 =	vmul.f32 v10, v10;
	v4 =	vadd.f32 v48, v4;
	v3 =	vadd.f32 v11, v3;
	v11 =	vld [tilespmem:s29+$0x8000]  }
0x249: {  	v7 =	vadd.f32 v19, v7;
	[tilespmem:$0x1FE20] =	vst v0;
	v0 =	vadd.f32 v24, v6;
	v24 =	vld [tilespmem:s25+$0x0]  }
0x24a: {  	v8 =	vmul.f32 v8, v8;
	s30 =	sor.u32 $0x4C70, s23;
	v2 =	vadd.f32 v10, v2;
	v10 =	vld [tilespmem:s29+$0x0]  }
0x24b: {  	v4 =	vadd.f32 v20, v4;
	s31 =	sand.u32 $0x3000, s22;
	v7 =	vadd.f32 v12, v7;
	s25 =	sand.u32 $0x380, s21;
	v12 =	vld [tilespmem:s30+$0x8000]  }
0x24c: {  	s23 =	sor.u32 s25, s31;
	v2 =	vadd.f32 v8, v2;
	v8 =	vld [tilespmem:s30+$0x0]  }
0x24d: {  	v4 =	vadd.f32 v13, v4;
	v13 =	vld [tilespmem:s23+$0x4800]  }
0x24e: {  	v19 =	vld [tilespmem:s23+$0xC800]  }
0x24f: {  	v20 =	vld [tilespmem:s23+$0x4810]  }
0x250: {  	v28 =	vld [tilespmem:s23+$0xC810]  }
0x251: {  	v29 =	vld [tilespmem:s23+$0x4820]  }
0x252: {  	v30 =	vld [tilespmem:s23+$0xC820]  }
0x253: {  	v31 =	vld [tilespmem:s23+$0x4830]  }
0x254: {  	v32 =	vld [tilespmem:s23+$0xC830]  }
0x255: {  	v33 =	vld [tilespmem:s23+$0x4840]  }
0x256: {  	v34 =	vld [tilespmem:s23+$0xC840]  }
0x257: {  	v35 =	vld [tilespmem:s23+$0x4850]  }
0x258: {  	v36 =	vld [tilespmem:s23+$0xC850]  }
0x259: {  	v37 =	vld [tilespmem:s23+$0x4860]  }
0x25a: {  	v38 =	vld [tilespmem:s23+$0xC860]  }
0x25b: {  	v39 =	vld [tilespmem:s23+$0x4870]  }
0x25c: {  	v40 =	vld [tilespmem:s23+$0xC870]  }
0x25d: {  	v41 =	vld [tilespmem:s23+$0x4400]  }
0x25e: {  	v42 =	vld [tilespmem:s23+$0xC400]  }
0x25f: {  	v43 =	vld [tilespmem:s23+$0x4410]  }
0x260: {  	v44 =	vld [tilespmem:s23+$0xC410]  }
0x261: {  	v45 =	vld [tilespmem:s23+$0x4420]  }
0x262: {  	v46 =	vld [tilespmem:s23+$0xC420]  }
0x263: {  	v47 =	vld [tilespmem:s23+$0x4430]  }
0x264: {  	v48 =	vld [tilespmem:s23+$0xC430]  }
0x265: {  	v49 =	vld [tilespmem:s23+$0x4440]  }
0x266: {  	v50 =	vld [tilespmem:s23+$0xC440]  }
0x267: {  	v51 =	vld [tilespmem:s23+$0x4450]  }
0x268: {  	v52 =	vld [tilespmem:s23+$0xC450]  }
0x269: {  	v53 =	vld [tilespmem:s23+$0x4460]  }
0x26a: {  	v54 =	vld [tilespmem:s23+$0xC460]  }
0x26b: {  	v55 =	vld [tilespmem:s23+$0x4470]  }
0x26c: {  	v9 =	vmul.f32 v9, v9;
	v56 =	vld [tilespmem:s23+$0xC470]  }
0x26d: {  	v58 =	vsub.f32 v16, v17;
	v60 =	vsub.f32 v18, v21;
	v57 =	vld [tilespmem:s23+$0x4000]  }
0x26e: {  	v3 =	vadd.f32 v9, v3;
	v22 =	vsub.f32 v22, v23;
	v59 =	vld [tilespmem:s23+$0xC000]  }
0x26f: {  	v27 =	vsub.f32 v25, v27;
	v61 =	vld [tilespmem:s23+$0x4010];
	v63 =	vsub.f32 v14, v15  }
0x270: {  	v62 =	vld [tilespmem:s23+$0xC010];
	v24 =	vsub.f32 v24, v26;
	v9 =	vsub.f32 v10, v11  }
0x271: {  	[tilespmem:$0x1FE30] =	vst v0;
	v0 =	vld [tilespmem:s23+$0x4020];
	v19 =	vsub.f32 v13, v19;
	v8 =	vsub.f32 v8, v12  }
0x272: {  	v1 =	vld [tilespmem:s23+$0xC020];
	v20 =	vsub.f32 v20, v28;
	v30 =	vsub.f32 v29, v30  }
0x273: {  	v5 =	vld [tilespmem:s23+$0x4030];
	v31 =	vsub.f32 v31, v32;
	v32 =	vsub.f32 v33, v34  }
0x274: {  	v6 =	vld [tilespmem:s23+$0x4040];
	v35 =	vsub.f32 v35, v36;
	v11 =	vsub.f32 v37, v38  }
0x275: {  	v23 =	vmul.f32 v60, v60;
	v60 =	vld [tilespmem:s23+$0xC060];
	v41 =	vsub.f32 v41, v42;
	v10 =	vsub.f32 v39, v40  }
0x276: {  	v34 =	vld [tilespmem:s23+$0xC030];
	v40 =	vsub.f32 v43, v44;
	v21 =	vsub.f32 v45, v46  }
0x277: {  	v25 =	vmul.f32 v58, v58;
	v39 =	vld [tilespmem:s23+$0xC040];
	v16 =	vsub.f32 v47, v48;
	v17 =	vsub.f32 v49, v50  }
0x278: {  	v26 =	vmul.f32 v22, v22;
	v42 =	vld [tilespmem:s23+$0x4050];
	v18 =	vsub.f32 v51, v52;
	v15 =	vsub.f32 v53, v54  }
0x279: {  	v50 =	vld [tilespmem:s23+$0xC050];
	v14 =	vsub.f32 v55, v56;
	v24 =	vmul.f32 v24, v24;
	v13 =	vmul.f32 v27, v27  }
0x27a: {  	p0 =	sne.s32 s22, $0x3E00;
	v54 =	vld [tilespmem:s23+$0x4060];
	v59 =	vsub.f32 v57, v59;
	v12 =	vmul.f32 v63, v63;
	v29 =	vmul.f32 v19, v19  }
.Ltmp3:
0x27b: {  	v62 =	vsub.f32 v61, v62;
	v28 =	vmul.f32 v20, v20;
	v27 =	vmul.f32 v30, v30;
	(pc) =	sbr.rel @p0 .LBB2_8-.Ltmp3, $4  }
0x27c: {  	v33 =	vsub.f32 v0, v1;
	v22 =	vmul.f32 v31, v31;
	v20 =	vmul.f32 v32, v32  }
0x27d: {  	v19 =	vmul.f32 v35, v35;
	v35 =	vmul.f32 v40, v40;
	v37 =	vsub.f32 v5, v34  }
0x27e: {  	v36 =	vld [tilespmem:s23+$0x4070];
	v40 =	vmul.f32 v62, v62;
	v31 =	vsub.f32 v6, v39;
	v30 =	vsub.f32 v42, v50  }
0x27f: {  	s22 =	sadd.s32 $0x200, s22;
	v38 =	vld [tilespmem:s23+$0xC070];
	v34 =	vmul.f32 v41, v41;
	v39 =	vmul.f32 v59, v59;
	v32 =	vsub.f32 v54, v60  }
0x280: {  	v6 =	vld [tilespmem:$0x1FE00]  }
0x281: {  	v50 =	vld [tilespmem:$0x1FE10]  }
0x282: {  	v51 =	vld [tilespmem:$0x1FE20];
	v53 =	vmul.f32 v31, v31;
	v55 =	vmul.f32 v30, v30  }
0x283: {  	v56 =	vmul.f32 v32, v32  }
0x284: {  	v0 =	vmul.f32 v33, v33;
	v52 =	vld [tilespmem:$0x1FE30];
	v4 =	vadd.f32 v53, v4;
	v7 =	vadd.f32 v55, v7  }
0x285: {  	v17 =	vmul.f32 v17, v17;
	v3 =	vadd.f32 v56, v3;
	v5 =	vsub.f32 v36, v38  }
0x286: {  	v1 =	vmul.f32 v37, v37;
	v6 =	vadd.f32 v39, v6;
	v33 =	vadd.f32 v40, v50  }
0x287: {  	v21 =	vmul.f32 v21, v21;
	v4 =	vadd.f32 v17, v4;
	v0 =	vadd.f32 v0, v51  }
0x288: {  	v6 =	vadd.f32 v34, v6;
	v33 =	vadd.f32 v35, v33  }
0x289: {  	v16 =	vmul.f32 v16, v16;
	v1 =	vadd.f32 v1, v52;
	v0 =	vadd.f32 v21, v0  }
0x28a: {  	v6 =	vadd.f32 v29, v6;
	v54 =	vadd.f32 v28, v33  }
0x28b: {  	v18 =	vmul.f32 v18, v18;
	v1 =	vadd.f32 v16, v1;
	v0 =	vadd.f32 v27, v0  }
0x28c: {  	v6 =	vadd.f32 v25, v6;
	v21 =	vadd.f32 v23, v54  }
0x28d: {  	v15 =	vmul.f32 v15, v15;
	v57 =	vadd.f32 v18, v7;
	v1 =	vadd.f32 v22, v1  }
0x28e: {  	v0 =	vadd.f32 v26, v0;
	v6 =	vadd.f32 v21, v6  }
0x28f: {  	v3 =	vadd.f32 v15, v3;
	v5 =	vmul.f32 v5, v5;
	v4 =	vadd.f32 v20, v4  }
0x290: {  	v58 =	vmul.f32 v14, v14;
	v1 =	vadd.f32 v24, v1;
	v0 =	vadd.f32 v0, v6  }
0x291: {  	v59 =	vmul.f32 v11, v11;
	v2 =	vadd.f32 v5, v2;
	v5 =	vadd.f32 v19, v57  }
0x292: {  	v4 =	vadd.f32 v13, v4;
	v0 =	vadd.f32 v1, v0  }
0x293: {  	v62 =	vmul.f32 v9, v9;
	v3 =	vadd.f32 v59, v3;
	v60 =	vadd.f32 v58, v2  }
0x294: {  	v61 =	vmul.f32 v10, v10;
	v5 =	vadd.f32 v12, v5;
	v0 =	vadd.f32 v4, v0  }
0x295: {  	v3 =	vadd.f32 v62, v3  }
0x296: {  	v63 =	vmul.f32 v8, v8;
	v1 =	vadd.f32 v61, v60;
	v0 =	vadd.f32 v5, v0;
	_ =	sdelay $0x1  }
0x297: {  	v1 =	vadd.f32 v63, v1;
	v0 =	vadd.f32 v3, v0;
	_ =	sdelay $0x1  }
0x298: {  	s20 =	sadd.s32 $0x1, s20;
	v0 =	vadd.f32 v1, v0  }
0x299: {  	p0 =	sne.s32 s20, s12  }
.Ltmp4:
0x29a: {  	[tilespmem:$0x10000] =	vst v0;
	(pc) =	sbr.rel @p0 .LBB2_1-.Ltmp4, $4  }
0x29b: {  	[hbm4b:s11+s2] =	stream.linear.scatter [tilespmem:s18], [sflag:$0x3], $0x80, $0x38;
	[tilespmem:$0x10080] =	vst v63  }
0x29c: {  	_ =	swait.ge [sflag:s19], $0x80  }
0x29d: {  	[sflag:s19] =	ssyncset.done $0x0  }
0x29e: {  	[sflag:s19] =	ssyncadd.s32 $0xFFFFFF80  }
0x29f: {  	_ =	sfence.sel $0x180000  }
0x2a0: {  	[bflag:$0x0] =	sbarrier.arrive $0xFFFF  }
0x2a1: {  	p0 =	sne.s32 s1, $0x0;
	_ =	strace $0x90000047  }
0x2a2: {  	s0 =	sadd.s32 @!p0 $0x100000, s0;
	[bflag:$0x2] =	sbarrier.arrive $0xFFFF  }
0x2a3: {  	[sflag:s0] =	ssyncadd.tile.s32 @!p0 $0x1;
	_ =	shalt  }
.Lfunc_end2:
_tile_overlayer_lowered:
.L_overlay_start_2:
0x2a4: {  	(tag) =	ssettag $0x2  }
0x2a5: {  	s0 =	rddreg [dreg:$0x0];
	s2 =	stileid.u32  }
0x2a6: {  	s1 =	rddreg [dreg:$0x1];
	p0 =	sne.s32 s2, $0x0  }
0x2a7: {  	s3 =	rddreg [dreg:$0x2];
	[bflag:$0x3] =	sbarrier.arrive $0xFFFF;
	s2 =	simm.s32 @!p0 $0x1C03  }
0x2a8: {  	[timem:s3], [sflag:s2] =	dma.local @!p0 [hbm:s0], s1  }
0x2a9: {  	s0 =	simm.s32 @!p0 $0x3  }
0x2aa: {  	_ =	swait.ge @!p0 [sflag:s0], s1  }
0x2ab: {  	s1 =	ssub.s32 @!p0 $0x0, s1;
	[sflag:s0] =	ssyncset.done @!p0 $0x0  }
0x2ac: {  	[sflag:s0] =	ssyncadd.s32 @!p0 s1  }
0x2ad: {  	[bflag:$0x3] =	sbarrier.arrive $0xFFFF  }
0x2ae: {  	_ =	shalt  }

</sc_bundles>
